<compile_context>
chip_gen: v7x
topology: tpu7x:2x2x1
jax: 0.10.2.dev20260603
libtpu: 0.0.44.dev20260713+nightly
codegen_flags: <defaults>
</compile_context>

<pallas_src>
import functools

import ml_dtypes
import numpy as np

import jax
import jax.numpy as jnp
from jax import lax
from jax.experimental import pallas as pl
from jax.experimental.pallas import tpu as pltpu
from jax.experimental.pallas import tpu_sc as plsc

N = 10000
E = 320000
D_IN = 128
D_H = 64
D_OUT = 64
D_AUG = 80

NC, NS = 2, 16
N_PAD = 10240
EPT = 20480
E_PAD = NS * EPT
BIGCHUNK = 512
NBIG = EPT // BIGCHUNK
ROWS_T = N_PAD // NS

_sc_mesh = plsc.VectorSubcoreMesh(
    core_axis_name="c", subcore_axis_name="s", num_cores=NC, num_subcores=NS)
_sc_params = pltpu.CompilerParams(use_tc_tiling_on_sc=False)


def _fill_1d(ref, val, n):
  def body(i, _):
    ref[pl.ds(i * 16, 16)] = jnp.full((16,), val, jnp.float32)
    return 0
  lax.fori_loop(0, n // 16, body, 0, unroll=False)


@functools.partial(
    pl.kernel,
    out_type=(jax.ShapeDtypeStruct((N_PAD,), jnp.float32),
              jax.ShapeDtypeStruct((N_PAD,), jnp.float32)),
    mesh=_sc_mesh,
    scratch_types=(
        pltpu.VMEM((NBIG, BIGCHUNK), jnp.int32),
        pltpu.VMEM((BIGCHUNK,), jnp.float32),
        pltpu.VMEM((ROWS_T,), jnp.float32),
        pltpu.VMEM_SHARED((N_PAD,), jnp.float32),
        pltpu.SemaphoreType.DMA,
    ),
    compiler_params=_sc_params,
)
def _sc_deg(dst_td, dst_bu, deg_td, deg_bu, idx_v, ones_v, zero1_v, sdeg, sem):
  c = lax.axis_index("c")
  s = lax.axis_index("s")
  _fill_1d(ones_v, 1.0, BIGCHUNK)
  _fill_1d(zero1_v, 0.0, ROWS_T)
  pltpu.sync_copy(zero1_v, sdeg.at[pl.ds(s * ROWS_T, ROWS_T)])

  @pl.when(c == 0)
  def _():
    pltpu.sync_copy(dst_td.at[s], idx_v)

  @pl.when(c == 1)
  def _():
    pltpu.sync_copy(dst_bu.at[s], idx_v)

  plsc.subcore_barrier()

  def block(b, _):
    for k in range(8):
      pltpu.async_copy(ones_v, sdeg.at[idx_v.at[b * 8 + k]], sem, add=True)
    for k in range(8):
      pltpu.make_async_copy(ones_v, sdeg.at[idx_v.at[b * 8 + k]], sem).wait()
    return 0
  lax.fori_loop(0, NBIG // 8, block, 0, unroll=False)
  plsc.subcore_barrier()

  @pl.when(c == 0)
  def _():
    pltpu.sync_copy(sdeg.at[pl.ds(s * ROWS_T, ROWS_T)],
                    deg_td.at[pl.ds(s * ROWS_T, ROWS_T)])

  @pl.when(c == 1)
  def _():
    pltpu.sync_copy(sdeg.at[pl.ds(s * ROWS_T, ROWS_T)],
                    deg_bu.at[pl.ds(s * ROWS_T, ROWS_T)])


def _make_edge_pass(width):
  dt = jnp.bfloat16
  out_type = (jax.ShapeDtypeStruct((N_PAD, width), dt),
              jax.ShapeDtypeStruct((N_PAD, width), dt))
  scratch = (
      pltpu.VMEM((NBIG, BIGCHUNK), jnp.int32),
      pltpu.VMEM((NBIG, BIGCHUNK), jnp.int32),
      pltpu.VMEM((BIGCHUNK, width), dt),
      pltpu.VMEM((BIGCHUNK, width), dt),
      pltpu.VMEM_SHARED((N_PAD, width), dt),
      pltpu.SemaphoreType.DMA,
      pltpu.SemaphoreType.DMA,
  )

  def body(z_td, z_bu, src_td, dst_td, src_bu, dst_bu, zrows,
           out_td, out_bu, src_v, dst_v, buf0, buf1, sacc,
           sem0, sem1):
    c = lax.axis_index("c")
    s = lax.axis_index("s")

    def idx(v, j):
      return v.at[j]

    def run(z_hbm, src_hbm, dst_hbm, s_out):
      pltpu.sync_copy(zrows, sacc.at[pl.ds(s * ROWS_T, ROWS_T)])
      pltpu.sync_copy(src_hbm.at[s], src_v)
      pltpu.sync_copy(dst_hbm.at[s], dst_v)
      plsc.subcore_barrier()

      pltpu.async_copy(z_hbm.at[idx(src_v, 0)], buf0, sem0)

      def step(j, buf, sem, nbuf, nsem):
        @pl.when(j + 1 < NBIG)
        def _():
          pltpu.async_copy(z_hbm.at[idx(src_v, j + 1)], nbuf, nsem)
        pltpu.make_async_copy(z_hbm.at[idx(src_v, j)], buf, sem).wait()
        pltpu.sync_copy(buf, sacc.at[idx(dst_v, j)], add=True)

      def pair(i, _):
        step(2 * i, buf0, sem0, buf1, sem1)
        step(2 * i + 1, buf1, sem1, buf0, sem0)
        return 0
      lax.fori_loop(0, NBIG // 2, pair, 0, unroll=False)
      plsc.subcore_barrier()
      pltpu.sync_copy(sacc.at[pl.ds(s * ROWS_T, ROWS_T)],
                      s_out.at[pl.ds(s * ROWS_T, ROWS_T)])

    @pl.when(c == 0)
    def _():
      run(z_td, src_td, dst_td, out_td)

    @pl.when(c == 1)
    def _():
      run(z_bu, src_bu, dst_bu, out_bu)

  return pl.kernel(body, out_type=out_type, mesh=_sc_mesh,
                   scratch_types=scratch, compiler_params=_sc_params)


_sc_pass1 = _make_edge_pass(D_AUG)
_sc_pass2 = _make_edge_pass(D_H)


RB = 2000


def _tc_pre_body(x_ref, degtd_ref, degbu_ref, w1td_ref, w1bu_ref,
                 z1td_ref, z1bu_ref):
  x = x_ref[...]

  def one(degcol, w1, out_ref):
    dinv = lax.rsqrt(degcol + 1.0)
    hi = dinv.astype(jnp.bfloat16)
    lo = (dinv - hi.astype(jnp.float32)).astype(jnp.bfloat16)
    z1 = jnp.dot(x, w1, preferred_element_type=jnp.float32) * dinv
    zeros = jnp.zeros((RB, D_AUG - D_H - 2), jnp.bfloat16)
    out_ref[...] = jnp.concatenate(
        [z1.astype(jnp.bfloat16), hi, lo, zeros], axis=1)

  one(degtd_ref[...], w1td_ref[...], z1td_ref)
  one(degbu_ref[...], w1bu_ref[...], z1bu_ref)


_tc_pre = pl.pallas_call(
    _tc_pre_body,
    grid=(N // RB,),
    in_specs=[
        pl.BlockSpec((RB, D_IN), lambda i: (i, 0)),
        pl.BlockSpec((RB, 1), lambda i: (i, 0)),
        pl.BlockSpec((RB, 1), lambda i: (i, 0)),
        pl.BlockSpec((D_IN, D_H), lambda i: (0, 0)),
        pl.BlockSpec((D_IN, D_H), lambda i: (0, 0)),
    ],
    out_specs=[
        pl.BlockSpec((RB, D_AUG), lambda i: (i, 0)),
        pl.BlockSpec((RB, D_AUG), lambda i: (i, 0)),
    ],
    out_shape=[
        jax.ShapeDtypeStruct((N_PAD, D_AUG), jnp.bfloat16),
        jax.ShapeDtypeStruct((N_PAD, D_AUG), jnp.bfloat16),
    ],
)


def _tc_mid_body(s1td_ref, s1bu_ref, z1td_ref, z1bu_ref,
                 w2atd_ref, w2abu_ref, rootx_ref, w2btd_ref, w2bbu_ref,
                 z2td_ref, z2bu_ref, ctd_ref, cbu_ref):
  def one(s1aug, z1aug, w2a, w2b):
    s1aug = s1aug.astype(jnp.float32)
    z1aug = z1aug.astype(jnp.float32)
    dinv = z1aug[:, D_H:D_H + 1] + z1aug[:, D_H + 1:D_H + 2]
    sd = s1aug[:, D_H:D_H + 1] + s1aug[:, D_H + 1:D_H + 2]
    h1 = jnp.maximum(dinv * (s1aug[:, :D_H] + z1aug[:, :D_H]), 0.0)
    z2 = jnp.dot(h1, w2a, preferred_element_type=jnp.float32) * dinv
    rw = jnp.dot(rootx_ref[...], w2b, preferred_element_type=jnp.float32)
    cc = dinv * z2 + (dinv * (sd + dinv)) * rw
    return z2.astype(jnp.bfloat16), cc

  z2td, ctd = one(s1td_ref[...], z1td_ref[...], w2atd_ref[...], w2btd_ref[...])
  z2bu, cbu = one(s1bu_ref[...], z1bu_ref[...], w2abu_ref[...], w2bbu_ref[...])
  z2td_ref[...] = z2td
  z2bu_ref[...] = z2bu
  ctd_ref[...] = ctd
  cbu_ref[...] = cbu


_tc_mid = pl.pallas_call(
    _tc_mid_body,
    grid=(N // RB,),
    in_specs=[
        pl.BlockSpec((RB, D_AUG), lambda i: (i, 0)),
        pl.BlockSpec((RB, D_AUG), lambda i: (i, 0)),
        pl.BlockSpec((RB, D_AUG), lambda i: (i, 0)),
        pl.BlockSpec((RB, D_AUG), lambda i: (i, 0)),
        pl.BlockSpec((D_H, D_OUT), lambda i: (0, 0)),
        pl.BlockSpec((D_H, D_OUT), lambda i: (0, 0)),
        pl.BlockSpec((1, D_IN), lambda i: (0, 0)),
        pl.BlockSpec((D_IN, D_OUT), lambda i: (0, 0)),
        pl.BlockSpec((D_IN, D_OUT), lambda i: (0, 0)),
    ],
    out_specs=[
        pl.BlockSpec((RB, D_OUT), lambda i: (i, 0)),
        pl.BlockSpec((RB, D_OUT), lambda i: (i, 0)),
        pl.BlockSpec((RB, D_OUT), lambda i: (i, 0)),
        pl.BlockSpec((RB, D_OUT), lambda i: (i, 0)),
    ],
    out_shape=[
        jax.ShapeDtypeStruct((N, D_OUT), jnp.bfloat16),
        jax.ShapeDtypeStruct((N, D_OUT), jnp.bfloat16),
        jax.ShapeDtypeStruct((N, D_OUT), jnp.float32),
        jax.ShapeDtypeStruct((N, D_OUT), jnp.float32),
    ],
)


def _tc_post_body(s2td_ref, s2bu_ref, ctd_ref, cbu_ref, z1td_ref, z1bu_ref,
                  out_ref):
  def one(s2, c, z1aug):
    dinv = (z1aug[:, D_H:D_H + 1].astype(jnp.float32)
            + z1aug[:, D_H + 1:D_H + 2].astype(jnp.float32))
    return jnp.maximum(dinv * s2.astype(jnp.float32) + c, 0.0)

  td = one(s2td_ref[...], ctd_ref[...], z1td_ref[...])
  bu = one(s2bu_ref[...], cbu_ref[...], z1bu_ref[...])
  out_ref[...] = jnp.concatenate([td, bu], axis=1)


_tc_post = pl.pallas_call(
    _tc_post_body,
    grid=(N // RB,),
    in_specs=[
        pl.BlockSpec((RB, D_OUT), lambda i: (i, 0)),
        pl.BlockSpec((RB, D_OUT), lambda i: (i, 0)),
        pl.BlockSpec((RB, D_OUT), lambda i: (i, 0)),
        pl.BlockSpec((RB, D_OUT), lambda i: (i, 0)),
        pl.BlockSpec((RB, D_AUG), lambda i: (i, 0)),
        pl.BlockSpec((RB, D_AUG), lambda i: (i, 0)),
    ],
    out_specs=pl.BlockSpec((RB, 2 * D_OUT), lambda i: (i, 0)),
    out_shape=jax.ShapeDtypeStruct((N, 2 * D_OUT), jnp.float32),
)


_Z1ROWS = np.zeros((ROWS_T, D_AUG), dtype=ml_dtypes.bfloat16)
_Z2ROWS = np.zeros((ROWS_T, D_H), dtype=ml_dtypes.bfloat16)


def _pad_edges(ei):
  pad = N + (jnp.arange(E_PAD - E, dtype=jnp.int32) % (N_PAD - N))
  src = jnp.concatenate([ei[0], pad]).reshape(NS, NBIG, BIGCHUNK)
  dst = jnp.concatenate([ei[1], pad]).reshape(NS, NBIG, BIGCHUNK)
  return src, dst


def kernel(x, edge_index, BU_edge_index, rootindex, W1_td, W2_td, W1_bu, W2_bu):
  src_td, dst_td = _pad_edges(edge_index)
  src_bu, dst_bu = _pad_edges(BU_edge_index)
  deg_td, deg_bu = _sc_deg(dst_td, dst_bu)

  z1_td, z1_bu = _tc_pre(x, deg_td[:N, None], deg_bu[:N, None], W1_td, W1_bu)

  s1_td, s1_bu = _sc_pass1(z1_td, z1_bu, src_td, dst_td, src_bu, dst_bu,
                           jnp.asarray(_Z1ROWS))

  root_x = lax.dynamic_slice_in_dim(x, rootindex[0], 1, axis=0)
  z2_td, z2_bu, c_td, c_bu = _tc_mid(
      s1_td, s1_bu, z1_td, z1_bu,
      W2_td[:D_H], W2_bu[:D_H], root_x, W2_td[D_H:], W2_bu[D_H:])

  s2_td, s2_bu = _sc_pass2(z2_td, z2_bu, src_td, dst_td, src_bu, dst_bu,
                           jnp.asarray(_Z2ROWS))

  return _tc_post(s2_td, s2_bu, c_td, c_bu, z1_td, z1_bu)

# --- scband reference (transcript-rebuilt; emitter-appended) ---
"""Pipeline reference for scband-lrpebgcn-19035295056434 (READ-ONLY COPY).

The authoritative reference and input builder live on the scoring server;
editing this copy changes nothing except your own understanding.
"""

import jax, jax.numpy as jnp
import numpy as np

N = 10000
E = 320000
D_IN = 128
D_H = 64
D_OUT = 64


def setup_inputs(seed: int = 0) -> dict:
    key = jax.random.key(seed)
    ks = jax.random.split(key, 8)
    x = jax.random.normal(ks[0], (N, D_IN), dtype=jnp.float32)
    edge_index = jax.random.randint(ks[1], (2, E), 0, N, dtype=jnp.int32)
    BU_edge_index = jax.random.randint(ks[2], (2, E), 0, N, dtype=jnp.int32)
    rootindex = jax.random.randint(ks[3], (1,), 0, N, dtype=jnp.int32)
    W1_td = jax.random.normal(ks[4], (D_IN, D_H), dtype=jnp.float32) * 0.05
    W2_td = jax.random.normal(ks[5], (D_H + D_IN, D_OUT), dtype=jnp.float32) * 0.05
    W1_bu = jax.random.normal(ks[6], (D_IN, D_H), dtype=jnp.float32) * 0.05
    W2_bu = jax.random.normal(ks[7], (D_H + D_IN, D_OUT), dtype=jnp.float32) * 0.05
    return {"x": x, "edge_index": edge_index, "BU_edge_index": BU_edge_index,
            "rootindex": rootindex, "W1_td": W1_td, "W2_td": W2_td,
            "W1_bu": W1_bu, "W2_bu": W2_bu}


def gcn_conv(x, src, dst, W, n):
    # GCN conv with self-loops and symmetric degree normalization
    loop = jnp.arange(n, dtype=src.dtype)
    src2 = jnp.concatenate([src, loop])
    dst2 = jnp.concatenate([dst, loop])
    deg = jnp.zeros((n,), dtype=jnp.float32).at[dst2].add(1.0)
    dinv = 1.0 / jnp.sqrt(jnp.clip(deg, 1.0))
    norm = dinv[src2] * dinv[dst2]
    msg = x[src2] * norm[:, None]
    agg = jnp.zeros((n, x.shape[1]), dtype=x.dtype).at[dst2].add(msg)
    return agg @ W


def branch(x, ei, W1, W2, rootindex):
    src, dst = ei[0], ei[1]
    n = x.shape[0]
    h1 = jax.nn.relu(gcn_conv(x, src, dst, W1, n))
    # root-extend: broadcast root node's input features and concat (as in (TD/BU)rumorGCN)
    root = x[rootindex[0]]
    root_ext = jnp.broadcast_to(root[None, :], (n, x.shape[1]))
    h = jnp.concatenate([h1, root_ext], axis=1)
    h2 = jax.nn.relu(gcn_conv(h, src, dst, W2, n))
    return h2


def reference(x, edge_index, BU_edge_index, rootindex, W1_td, W2_td, W1_bu, W2_bu):
    td = branch(x, edge_index, W1_td, W2_td, rootindex)
    bu = branch(x, BU_edge_index, W1_bu, W2_bu, rootindex)
    return jnp.concatenate([td, bu], axis=1)

if __name__ == "__main__":
    import jax
    _d = setup_inputs()
    print(jax.jit(kernel)(*tuple(_d.values())))

</pallas_src>

<mosaic_0001>
#map = affine_map<(d0, d1) -> (0, 0, 0)>
#map1 = affine_map<(d0, d1) -> (0)>
module attributes {stable_mosaic.version = 14 : i64} {
  func.func @_sc_deg(%arg0: i32, %arg1: i32, %arg2: memref<16x40x512xi32, #tpu.memory_space<hbm>>, %arg3: memref<16x40x512xi32, #tpu.memory_space<hbm>>, %arg4: memref<10240xf32, #tpu.memory_space<hbm>>, %arg5: memref<10240xf32, #tpu.memory_space<hbm>>, %arg6: memref<40x512xi32, #tpu.memory_space<vmem>>, %arg7: memref<512xf32, #tpu.memory_space<vmem>>, %arg8: memref<640xf32, #tpu.memory_space<vmem>>, %arg9: memref<10240xf32, #tpu.memory_space<vmem_shared>>, %arg10: memref<!tpu.dma_semaphore, #tpu.memory_space<semaphore_mem>>) attributes {dimension_semantics = [#tpu.dimension_semantics<core_parallel>, #tpu.dimension_semantics<subcore_parallel>], iteration_bounds = array<i64: 2, 16>, scalar_prefetch = 0 : i64, scratch_operands = 5 : i64, tpu.core_type = #tpu.core_type<sc_vector_subcore>, window_params = [{transform_indices = #map}, {transform_indices = #map}, {transform_indices = #map1}, {transform_indices = #map1}]} {
    %scan3A = arith.constant 0 : i32
    %scan3A_0 = arith.constant 0 : i32
    %scan3A_1 = arith.constant 32 : i32
    %scan3A_2 = arith.addi %scan3A_0, %scan3A_1 : i32
    %scan3A_3 = arith.constant 1 : i32
    %scan3A_4 = scf.for %scan3A_39 = %scan3A_0 to %scan3A_2 step %scan3A_3 iter_args(%scan3A_40 = %scan3A) -> (i32)  : i32 {
      %broadcast_in_dim3A = arith.constant 1.000000e+00 : f32
      %broadcast_in_dim3A_41 = vector.broadcast %broadcast_in_dim3A : f32 to vector<16xf32>
      %mul3A_42 = arith.constant 16 : i32
      %mul3A_43 = arith.muli %scan3A_39, %mul3A_42 : i32
      %swap3A = arith.index_cast %mul3A_43 : i32 to index
      %swap3A_44 = tpu.vector_load %arg7[%swap3A] {strides = array<i32>} : memref<512xf32, #tpu.memory_space<vmem>>, vector<16xf32>,
      %swap3A_45 = vector.shape_cast %swap3A_44 : vector<16xf32> to vector<16xf32>
      %swap3A_46 = vector.shape_cast %broadcast_in_dim3A_41 : vector<16xf32> to vector<16xf32>
      tpu.vector_store %arg7[%swap3A], %swap3A_46 {strides = array<i32>} : memref<512xf32, #tpu.memory_space<vmem>>, vector<16xf32>,
      %scan3A_47 = arith.constant 0 : i32
      scf.yield %scan3A_47 : i32
    }
    %scan3A_5 = arith.constant 32 : i32
    %scan3A_6 = arith.constant 0 : i32
    %scan3A_7 = arith.constant 0 : i32
    %scan3A_8 = arith.constant 40 : i32
    %scan3A_9 = arith.addi %scan3A_7, %scan3A_8 : i32
    %scan3A_10 = arith.constant 1 : i32
    %scan3A_11 = scf.for %scan3A_39 = %scan3A_7 to %scan3A_9 step %scan3A_10 iter_args(%scan3A_40 = %scan3A_6) -> (i32)  : i32 {
      %broadcast_in_dim3A = arith.constant 0.000000e+00 : f32
      %broadcast_in_dim3A_41 = vector.broadcast %broadcast_in_dim3A : f32 to vector<16xf32>
      %mul3A_42 = arith.constant 16 : i32
      %mul3A_43 = arith.muli %scan3A_39, %mul3A_42 : i32
      %swap3A = arith.index_cast %mul3A_43 : i32 to index
      %swap3A_44 = tpu.vector_load %arg8[%swap3A] {strides = array<i32>} : memref<640xf32, #tpu.memory_space<vmem>>, vector<16xf32>,
      %swap3A_45 = vector.shape_cast %swap3A_44 : vector<16xf32> to vector<16xf32>
      %swap3A_46 = vector.shape_cast %broadcast_in_dim3A_41 : vector<16xf32> to vector<16xf32>
      tpu.vector_store %arg8[%swap3A], %swap3A_46 {strides = array<i32>} : memref<640xf32, #tpu.memory_space<vmem>>, vector<16xf32>,
      %scan3A_47 = arith.constant 0 : i32
      scf.yield %scan3A_47 : i32
    }
    %scan3A_12 = arith.constant 40 : i32
    %mul3A = arith.constant 640 : i32
    %mul3A_13 = arith.muli %arg1, %mul3A : i32
    "tpu.region"() ({
      %run_scoped3A = tpu.sem_alloc : memref<!tpu.dma_semaphore, #tpu.memory_space<semaphore_mem>>
      %dma_start3A = tpu.memref_slice %arg9[%mul3A_13] : memref<10240xf32, #tpu.memory_space<vmem_shared>> -> memref<640xf32, #tpu.memory_space<vmem_shared>>
      %dma_start3A_39 = tpu.memref_slice %arg9[%mul3A_13] : memref<10240xf32, #tpu.memory_space<vmem_shared>> -> memref<640xf32, #tpu.memory_space<vmem_shared>>
      tpu.enqueue_dma source(%arg8 : memref<640xf32, #tpu.memory_space<vmem>>) target(%dma_start3A_39 : memref<640xf32, #tpu.memory_space<vmem_shared>>) target_semaphore(%run_scoped3A : memref<!tpu.dma_semaphore, #tpu.memory_space<semaphore_mem>>)
      %dma_wait3A = tpu.memref_slice %arg9[%mul3A_13] : memref<10240xf32, #tpu.memory_space<vmem_shared>> -> memref<640xf32, #tpu.memory_space<vmem_shared>>
      %dma_wait3A_40 = tpu.memref_slice %arg9[%mul3A_13] : memref<10240xf32, #tpu.memory_space<vmem_shared>> -> memref<640xf32, #tpu.memory_space<vmem_shared>>
      tpu.wait_dma2 semaphore(%run_scoped3A : memref<!tpu.dma_semaphore, #tpu.memory_space<semaphore_mem>>) src(%arg8 : memref<640xf32, #tpu.memory_space<vmem>>) dst(%dma_wait3A_40 : memref<640xf32, #tpu.memory_space<vmem_shared>>)
      tpu.yield
    }) : () -> ()
    %eq3A = arith.constant 0 : i32
    %eq3A_14 = arith.cmpi eq, %arg0, %eq3A : i32
    %convert_element_type3A = arith.extui %eq3A_14 : i1 to i32
    %cond3A = arith.constant 0 : i32
    %cond3A_15 = arith.cmpi ne, %convert_element_type3A, %cond3A : i32
    scf.if %cond3A_15 {
      "tpu.region"() ({
        %run_scoped3A = tpu.sem_alloc : memref<!tpu.dma_semaphore, #tpu.memory_space<semaphore_mem>>
        %dma_start3A = arith.constant 0 : i32
        %dma_start3A_39 = arith.constant 0 : i32
        %dma_start3A_40 = tpu.memref_slice %arg2[%arg1, %dma_start3A, %dma_start3A_39] : memref<16x40x512xi32, #tpu.memory_space<hbm>> -> memref<1x40x512xi32, #tpu.memory_space<hbm>>
        %dma_start3A_41 = tpu.memref_squeeze %dma_start3A_40 : memref<1x40x512xi32, #tpu.memory_space<hbm>> -> memref<40x512xi32, #tpu.memory_space<hbm>>
        %dma_start3A_42 = arith.constant 0 : i32
        %dma_start3A_43 = arith.constant 0 : i32
        %dma_start3A_44 = tpu.memref_slice %arg2[%arg1, %dma_start3A_42, %dma_start3A_43] : memref<16x40x512xi32, #tpu.memory_space<hbm>> -> memref<1x40x512xi32, #tpu.memory_space<hbm>>
        %dma_start3A_45 = tpu.memref_squeeze %dma_start3A_44 : memref<1x40x512xi32, #tpu.memory_space<hbm>> -> memref<40x512xi32, #tpu.memory_space<hbm>>
        tpu.enqueue_dma source(%dma_start3A_45 : memref<40x512xi32, #tpu.memory_space<hbm>>) target(%arg6 : memref<40x512xi32, #tpu.memory_space<vmem>>) target_semaphore(%run_scoped3A : memref<!tpu.dma_semaphore, #tpu.memory_space<semaphore_mem>>)
        %dma_wait3A = arith.constant 0 : i32
        %dma_wait3A_46 = arith.constant 0 : i32
        %dma_wait3A_47 = tpu.memref_slice %arg2[%arg1, %dma_wait3A, %dma_wait3A_46] : memref<16x40x512xi32, #tpu.memory_space<hbm>> -> memref<1x40x512xi32, #tpu.memory_space<hbm>>
        %dma_wait3A_48 = tpu.memref_squeeze %dma_wait3A_47 : memref<1x40x512xi32, #tpu.memory_space<hbm>> -> memref<40x512xi32, #tpu.memory_space<hbm>>
        %dma_wait3A_49 = arith.constant 0 : i32
        %dma_wait3A_50 = arith.constant 0 : i32
        %dma_wait3A_51 = tpu.memref_slice %arg2[%arg1, %dma_wait3A_49, %dma_wait3A_50] : memref<16x40x512xi32, #tpu.memory_space<hbm>> -> memref<1x40x512xi32, #tpu.memory_space<hbm>>
        %dma_wait3A_52 = tpu.memref_squeeze %dma_wait3A_51 : memref<1x40x512xi32, #tpu.memory_space<hbm>> -> memref<40x512xi32, #tpu.memory_space<hbm>>
        tpu.wait_dma2 semaphore(%run_scoped3A : memref<!tpu.dma_semaphore, #tpu.memory_space<semaphore_mem>>) src(%dma_wait3A_52 : memref<40x512xi32, #tpu.memory_space<hbm>>) dst(%arg6 : memref<40x512xi32, #tpu.memory_space<vmem>>)
        tpu.yield
      }) : () -> ()
    } else {
    }
    %eq3A_16 = arith.constant 1 : i32
    %eq3A_17 = arith.cmpi eq, %arg0, %eq3A_16 : i32
    %convert_element_type3A_18 = arith.extui %eq3A_17 : i1 to i32
    %cond3A_19 = arith.constant 0 : i32
    %cond3A_20 = arith.cmpi ne, %convert_element_type3A_18, %cond3A_19 : i32
    scf.if %cond3A_20 {
      "tpu.region"() ({
        %run_scoped3A = tpu.sem_alloc : memref<!tpu.dma_semaphore, #tpu.memory_space<semaphore_mem>>
        %dma_start3A = arith.constant 0 : i32
        %dma_start3A_39 = arith.constant 0 : i32
        %dma_start3A_40 = tpu.memref_slice %arg3[%arg1, %dma_start3A, %dma_start3A_39] : memref<16x40x512xi32, #tpu.memory_space<hbm>> -> memref<1x40x512xi32, #tpu.memory_space<hbm>>
        %dma_start3A_41 = tpu.memref_squeeze %dma_start3A_40 : memref<1x40x512xi32, #tpu.memory_space<hbm>> -> memref<40x512xi32, #tpu.memory_space<hbm>>
        %dma_start3A_42 = arith.constant 0 : i32
        %dma_start3A_43 = arith.constant 0 : i32
        %dma_start3A_44 = tpu.memref_slice %arg3[%arg1, %dma_start3A_42, %dma_start3A_43] : memref<16x40x512xi32, #tpu.memory_space<hbm>> -> memref<1x40x512xi32, #tpu.memory_space<hbm>>
        %dma_start3A_45 = tpu.memref_squeeze %dma_start3A_44 : memref<1x40x512xi32, #tpu.memory_space<hbm>> -> memref<40x512xi32, #tpu.memory_space<hbm>>
        tpu.enqueue_dma source(%dma_start3A_45 : memref<40x512xi32, #tpu.memory_space<hbm>>) target(%arg6 : memref<40x512xi32, #tpu.memory_space<vmem>>) target_semaphore(%run_scoped3A : memref<!tpu.dma_semaphore, #tpu.memory_space<semaphore_mem>>)
        %dma_wait3A = arith.constant 0 : i32
        %dma_wait3A_46 = arith.constant 0 : i32
        %dma_wait3A_47 = tpu.memref_slice %arg3[%arg1, %dma_wait3A, %dma_wait3A_46] : memref<16x40x512xi32, #tpu.memory_space<hbm>> -> memref<1x40x512xi32, #tpu.memory_space<hbm>>
        %dma_wait3A_48 = tpu.memref_squeeze %dma_wait3A_47 : memref<1x40x512xi32, #tpu.memory_space<hbm>> -> memref<40x512xi32, #tpu.memory_space<hbm>>
        %dma_wait3A_49 = arith.constant 0 : i32
        %dma_wait3A_50 = arith.constant 0 : i32
        %dma_wait3A_51 = tpu.memref_slice %arg3[%arg1, %dma_wait3A_49, %dma_wait3A_50] : memref<16x40x512xi32, #tpu.memory_space<hbm>> -> memref<1x40x512xi32, #tpu.memory_space<hbm>>
        %dma_wait3A_52 = tpu.memref_squeeze %dma_wait3A_51 : memref<1x40x512xi32, #tpu.memory_space<hbm>> -> memref<40x512xi32, #tpu.memory_space<hbm>>
        tpu.wait_dma2 semaphore(%run_scoped3A : memref<!tpu.dma_semaphore, #tpu.memory_space<semaphore_mem>>) src(%dma_wait3A_52 : memref<40x512xi32, #tpu.memory_space<hbm>>) dst(%arg6 : memref<40x512xi32, #tpu.memory_space<vmem>>)
        tpu.yield
      }) : () -> ()
    } else {
    }
    %barrier3A = arith.constant 0 : index
    tpu.barrier barrier_id(%barrier3A)
    %scan3A_21 = arith.constant 0 : i32
    %scan3A_22 = arith.constant 0 : i32
    %scan3A_23 = arith.constant 5 : i32
    %scan3A_24 = arith.addi %scan3A_22, %scan3A_23 : i32
    %scan3A_25 = arith.constant 1 : i32
    %scan3A_26 = scf.for %scan3A_39 = %scan3A_22 to %scan3A_24 step %scan3A_25 iter_args(%scan3A_40 = %scan3A_21) -> (i32)  : i32 {
      %mul3A_41 = arith.constant 8 : i32
      %mul3A_42 = arith.muli %scan3A_39, %mul3A_41 : i32
      %add3A = arith.constant 0 : i32
      %add3A_43 = arith.addi %mul3A_42, %add3A : i32
      %dma_start3A = arith.constant 0 : i32
      %dma_start3A_44 = tpu.memref_slice %arg6[%add3A_43, %dma_start3A] : memref<40x512xi32, #tpu.memory_space<vmem>> -> memref<1x512xi32, #tpu.memory_space<vmem>>
      %dma_start3A_45 = tpu.memref_squeeze %dma_start3A_44 : memref<1x512xi32, #tpu.memory_space<vmem>> -> memref<512xi32, #tpu.memory_space<vmem>>
      %dma_start3A_46 = arith.constant 0 : i32
      %dma_start3A_47 = tpu.memref_slice %arg9[%dma_start3A_46] : memref<10240xf32, #tpu.memory_space<vmem_shared>> -> memref<10240xf32, #tpu.memory_space<vmem_shared>>
      tpu.enqueue_indirect_dma source(%arg7 : memref<512xf32, #tpu.memory_space<vmem>>) target(%dma_start3A_47 : memref<10240xf32, #tpu.memory_space<vmem_shared>>) offsets(%dma_start3A_45 : memref<512xi32, #tpu.memory_space<vmem>>) semaphore(%arg10 : memref<!tpu.dma_semaphore, #tpu.memory_space<semaphore_mem>>) {add = true}
      %mul3A_48 = arith.constant 8 : i32
      %mul3A_49 = arith.muli %scan3A_39, %mul3A_48 : i32
      %add3A_50 = arith.constant 1 : i32
      %add3A_51 = arith.addi %mul3A_49, %add3A_50 : i32
      %dma_start3A_52 = arith.constant 0 : i32
      %dma_start3A_53 = tpu.memref_slice %arg6[%add3A_51, %dma_start3A_52] : memref<40x512xi32, #tpu.memory_space<vmem>> -> memref<1x512xi32, #tpu.memory_space<vmem>>
      %dma_start3A_54 = tpu.memref_squeeze %dma_start3A_53 : memref<1x512xi32, #tpu.memory_space<vmem>> -> memref<512xi32, #tpu.memory_space<vmem>>
      %dma_start3A_55 = arith.constant 0 : i32
      %dma_start3A_56 = tpu.memref_slice %arg9[%dma_start3A_55] : memref<10240xf32, #tpu.memory_space<vmem_shared>> -> memref<10240xf32, #tpu.memory_space<vmem_shared>>
      tpu.enqueue_indirect_dma source(%arg7 : memref<512xf32, #tpu.memory_space<vmem>>) target(%dma_start3A_56 : memref<10240xf32, #tpu.memory_space<vmem_shared>>) offsets(%dma_start3A_54 : memref<512xi32, #tpu.memory_space<vmem>>) semaphore(%arg10 : memref<!tpu.dma_semaphore, #tpu.memory_space<semaphore_mem>>) {add = true}
      %mul3A_57 = arith.constant 8 : i32
      %mul3A_58 = arith.muli %scan3A_39, %mul3A_57 : i32
      %add3A_59 = arith.constant 2 : i32
      %add3A_60 = arith.addi %mul3A_58, %add3A_59 : i32
      %dma_start3A_61 = arith.constant 0 : i32
      %dma_start3A_62 = tpu.memref_slice %arg6[%add3A_60, %dma_start3A_61] : memref<40x512xi32, #tpu.memory_space<vmem>> -> memref<1x512xi32, #tpu.memory_space<vmem>>
      %dma_start3A_63 = tpu.memref_squeeze %dma_start3A_62 : memref<1x512xi32, #tpu.memory_space<vmem>> -> memref<512xi32, #tpu.memory_space<vmem>>
      %dma_start3A_64 = arith.constant 0 : i32
      %dma_start3A_65 = tpu.memref_slice %arg9[%dma_start3A_64] : memref<10240xf32, #tpu.memory_space<vmem_shared>> -> memref<10240xf32, #tpu.memory_space<vmem_shared>>
      tpu.enqueue_indirect_dma source(%arg7 : memref<512xf32, #tpu.memory_space<vmem>>) target(%dma_start3A_65 : memref<10240xf32, #tpu.memory_space<vmem_shared>>) offsets(%dma_start3A_63 : memref<512xi32, #tpu.memory_space<vmem>>) semaphore(%arg10 : memref<!tpu.dma_semaphore, #tpu.memory_space<semaphore_mem>>) {add = true}
      %mul3A_66 = arith.constant 8 : i32
      %mul3A_67 = arith.muli %scan3A_39, %mul3A_66 : i32
      %add3A_68 = arith.constant 3 : i32
      %add3A_69 = arith.addi %mul3A_67, %add3A_68 : i32
      %dma_start3A_70 = arith.constant 0 : i32
      %dma_start3A_71 = tpu.memref_slice %arg6[%add3A_69, %dma_start3A_70] : memref<40x512xi32, #tpu.memory_space<vmem>> -> memref<1x512xi32, #tpu.memory_space<vmem>>
      %dma_start3A_72 = tpu.memref_squeeze %dma_start3A_71 : memref<1x512xi32, #tpu.memory_space<vmem>> -> memref<512xi32, #tpu.memory_space<vmem>>
      %dma_start3A_73 = arith.constant 0 : i32
      %dma_start3A_74 = tpu.memref_slice %arg9[%dma_start3A_73] : memref<10240xf32, #tpu.memory_space<vmem_shared>> -> memref<10240xf32, #tpu.memory_space<vmem_shared>>
      tpu.enqueue_indirect_dma source(%arg7 : memref<512xf32, #tpu.memory_space<vmem>>) target(%dma_start3A_74 : memref<10240xf32, #tpu.memory_space<vmem_shared>>) offsets(%dma_start3A_72 : memref<512xi32, #tpu.memory_space<vmem>>) semaphore(%arg10 : memref<!tpu.dma_semaphore, #tpu.memory_space<semaphore_mem>>) {add = true}
      %mul3A_75 = arith.constant 8 : i32
      %mul3A_76 = arith.muli %scan3A_39, %mul3A_75 : i32
      %add3A_77 = arith.constant 4 : i32
      %add3A_78 = arith.addi %mul3A_76, %add3A_77 : i32
      %dma_start3A_79 = arith.constant 0 : i32
      %dma_start3A_80 = tpu.memref_slice %arg6[%add3A_78, %dma_start3A_79] : memref<40x512xi32, #tpu.memory_space<vmem>> -> memref<1x512xi32, #tpu.memory_space<vmem>>
      %dma_start3A_81 = tpu.memref_squeeze %dma_start3A_80 : memref<1x512xi32, #tpu.memory_space<vmem>> -> memref<512xi32, #tpu.memory_space<vmem>>
      %dma_start3A_82 = arith.constant 0 : i32
      %dma_start3A_83 = tpu.memref_slice %arg9[%dma_start3A_82] : memref<10240xf32, #tpu.memory_space<vmem_shared>> -> memref<10240xf32, #tpu.memory_space<vmem_shared>>
      tpu.enqueue_indirect_dma source(%arg7 : memref<512xf32, #tpu.memory_space<vmem>>) target(%dma_start3A_83 : memref<10240xf32, #tpu.memory_space<vmem_shared>>) offsets(%dma_start3A_81 : memref<512xi32, #tpu.memory_space<vmem>>) semaphore(%arg10 : memref<!tpu.dma_semaphore, #tpu.memory_space<semaphore_mem>>) {add = true}
      %mul3A_84 = arith.constant 8 : i32
      %mul3A_85 = arith.muli %scan3A_39, %mul3A_84 : i32
      %add3A_86 = arith.constant 5 : i32
      %add3A_87 = arith.addi %mul3A_85, %add3A_86 : i32
      %dma_start3A_88 = arith.constant 0 : i32
      %dma_start3A_89 = tpu.memref_slice %arg6[%add3A_87, %dma_start3A_88] : memref<40x512xi32, #tpu.memory_space<vmem>> -> memref<1x512xi32, #tpu.memory_space<vmem>>
      %dma_start3A_90 = tpu.memref_squeeze %dma_start3A_89 : memref<1x512xi32, #tpu.memory_space<vmem>> -> memref<512xi32, #tpu.memory_space<vmem>>
      %dma_start3A_91 = arith.constant 0 : i32
      %dma_start3A_92 = tpu.memref_slice %arg9[%dma_start3A_91] : memref<10240xf32, #tpu.memory_space<vmem_shared>> -> memref<10240xf32, #tpu.memory_space<vmem_shared>>
      tpu.enqueue_indirect_dma source(%arg7 : memref<512xf32, #tpu.memory_space<vmem>>) target(%dma_start3A_92 : memref<10240xf32, #tpu.memory_space<vmem_shared>>) offsets(%dma_start3A_90 : memref<512xi32, #tpu.memory_space<vmem>>) semaphore(%arg10 : memref<!tpu.dma_semaphore, #tpu.memory_space<semaphore_mem>>) {add = true}
      %mul3A_93 = arith.constant 8 : i32
      %mul3A_94 = arith.muli %scan3A_39, %mul3A_93 : i32
      %add3A_95 = arith.constant 6 : i32
      %add3A_96 = arith.addi %mul3A_94, %add3A_95 : i32
      %dma_start3A_97 = arith.constant 0 : i32
      %dma_start3A_98 = tpu.memref_slice %arg6[%add3A_96, %dma_start3A_97] : memref<40x512xi32, #tpu.memory_space<vmem>> -> memref<1x512xi32, #tpu.memory_space<vmem>>
      %dma_start3A_99 = tpu.memref_squeeze %dma_start3A_98 : memref<1x512xi32, #tpu.memory_space<vmem>> -> memref<512xi32, #tpu.memory_space<vmem>>
      %dma_start3A_100 = arith.constant 0 : i32
      %dma_start3A_101 = tpu.memref_slice %arg9[%dma_start3A_100] : memref<10240xf32, #tpu.memory_space<vmem_shared>> -> memref<10240xf32, #tpu.memory_space<vmem_shared>>
      tpu.enqueue_indirect_dma source(%arg7 : memref<512xf32, #tpu.memory_space<vmem>>) target(%dma_start3A_101 : memref<10240xf32, #tpu.memory_space<vmem_shared>>) offsets(%dma_start3A_99 : memref<512xi32, #tpu.memory_space<vmem>>) semaphore(%arg10 : memref<!tpu.dma_semaphore, #tpu.memory_space<semaphore_mem>>) {add = true}
      %mul3A_102 = arith.constant 8 : i32
      %mul3A_103 = arith.muli %scan3A_39, %mul3A_102 : i32
      %add3A_104 = arith.constant 7 : i32
      %add3A_105 = arith.addi %mul3A_103, %add3A_104 : i32
      %dma_start3A_106 = arith.constant 0 : i32
      %dma_start3A_107 = tpu.memref_slice %arg6[%add3A_105, %dma_start3A_106] : memref<40x512xi32, #tpu.memory_space<vmem>> -> memref<1x512xi32, #tpu.memory_space<vmem>>
      %dma_start3A_108 = tpu.memref_squeeze %dma_start3A_107 : memref<1x512xi32, #tpu.memory_space<vmem>> -> memref<512xi32, #tpu.memory_space<vmem>>
      %dma_start3A_109 = arith.constant 0 : i32
      %dma_start3A_110 = tpu.memref_slice %arg9[%dma_start3A_109] : memref<10240xf32, #tpu.memory_space<vmem_shared>> -> memref<10240xf32, #tpu.memory_space<vmem_shared>>
      tpu.enqueue_indirect_dma source(%arg7 : memref<512xf32, #tpu.memory_space<vmem>>) target(%dma_start3A_110 : memref<10240xf32, #tpu.memory_space<vmem_shared>>) offsets(%dma_start3A_108 : memref<512xi32, #tpu.memory_space<vmem>>) semaphore(%arg10 : memref<!tpu.dma_semaphore, #tpu.memory_space<semaphore_mem>>) {add = true}
      %mul3A_111 = arith.constant 8 : i32
      %mul3A_112 = arith.muli %scan3A_39, %mul3A_111 : i32
      %add3A_113 = arith.constant 0 : i32
      %add3A_114 = arith.addi %mul3A_112, %add3A_113 : i32
      %dma_wait3A = arith.constant 0 : i32
      %dma_wait3A_115 = tpu.memref_slice %arg6[%add3A_114, %dma_wait3A] : memref<40x512xi32, #tpu.memory_space<vmem>> -> memref<1x512xi32, #tpu.memory_space<vmem>>
      %dma_wait3A_116 = tpu.memref_squeeze %dma_wait3A_115 : memref<1x512xi32, #tpu.memory_space<vmem>> -> memref<512xi32, #tpu.memory_space<vmem>>
      %dma_wait3A_117 = arith.constant 0 : i32
      %dma_wait3A_118 = tpu.memref_slice %arg9[%dma_wait3A_117] : memref<10240xf32, #tpu.memory_space<vmem_shared>> -> memref<10240xf32, #tpu.memory_space<vmem_shared>>
      tpu.wait_indirect_dma semaphore(%arg10 : memref<!tpu.dma_semaphore, #tpu.memory_space<semaphore_mem>>) src(%arg7 : memref<512xf32, #tpu.memory_space<vmem>>) dst(%dma_wait3A_118 : memref<10240xf32, #tpu.memory_space<vmem_shared>>)
      %mul3A_119 = arith.constant 8 : i32
      %mul3A_120 = arith.muli %scan3A_39, %mul3A_119 : i32
      %add3A_121 = arith.constant 1 : i32
      %add3A_122 = arith.addi %mul3A_120, %add3A_121 : i32
      %dma_wait3A_123 = arith.constant 0 : i32
      %dma_wait3A_124 = tpu.memref_slice %arg6[%add3A_122, %dma_wait3A_123] : memref<40x512xi32, #tpu.memory_space<vmem>> -> memref<1x512xi32, #tpu.memory_space<vmem>>
      %dma_wait3A_125 = tpu.memref_squeeze %dma_wait3A_124 : memref<1x512xi32, #tpu.memory_space<vmem>> -> memref<512xi32, #tpu.memory_space<vmem>>
      %dma_wait3A_126 = arith.constant 0 : i32
      %dma_wait3A_127 = tpu.memref_slice %arg9[%dma_wait3A_126] : memref<10240xf32, #tpu.memory_space<vmem_shared>> -> memref<10240xf32, #tpu.memory_space<vmem_shared>>
      tpu.wait_indirect_dma semaphore(%arg10 : memref<!tpu.dma_semaphore, #tpu.memory_space<semaphore_mem>>) src(%arg7 : memref<512xf32, #tpu.memory_space<vmem>>) dst(%dma_wait3A_127 : memref<10240xf32, #tpu.memory_space<vmem_shared>>)
      %mul3A_128 = arith.constant 8 : i32
      %mul3A_129 = arith.muli %scan3A_39, %mul3A_128 : i32
      %add3A_130 = arith.constant 2 : i32
      %add3A_131 = arith.addi %mul3A_129, %add3A_130 : i32
      %dma_wait3A_132 = arith.constant 0 : i32
      %dma_wait3A_133 = tpu.memref_slice %arg6[%add3A_131, %dma_wait3A_132] : memref<40x512xi32, #tpu.memory_space<vmem>> -> memref<1x512xi32, #tpu.memory_space<vmem>>
      %dma_wait3A_134 = tpu.memref_squeeze %dma_wait3A_133 : memref<1x512xi32, #tpu.memory_space<vmem>> -> memref<512xi32, #tpu.memory_space<vmem>>
      %dma_wait3A_135 = arith.constant 0 : i32
      %dma_wait3A_136 = tpu.memref_slice %arg9[%dma_wait3A_135] : memref<10240xf32, #tpu.memory_space<vmem_shared>> -> memref<10240xf32, #tpu.memory_space<vmem_shared>>
      tpu.wait_indirect_dma semaphore(%arg10 : memref<!tpu.dma_semaphore, #tpu.memory_space<semaphore_mem>>) src(%arg7 : memref<512xf32, #tpu.memory_space<vmem>>) dst(%dma_wait3A_136 : memref<10240xf32, #tpu.memory_space<vmem_shared>>)
      %mul3A_137 = arith.constant 8 : i32
      %mul3A_138 = arith.muli %scan3A_39, %mul3A_137 : i32
      %add3A_139 = arith.constant 3 : i32
      %add3A_140 = arith.addi %mul3A_138, %add3A_139 : i32
      %dma_wait3A_141 = arith.constant 0 : i32
      %dma_wait3A_142 = tpu.memref_slice %arg6[%add3A_140, %dma_wait3A_141] : memref<40x512xi32, #tpu.memory_space<vmem>> -> memref<1x512xi32, #tpu.memory_space<vmem>>
      %dma_wait3A_143 = tpu.memref_squeeze %dma_wait3A_142 : memref<1x512xi32, #tpu.memory_space<vmem>> -> memref<512xi32, #tpu.memory_space<vmem>>
      %dma_wait3A_144 = arith.constant 0 : i32
      %dma_wait3A_145 = tpu.memref_slice %arg9[%dma_wait3A_144] : memref<10240xf32, #tpu.memory_space<vmem_shared>> -> memref<10240xf32, #tpu.memory_space<vmem_shared>>
      tpu.wait_indirect_dma semaphore(%arg10 : memref<!tpu.dma_semaphore, #tpu.memory_space<semaphore_mem>>) src(%arg7 : memref<512xf32, #tpu.memory_space<vmem>>) dst(%dma_wait3A_145 : memref<10240xf32, #tpu.memory_space<vmem_shared>>)
      %mul3A_146 = arith.constant 8 : i32
      %mul3A_147 = arith.muli %scan3A_39, %mul3A_146 : i32
      %add3A_148 = arith.constant 4 : i32
      %add3A_149 = arith.addi %mul3A_147, %add3A_148 : i32
      %dma_wait3A_150 = arith.constant 0 : i32
      %dma_wait3A_151 = tpu.memref_slice %arg6[%add3A_149, %dma_wait3A_150] : memref<40x512xi32, #tpu.memory_space<vmem>> -> memref<1x512xi32, #tpu.memory_space<vmem>>
      %dma_wait3A_152 = tpu.memref_squeeze %dma_wait3A_151 : memref<1x512xi32, #tpu.memory_space<vmem>> -> memref<512xi32, #tpu.memory_space<vmem>>
      %dma_wait3A_153 = arith.constant 0 : i32
      %dma_wait3A_154 = tpu.memref_slice %arg9[%dma_wait3A_153] : memref<10240xf32, #tpu.memory_space<vmem_shared>> -> memref<10240xf32, #tpu.memory_space<vmem_shared>>
      tpu.wait_indirect_dma semaphore(%arg10 : memref<!tpu.dma_semaphore, #tpu.memory_space<semaphore_mem>>) src(%arg7 : memref<512xf32, #tpu.memory_space<vmem>>) dst(%dma_wait3A_154 : memref<10240xf32, #tpu.memory_space<vmem_shared>>)
      %mul3A_155 = arith.constant 8 : i32
      %mul3A_156 = arith.muli %scan3A_39, %mul3A_155 : i32
      %add3A_157 = arith.constant 5 : i32
      %add3A_158 = arith.addi %mul3A_156, %add3A_157 : i32
      %dma_wait3A_159 = arith.constant 0 : i32
      %dma_wait3A_160 = tpu.memref_slice %arg6[%add3A_158, %dma_wait3A_159] : memref<40x512xi32, #tpu.memory_space<vmem>> -> memref<1x512xi32, #tpu.memory_space<vmem>>
      %dma_wait3A_161 = tpu.memref_squeeze %dma_wait3A_160 : memref<1x512xi32, #tpu.memory_space<vmem>> -> memref<512xi32, #tpu.memory_space<vmem>>
      %dma_wait3A_162 = arith.constant 0 : i32
      %dma_wait3A_163 = tpu.memref_slice %arg9[%dma_wait3A_162] : memref<10240xf32, #tpu.memory_space<vmem_shared>> -> memref<10240xf32, #tpu.memory_space<vmem_shared>>
      tpu.wait_indirect_dma semaphore(%arg10 : memref<!tpu.dma_semaphore, #tpu.memory_space<semaphore_mem>>) src(%arg7 : memref<512xf32, #tpu.memory_space<vmem>>) dst(%dma_wait3A_163 : memref<10240xf32, #tpu.memory_space<vmem_shared>>)
      %mul3A_164 = arith.constant 8 : i32
      %mul3A_165 = arith.muli %scan3A_39, %mul3A_164 : i32
      %add3A_166 = arith.constant 6 : i32
      %add3A_167 = arith.addi %mul3A_165, %add3A_166 : i32
      %dma_wait3A_168 = arith.constant 0 : i32
      %dma_wait3A_169 = tpu.memref_slice %arg6[%add3A_167, %dma_wait3A_168] : memref<40x512xi32, #tpu.memory_space<vmem>> -> memref<1x512xi32, #tpu.memory_space<vmem>>
      %dma_wait3A_170 = tpu.memref_squeeze %dma_wait3A_169 : memref<1x512xi32, #tpu.memory_space<vmem>> -> memref<512xi32, #tpu.memory_space<vmem>>
      %dma_wait3A_171 = arith.constant 0 : i32
      %dma_wait3A_172 = tpu.memref_slice %arg9[%dma_wait3A_171] : memref<10240xf32, #tpu.memory_space<vmem_shared>> -> memref<10240xf32, #tpu.memory_space<vmem_shared>>
      tpu.wait_indirect_dma semaphore(%arg10 : memref<!tpu.dma_semaphore, #tpu.memory_space<semaphore_mem>>) src(%arg7 : memref<512xf32, #tpu.memory_space<vmem>>) dst(%dma_wait3A_172 : memref<10240xf32, #tpu.memory_space<vmem_shared>>)
      %mul3A_173 = arith.constant 8 : i32
      %mul3A_174 = arith.muli %scan3A_39, %mul3A_173 : i32
      %add3A_175 = arith.constant 7 : i32
      %add3A_176 = arith.addi %mul3A_174, %add3A_175 : i32
      %dma_wait3A_177 = arith.constant 0 : i32
      %dma_wait3A_178 = tpu.memref_slice %arg6[%add3A_176, %dma_wait3A_177] : memref<40x512xi32, #tpu.memory_space<vmem>> -> memref<1x512xi32, #tpu.memory_space<vmem>>
      %dma_wait3A_179 = tpu.memref_squeeze %dma_wait3A_178 : memref<1x512xi32, #tpu.memory_space<vmem>> -> memref<512xi32, #tpu.memory_space<vmem>>
      %dma_wait3A_180 = arith.constant 0 : i32
      %dma_wait3A_181 = tpu.memref_slice %arg9[%dma_wait3A_180] : memref<10240xf32, #tpu.memory_space<vmem_shared>> -> memref<10240xf32, #tpu.memory_space<vmem_shared>>
      tpu.wait_indirect_dma semaphore(%arg10 : memref<!tpu.dma_semaphore, #tpu.memory_space<semaphore_mem>>) src(%arg7 : memref<512xf32, #tpu.memory_space<vmem>>) dst(%dma_wait3A_181 : memref<10240xf32, #tpu.memory_space<vmem_shared>>)
      %scan3A_182 = arith.constant 0 : i32
      scf.yield %scan3A_182 : i32
    }
    %scan3A_27 = arith.constant 5 : i32
    %barrier3A_28 = arith.constant 0 : index
    tpu.barrier barrier_id(%barrier3A_28)
    %eq3A_29 = arith.constant 0 : i32
    %eq3A_30 = arith.cmpi eq, %arg0, %eq3A_29 : i32
    %convert_element_type3A_31 = arith.extui %eq3A_30 : i1 to i32
    %cond3A_32 = arith.constant 0 : i32
    %cond3A_33 = arith.cmpi ne, %convert_element_type3A_31, %cond3A_32 : i32
    scf.if %cond3A_33 {
      %mul3A_39 = arith.constant 640 : i32
      %mul3A_40 = arith.muli %arg1, %mul3A_39 : i32
      %mul3A_41 = arith.constant 640 : i32
      %mul3A_42 = arith.muli %arg1, %mul3A_41 : i32
      "tpu.region"() ({
        %run_scoped3A = tpu.sem_alloc : memref<!tpu.dma_semaphore, #tpu.memory_space<semaphore_mem>>
        %dma_start3A = tpu.memref_slice %arg4[%mul3A_42] : memref<10240xf32, #tpu.memory_space<hbm>> -> memref<640xf32, #tpu.memory_space<hbm>>
        %dma_start3A_43 = tpu.memref_slice %arg9[%mul3A_40] : memref<10240xf32, #tpu.memory_space<vmem_shared>> -> memref<640xf32, #tpu.memory_space<vmem_shared>>
        tpu.enqueue_dma source(%dma_start3A_43 : memref<640xf32, #tpu.memory_space<vmem_shared>>) target(%dma_start3A : memref<640xf32, #tpu.memory_space<hbm>>) target_semaphore(%run_scoped3A : memref<!tpu.dma_semaphore, #tpu.memory_space<semaphore_mem>>)
        %dma_wait3A = tpu.memref_slice %arg4[%mul3A_42] : memref<10240xf32, #tpu.memory_space<hbm>> -> memref<640xf32, #tpu.memory_space<hbm>>
        %dma_wait3A_44 = tpu.memref_slice %arg9[%mul3A_40] : memref<10240xf32, #tpu.memory_space<vmem_shared>> -> memref<640xf32, #tpu.memory_space<vmem_shared>>
        tpu.wait_dma2 semaphore(%run_scoped3A : memref<!tpu.dma_semaphore, #tpu.memory_space<semaphore_mem>>) src(%dma_wait3A_44 : memref<640xf32, #tpu.memory_space<vmem_shared>>) dst(%dma_wait3A : memref<640xf32, #tpu.memory_space<hbm>>)
        tpu.yield
      }) : () -> ()
    } else {
    }
    %eq3A_34 = arith.constant 1 : i32
    %eq3A_35 = arith.cmpi eq, %arg0, %eq3A_34 : i32
    %convert_element_type3A_36 = arith.extui %eq3A_35 : i1 to i32
    %cond3A_37 = arith.constant 0 : i32
    %cond3A_38 = arith.cmpi ne, %convert_element_type3A_36, %cond3A_37 : i32
    scf.if %cond3A_38 {
      %mul3A_39 = arith.constant 640 : i32
      %mul3A_40 = arith.muli %arg1, %mul3A_39 : i32
      %mul3A_41 = arith.constant 640 : i32
      %mul3A_42 = arith.muli %arg1, %mul3A_41 : i32
      "tpu.region"() ({
        %run_scoped3A = tpu.sem_alloc : memref<!tpu.dma_semaphore, #tpu.memory_space<semaphore_mem>>
        %dma_start3A = tpu.memref_slice %arg5[%mul3A_42] : memref<10240xf32, #tpu.memory_space<hbm>> -> memref<640xf32, #tpu.memory_space<hbm>>
        %dma_start3A_43 = tpu.memref_slice %arg9[%mul3A_40] : memref<10240xf32, #tpu.memory_space<vmem_shared>> -> memref<640xf32, #tpu.memory_space<vmem_shared>>
        tpu.enqueue_dma source(%dma_start3A_43 : memref<640xf32, #tpu.memory_space<vmem_shared>>) target(%dma_start3A : memref<640xf32, #tpu.memory_space<hbm>>) target_semaphore(%run_scoped3A : memref<!tpu.dma_semaphore, #tpu.memory_space<semaphore_mem>>)
        %dma_wait3A = tpu.memref_slice %arg5[%mul3A_42] : memref<10240xf32, #tpu.memory_space<hbm>> -> memref<640xf32, #tpu.memory_space<hbm>>
        %dma_wait3A_44 = tpu.memref_slice %arg9[%mul3A_40] : memref<10240xf32, #tpu.memory_space<vmem_shared>> -> memref<640xf32, #tpu.memory_space<vmem_shared>>
        tpu.wait_dma2 semaphore(%run_scoped3A : memref<!tpu.dma_semaphore, #tpu.memory_space<semaphore_mem>>) src(%dma_wait3A_44 : memref<640xf32, #tpu.memory_space<vmem_shared>>) dst(%dma_wait3A : memref<640xf32, #tpu.memory_space<hbm>>)
        tpu.yield
      }) : () -> ()
    } else {
    }
    return
  }
}

#map = affine_map<(d0, d1) -> (0, 0)>
#map1 = affine_map<(d0, d1) -> (0, 0, 0)>
module attributes {stable_mosaic.version = 14 : i64} {
  func.func @body(%arg0: i32, %arg1: i32, %arg2: memref<10240x80xbf16, #tpu.memory_space<hbm>>, %arg3: memref<10240x80xbf16, #tpu.memory_space<hbm>>, %arg4: memref<16x40x512xi32, #tpu.memory_space<hbm>>, %arg5: memref<16x40x512xi32, #tpu.memory_space<hbm>>, %arg6: memref<16x40x512xi32, #tpu.memory_space<hbm>>, %arg7: memref<16x40x512xi32, #tpu.memory_space<hbm>>, %arg8: memref<640x80xbf16, #tpu.memory_space<hbm>>, %arg9: memref<10240x80xbf16, #tpu.memory_space<hbm>>, %arg10: memref<10240x80xbf16, #tpu.memory_space<hbm>>, %arg11: memref<40x512xi32, #tpu.memory_space<vmem>>, %arg12: memref<40x512xi32, #tpu.memory_space<vmem>>, %arg13: memref<512x80xbf16, #tpu.memory_space<vmem>>, %arg14: memref<512x80xbf16, #tpu.memory_space<vmem>>, %arg15: memref<10240x80xbf16, #tpu.memory_space<vmem_shared>>, %arg16: memref<!tpu.dma_semaphore, #tpu.memory_space<semaphore_mem>>, %arg17: memref<!tpu.dma_semaphore, #tpu.memory_space<semaphore_mem>>) attributes {dimension_semantics = [#tpu.dimension_semantics<core_parallel>, #tpu.dimension_semantics<subcore_parallel>], iteration_bounds = array<i64: 2, 16>, scalar_prefetch = 0 : i64, scratch_operands = 7 : i64, tpu.core_type = #tpu.core_type<sc_vector_subcore>, window_params = [{transform_indices = #map}, {transform_indices = #map}, {transform_indices = #map1}, {transform_indices = #map1}, {transform_indices = #map1}, {transform_indices = #map1}, {transform_indices = #map}, {transform_indices = #map}, {transform_indices = #map}]} {
    %eq3A = arith.constant 0 : i32
    %eq3A_0 = arith.cmpi eq, %arg0, %eq3A : i32
    %convert_element_type3A = arith.extui %eq3A_0 : i1 to i32
    %cond3A = arith.constant 0 : i32
    %cond3A_1 = arith.cmpi ne, %convert_element_type3A, %cond3A : i32
    scf.if %cond3A_1 {
      %mul3A = arith.constant 640 : i32
      %mul3A_7 = arith.muli %arg1, %mul3A : i32
      "tpu.region"() ({
        %run_scoped3A = tpu.sem_alloc : memref<!tpu.dma_semaphore, #tpu.memory_space<semaphore_mem>>
        %dma_start3A_25 = arith.constant 0 : i32
        %dma_start3A_26 = tpu.memref_slice %arg15[%mul3A_7, %dma_start3A_25] : memref<10240x80xbf16, #tpu.memory_space<vmem_shared>> -> memref<640x80xbf16, #tpu.memory_space<vmem_shared>>
        tpu.enqueue_dma source(%arg8 : memref<640x80xbf16, #tpu.memory_space<hbm>>) target(%dma_start3A_26 : memref<640x80xbf16, #tpu.memory_space<vmem_shared>>) target_semaphore(%run_scoped3A : memref<!tpu.dma_semaphore, #tpu.memory_space<semaphore_mem>>)
        %dma_wait3A = arith.constant 0 : i32
        %dma_wait3A_27 = tpu.memref_slice %arg15[%mul3A_7, %dma_wait3A] : memref<10240x80xbf16, #tpu.memory_space<vmem_shared>> -> memref<640x80xbf16, #tpu.memory_space<vmem_shared>>
        tpu.wait_dma2 semaphore(%run_scoped3A : memref<!tpu.dma_semaphore, #tpu.memory_space<semaphore_mem>>) src(%arg8 : memref<640x80xbf16, #tpu.memory_space<hbm>>) dst(%dma_wait3A_27 : memref<640x80xbf16, #tpu.memory_space<vmem_shared>>)
        tpu.yield
      }) : () -> ()
      "tpu.region"() ({
        %run_scoped3A = tpu.sem_alloc : memref<!tpu.dma_semaphore, #tpu.memory_space<semaphore_mem>>
        %dma_start3A_25 = arith.constant 0 : i32
        %dma_start3A_26 = arith.constant 0 : i32
        %dma_start3A_27 = tpu.memref_slice %arg4[%arg1, %dma_start3A_25, %dma_start3A_26] : memref<16x40x512xi32, #tpu.memory_space<hbm>> -> memref<1x40x512xi32, #tpu.memory_space<hbm>>
        %dma_start3A_28 = tpu.memref_squeeze %dma_start3A_27 : memref<1x40x512xi32, #tpu.memory_space<hbm>> -> memref<40x512xi32, #tpu.memory_space<hbm>>
        %dma_start3A_29 = arith.constant 0 : i32
        %dma_start3A_30 = arith.constant 0 : i32
        %dma_start3A_31 = tpu.memref_slice %arg4[%arg1, %dma_start3A_29, %dma_start3A_30] : memref<16x40x512xi32, #tpu.memory_space<hbm>> -> memref<1x40x512xi32, #tpu.memory_space<hbm>>
        %dma_start3A_32 = tpu.memref_squeeze %dma_start3A_31 : memref<1x40x512xi32, #tpu.memory_space<hbm>> -> memref<40x512xi32, #tpu.memory_space<hbm>>
        tpu.enqueue_dma source(%dma_start3A_32 : memref<40x512xi32, #tpu.memory_space<hbm>>) target(%arg11 : memref<40x512xi32, #tpu.memory_space<vmem>>) target_semaphore(%run_scoped3A : memref<!tpu.dma_semaphore, #tpu.memory_space<semaphore_mem>>)
        %dma_wait3A = arith.constant 0 : i32
        %dma_wait3A_33 = arith.constant 0 : i32
        %dma_wait3A_34 = tpu.memref_slice %arg4[%arg1, %dma_wait3A, %dma_wait3A_33] : memref<16x40x512xi32, #tpu.memory_space<hbm>> -> memref<1x40x512xi32, #tpu.memory_space<hbm>>
        %dma_wait3A_35 = tpu.memref_squeeze %dma_wait3A_34 : memref<1x40x512xi32, #tpu.memory_space<hbm>> -> memref<40x512xi32, #tpu.memory_space<hbm>>
        %dma_wait3A_36 = arith.constant 0 : i32
        %dma_wait3A_37 = arith.constant 0 : i32
        %dma_wait3A_38 = tpu.memref_slice %arg4[%arg1, %dma_wait3A_36, %dma_wait3A_37] : memref<16x40x512xi32, #tpu.memory_space<hbm>> -> memref<1x40x512xi32, #tpu.memory_space<hbm>>
        %dma_wait3A_39 = tpu.memref_squeeze %dma_wait3A_38 : memref<1x40x512xi32, #tpu.memory_space<hbm>> -> memref<40x512xi32, #tpu.memory_space<hbm>>
        tpu.wait_dma2 semaphore(%run_scoped3A : memref<!tpu.dma_semaphore, #tpu.memory_space<semaphore_mem>>) src(%dma_wait3A_39 : memref<40x512xi32, #tpu.memory_space<hbm>>) dst(%arg11 : memref<40x512xi32, #tpu.memory_space<vmem>>)
        tpu.yield
      }) : () -> ()
      "tpu.region"() ({
        %run_scoped3A = tpu.sem_alloc : memref<!tpu.dma_semaphore, #tpu.memory_space<semaphore_mem>>
        %dma_start3A_25 = arith.constant 0 : i32
        %dma_start3A_26 = arith.constant 0 : i32
        %dma_start3A_27 = tpu.memref_slice %arg5[%arg1, %dma_start3A_25, %dma_start3A_26] : memref<16x40x512xi32, #tpu.memory_space<hbm>> -> memref<1x40x512xi32, #tpu.memory_space<hbm>>
        %dma_start3A_28 = tpu.memref_squeeze %dma_start3A_27 : memref<1x40x512xi32, #tpu.memory_space<hbm>> -> memref<40x512xi32, #tpu.memory_space<hbm>>
        %dma_start3A_29 = arith.constant 0 : i32
        %dma_start3A_30 = arith.constant 0 : i32
        %dma_start3A_31 = tpu.memref_slice %arg5[%arg1, %dma_start3A_29, %dma_start3A_30] : memref<16x40x512xi32, #tpu.memory_space<hbm>> -> memref<1x40x512xi32, #tpu.memory_space<hbm>>
        %dma_start3A_32 = tpu.memref_squeeze %dma_start3A_31 : memref<1x40x512xi32, #tpu.memory_space<hbm>> -> memref<40x512xi32, #tpu.memory_space<hbm>>
        tpu.enqueue_dma source(%dma_start3A_32 : memref<40x512xi32, #tpu.memory_space<hbm>>) target(%arg12 : memref<40x512xi32, #tpu.memory_space<vmem>>) target_semaphore(%run_scoped3A : memref<!tpu.dma_semaphore, #tpu.memory_space<semaphore_mem>>)
        %dma_wait3A = arith.constant 0 : i32
        %dma_wait3A_33 = arith.constant 0 : i32
        %dma_wait3A_34 = tpu.memref_slice %arg5[%arg1, %dma_wait3A, %dma_wait3A_33] : memref<16x40x512xi32, #tpu.memory_space<hbm>> -> memref<1x40x512xi32, #tpu.memory_space<hbm>>
        %dma_wait3A_35 = tpu.memref_squeeze %dma_wait3A_34 : memref<1x40x512xi32, #tpu.memory_space<hbm>> -> memref<40x512xi32, #tpu.memory_space<hbm>>
        %dma_wait3A_36 = arith.constant 0 : i32
        %dma_wait3A_37 = arith.constant 0 : i32
        %dma_wait3A_38 = tpu.memref_slice %arg5[%arg1, %dma_wait3A_36, %dma_wait3A_37] : memref<16x40x512xi32, #tpu.memory_space<hbm>> -> memref<1x40x512xi32, #tpu.memory_space<hbm>>
        %dma_wait3A_39 = tpu.memref_squeeze %dma_wait3A_38 : memref<1x40x512xi32, #tpu.memory_space<hbm>> -> memref<40x512xi32, #tpu.memory_space<hbm>>
        tpu.wait_dma2 semaphore(%run_scoped3A : memref<!tpu.dma_semaphore, #tpu.memory_space<semaphore_mem>>) src(%dma_wait3A_39 : memref<40x512xi32, #tpu.memory_space<hbm>>) dst(%arg12 : memref<40x512xi32, #tpu.memory_space<vmem>>)
        tpu.yield
      }) : () -> ()
      %barrier3A = arith.constant 0 : index
      tpu.barrier barrier_id(%barrier3A)
      %dma_start3A = arith.constant 0 : i32
      %dma_start3A_8 = arith.constant 0 : i32
      %dma_start3A_9 = tpu.memref_slice %arg11[%dma_start3A, %dma_start3A_8] : memref<40x512xi32, #tpu.memory_space<vmem>> -> memref<1x512xi32, #tpu.memory_space<vmem>>
      %dma_start3A_10 = tpu.memref_squeeze %dma_start3A_9 : memref<1x512xi32, #tpu.memory_space<vmem>> -> memref<512xi32, #tpu.memory_space<vmem>>
      %dma_start3A_11 = arith.constant 0 : i32
      %dma_start3A_12 = arith.constant 0 : i32
      %dma_start3A_13 = tpu.memref_slice %arg2[%dma_start3A_11, %dma_start3A_12] : memref<10240x80xbf16, #tpu.memory_space<hbm>> -> memref<10240x80xbf16, #tpu.memory_space<hbm>>
      tpu.enqueue_indirect_dma source(%dma_start3A_13 : memref<10240x80xbf16, #tpu.memory_space<hbm>>) target(%arg13 : memref<512x80xbf16, #tpu.memory_space<vmem>>) offsets(%dma_start3A_10 : memref<512xi32, #tpu.memory_space<vmem>>) semaphore(%arg16 : memref<!tpu.dma_semaphore, #tpu.memory_space<semaphore_mem>>)
      %scan3A = arith.constant 0 : i32
      %scan3A_14 = arith.constant 0 : i32
      %scan3A_15 = arith.constant 20 : i32
      %scan3A_16 = arith.addi %scan3A_14, %scan3A_15 : i32
      %scan3A_17 = arith.constant 1 : i32
      %scan3A_18 = scf.for %scan3A_25 = %scan3A_14 to %scan3A_16 step %scan3A_17 iter_args(%scan3A_26 = %scan3A) -> (i32)  : i32 {
        %mul3A_27 = arith.constant 2 : i32
        %mul3A_28 = arith.muli %mul3A_27, %scan3A_25 : i32
        %add3A = arith.constant 1 : i32
        %add3A_29 = arith.addi %mul3A_28, %add3A : i32
        %lt3A = arith.constant 40 : i32
        %lt3A_30 = arith.cmpi slt, %add3A_29, %lt3A : i32
        %convert_element_type3A_31 = arith.extui %lt3A_30 : i1 to i32
        %cond3A_32 = arith.constant 0 : i32
        %cond3A_33 = arith.cmpi ne, %convert_element_type3A_31, %cond3A_32 : i32
        scf.if %cond3A_33 {
          %add3A_57 = arith.constant 1 : i32
          %add3A_58 = arith.addi %mul3A_28, %add3A_57 : i32
          %dma_start3A_59 = arith.constant 0 : i32
          %dma_start3A_60 = tpu.memref_slice %arg11[%add3A_58, %dma_start3A_59] : memref<40x512xi32, #tpu.memory_space<vmem>> -> memref<1x512xi32, #tpu.memory_space<vmem>>
          %dma_start3A_61 = tpu.memref_squeeze %dma_start3A_60 : memref<1x512xi32, #tpu.memory_space<vmem>> -> memref<512xi32, #tpu.memory_space<vmem>>
          %dma_start3A_62 = arith.constant 0 : i32
          %dma_start3A_63 = arith.constant 0 : i32
          %dma_start3A_64 = tpu.memref_slice %arg2[%dma_start3A_62, %dma_start3A_63] : memref<10240x80xbf16, #tpu.memory_space<hbm>> -> memref<10240x80xbf16, #tpu.memory_space<hbm>>
          tpu.enqueue_indirect_dma source(%dma_start3A_64 : memref<10240x80xbf16, #tpu.memory_space<hbm>>) target(%arg14 : memref<512x80xbf16, #tpu.memory_space<vmem>>) offsets(%dma_start3A_61 : memref<512xi32, #tpu.memory_space<vmem>>) semaphore(%arg17 : memref<!tpu.dma_semaphore, #tpu.memory_space<semaphore_mem>>)
        } else {
        }
        %dma_wait3A = arith.constant 0 : i32
        %dma_wait3A_34 = tpu.memref_slice %arg11[%mul3A_28, %dma_wait3A] : memref<40x512xi32, #tpu.memory_space<vmem>> -> memref<1x512xi32, #tpu.memory_space<vmem>>
        %dma_wait3A_35 = tpu.memref_squeeze %dma_wait3A_34 : memref<1x512xi32, #tpu.memory_space<vmem>> -> memref<512xi32, #tpu.memory_space<vmem>>
        %dma_wait3A_36 = arith.constant 0 : i32
        %dma_wait3A_37 = arith.constant 0 : i32
        %dma_wait3A_38 = tpu.memref_slice %arg2[%dma_wait3A_36, %dma_wait3A_37] : memref<10240x80xbf16, #tpu.memory_space<hbm>> -> memref<10240x80xbf16, #tpu.memory_space<hbm>>
        tpu.wait_indirect_dma semaphore(%arg16 : memref<!tpu.dma_semaphore, #tpu.memory_space<semaphore_mem>>) src(%dma_wait3A_38 : memref<10240x80xbf16, #tpu.memory_space<hbm>>) dst(%arg13 : memref<512x80xbf16, #tpu.memory_space<vmem>>)
        "tpu.region"() ({
          %run_scoped3A = tpu.sem_alloc : memref<!tpu.dma_semaphore, #tpu.memory_space<semaphore_mem>>
          %dma_start3A_57 = arith.constant 0 : i32
          %dma_start3A_58 = tpu.memref_slice %arg12[%mul3A_28, %dma_start3A_57] : memref<40x512xi32, #tpu.memory_space<vmem>> -> memref<1x512xi32, #tpu.memory_space<vmem>>
          %dma_start3A_59 = tpu.memref_squeeze %dma_start3A_58 : memref<1x512xi32, #tpu.memory_space<vmem>> -> memref<512xi32, #tpu.memory_space<vmem>>
          %dma_start3A_60 = arith.constant 0 : i32
          %dma_start3A_61 = arith.constant 0 : i32
          %dma_start3A_62 = tpu.memref_slice %arg15[%dma_start3A_60, %dma_start3A_61] : memref<10240x80xbf16, #tpu.memory_space<vmem_shared>> -> memref<10240x80xbf16, #tpu.memory_space<vmem_shared>>
          tpu.enqueue_indirect_dma source(%arg13 : memref<512x80xbf16, #tpu.memory_space<vmem>>) target(%dma_start3A_62 : memref<10240x80xbf16, #tpu.memory_space<vmem_shared>>) offsets(%dma_start3A_59 : memref<512xi32, #tpu.memory_space<vmem>>) semaphore(%run_scoped3A : memref<!tpu.dma_semaphore, #tpu.memory_space<semaphore_mem>>) {add = true}
          %dma_wait3A_63 = arith.constant 0 : i32
          %dma_wait3A_64 = tpu.memref_slice %arg12[%mul3A_28, %dma_wait3A_63] : memref<40x512xi32, #tpu.memory_space<vmem>> -> memref<1x512xi32, #tpu.memory_space<vmem>>
          %dma_wait3A_65 = tpu.memref_squeeze %dma_wait3A_64 : memref<1x512xi32, #tpu.memory_space<vmem>> -> memref<512xi32, #tpu.memory_space<vmem>>
          %dma_wait3A_66 = arith.constant 0 : i32
          %dma_wait3A_67 = arith.constant 0 : i32
          %dma_wait3A_68 = tpu.memref_slice %arg15[%dma_wait3A_66, %dma_wait3A_67] : memref<10240x80xbf16, #tpu.memory_space<vmem_shared>> -> memref<10240x80xbf16, #tpu.memory_space<vmem_shared>>
          tpu.wait_indirect_dma semaphore(%run_scoped3A : memref<!tpu.dma_semaphore, #tpu.memory_space<semaphore_mem>>) src(%arg13 : memref<512x80xbf16, #tpu.memory_space<vmem>>) dst(%dma_wait3A_68 : memref<10240x80xbf16, #tpu.memory_space<vmem_shared>>)
          tpu.yield
        }) : () -> ()
        %mul3A_39 = arith.constant 2 : i32
        %mul3A_40 = arith.muli %mul3A_39, %scan3A_25 : i32
        %add3A_41 = arith.constant 1 : i32
        %add3A_42 = arith.addi %mul3A_40, %add3A_41 : i32
        %add3A_43 = arith.constant 1 : i32
        %add3A_44 = arith.addi %add3A_42, %add3A_43 : i32
        %lt3A_45 = arith.constant 40 : i32
        %lt3A_46 = arith.cmpi slt, %add3A_44, %lt3A_45 : i32
        %convert_element_type3A_47 = arith.extui %lt3A_46 : i1 to i32
        %cond3A_48 = arith.constant 0 : i32
        %cond3A_49 = arith.cmpi ne, %convert_element_type3A_47, %cond3A_48 : i32
        scf.if %cond3A_49 {
          %add3A_57 = arith.constant 1 : i32
          %add3A_58 = arith.addi %add3A_42, %add3A_57 : i32
          %dma_start3A_59 = arith.constant 0 : i32
          %dma_start3A_60 = tpu.memref_slice %arg11[%add3A_58, %dma_start3A_59] : memref<40x512xi32, #tpu.memory_space<vmem>> -> memref<1x512xi32, #tpu.memory_space<vmem>>
          %dma_start3A_61 = tpu.memref_squeeze %dma_start3A_60 : memref<1x512xi32, #tpu.memory_space<vmem>> -> memref<512xi32, #tpu.memory_space<vmem>>
          %dma_start3A_62 = arith.constant 0 : i32
          %dma_start3A_63 = arith.constant 0 : i32
          %dma_start3A_64 = tpu.memref_slice %arg2[%dma_start3A_62, %dma_start3A_63] : memref<10240x80xbf16, #tpu.memory_space<hbm>> -> memref<10240x80xbf16, #tpu.memory_space<hbm>>
          tpu.enqueue_indirect_dma source(%dma_start3A_64 : memref<10240x80xbf16, #tpu.memory_space<hbm>>) target(%arg13 : memref<512x80xbf16, #tpu.memory_space<vmem>>) offsets(%dma_start3A_61 : memref<512xi32, #tpu.memory_space<vmem>>) semaphore(%arg16 : memref<!tpu.dma_semaphore, #tpu.memory_space<semaphore_mem>>)
        } else {
        }
        %dma_wait3A_50 = arith.constant 0 : i32
        %dma_wait3A_51 = tpu.memref_slice %arg11[%add3A_42, %dma_wait3A_50] : memref<40x512xi32, #tpu.memory_space<vmem>> -> memref<1x512xi32, #tpu.memory_space<vmem>>
        %dma_wait3A_52 = tpu.memref_squeeze %dma_wait3A_51 : memref<1x512xi32, #tpu.memory_space<vmem>> -> memref<512xi32, #tpu.memory_space<vmem>>
        %dma_wait3A_53 = arith.constant 0 : i32
        %dma_wait3A_54 = arith.constant 0 : i32
        %dma_wait3A_55 = tpu.memref_slice %arg2[%dma_wait3A_53, %dma_wait3A_54] : memref<10240x80xbf16, #tpu.memory_space<hbm>> -> memref<10240x80xbf16, #tpu.memory_space<hbm>>
        tpu.wait_indirect_dma semaphore(%arg17 : memref<!tpu.dma_semaphore, #tpu.memory_space<semaphore_mem>>) src(%dma_wait3A_55 : memref<10240x80xbf16, #tpu.memory_space<hbm>>) dst(%arg14 : memref<512x80xbf16, #tpu.memory_space<vmem>>)
        "tpu.region"() ({
          %run_scoped3A = tpu.sem_alloc : memref<!tpu.dma_semaphore, #tpu.memory_space<semaphore_mem>>
          %dma_start3A_57 = arith.constant 0 : i32
          %dma_start3A_58 = tpu.memref_slice %arg12[%add3A_42, %dma_start3A_57] : memref<40x512xi32, #tpu.memory_space<vmem>> -> memref<1x512xi32, #tpu.memory_space<vmem>>
          %dma_start3A_59 = tpu.memref_squeeze %dma_start3A_58 : memref<1x512xi32, #tpu.memory_space<vmem>> -> memref<512xi32, #tpu.memory_space<vmem>>
          %dma_start3A_60 = arith.constant 0 : i32
          %dma_start3A_61 = arith.constant 0 : i32
          %dma_start3A_62 = tpu.memref_slice %arg15[%dma_start3A_60, %dma_start3A_61] : memref<10240x80xbf16, #tpu.memory_space<vmem_shared>> -> memref<10240x80xbf16, #tpu.memory_space<vmem_shared>>
          tpu.enqueue_indirect_dma source(%arg14 : memref<512x80xbf16, #tpu.memory_space<vmem>>) target(%dma_start3A_62 : memref<10240x80xbf16, #tpu.memory_space<vmem_shared>>) offsets(%dma_start3A_59 : memref<512xi32, #tpu.memory_space<vmem>>) semaphore(%run_scoped3A : memref<!tpu.dma_semaphore, #tpu.memory_space<semaphore_mem>>) {add = true}
          %dma_wait3A_63 = arith.constant 0 : i32
          %dma_wait3A_64 = tpu.memref_slice %arg12[%add3A_42, %dma_wait3A_63] : memref<40x512xi32, #tpu.memory_space<vmem>> -> memref<1x512xi32, #tpu.memory_space<vmem>>
          %dma_wait3A_65 = tpu.memref_squeeze %dma_wait3A_64 : memref<1x512xi32, #tpu.memory_space<vmem>> -> memref<512xi32, #tpu.memory_space<vmem>>
          %dma_wait3A_66 = arith.constant 0 : i32
          %dma_wait3A_67 = arith.constant 0 : i32
          %dma_wait3A_68 = tpu.memref_slice %arg15[%dma_wait3A_66, %dma_wait3A_67] : memref<10240x80xbf16, #tpu.memory_space<vmem_shared>> -> memref<10240x80xbf16, #tpu.memory_space<vmem_shared>>
          tpu.wait_indirect_dma semaphore(%run_scoped3A : memref<!tpu.dma_semaphore, #tpu.memory_space<semaphore_mem>>) src(%arg14 : memref<512x80xbf16, #tpu.memory_space<vmem>>) dst(%dma_wait3A_68 : memref<10240x80xbf16, #tpu.memory_space<vmem_shared>>)
          tpu.yield
        }) : () -> ()
        %scan3A_56 = arith.constant 0 : i32
        scf.yield %scan3A_56 : i32
      }
      %scan3A_19 = arith.constant 20 : i32
      %barrier3A_20 = arith.constant 0 : index
      tpu.barrier barrier_id(%barrier3A_20)
      %mul3A_21 = arith.constant 640 : i32
      %mul3A_22 = arith.muli %arg1, %mul3A_21 : i32
      %mul3A_23 = arith.constant 640 : i32
      %mul3A_24 = arith.muli %arg1, %mul3A_23 : i32
      "tpu.region"() ({
        %run_scoped3A = tpu.sem_alloc : memref<!tpu.dma_semaphore, #tpu.memory_space<semaphore_mem>>
        %dma_start3A_25 = arith.constant 0 : i32
        %dma_start3A_26 = tpu.memref_slice %arg9[%mul3A_24, %dma_start3A_25] : memref<10240x80xbf16, #tpu.memory_space<hbm>> -> memref<640x80xbf16, #tpu.memory_space<hbm>>
        %dma_start3A_27 = arith.constant 0 : i32
        %dma_start3A_28 = tpu.memref_slice %arg15[%mul3A_22, %dma_start3A_27] : memref<10240x80xbf16, #tpu.memory_space<vmem_shared>> -> memref<640x80xbf16, #tpu.memory_space<vmem_shared>>
        tpu.enqueue_dma source(%dma_start3A_28 : memref<640x80xbf16, #tpu.memory_space<vmem_shared>>) target(%dma_start3A_26 : memref<640x80xbf16, #tpu.memory_space<hbm>>) target_semaphore(%run_scoped3A : memref<!tpu.dma_semaphore, #tpu.memory_space<semaphore_mem>>)
        %dma_wait3A = arith.constant 0 : i32
        %dma_wait3A_29 = tpu.memref_slice %arg9[%mul3A_24, %dma_wait3A] : memref<10240x80xbf16, #tpu.memory_space<hbm>> -> memref<640x80xbf16, #tpu.memory_space<hbm>>
        %dma_wait3A_30 = arith.constant 0 : i32
        %dma_wait3A_31 = tpu.memref_slice %arg15[%mul3A_22, %dma_wait3A_30] : memref<10240x80xbf16, #tpu.memory_space<vmem_shared>> -> memref<640x80xbf16, #tpu.memory_space<vmem_shared>>
        tpu.wait_dma2 semaphore(%run_scoped3A : memref<!tpu.dma_semaphore, #tpu.memory_space<semaphore_mem>>) src(%dma_wait3A_31 : memref<640x80xbf16, #tpu.memory_space<vmem_shared>>) dst(%dma_wait3A_29 : memref<640x80xbf16, #tpu.memory_space<hbm>>)
        tpu.yield
      }) : () -> ()
    } else {
    }
    %eq3A_2 = arith.constant 1 : i32
    %eq3A_3 = arith.cmpi eq, %arg0, %eq3A_2 : i32
    %convert_element_type3A_4 = arith.extui %eq3A_3 : i1 to i32
    %cond3A_5 = arith.constant 0 : i32
    %cond3A_6 = arith.cmpi ne, %convert_element_type3A_4, %cond3A_5 : i32
    scf.if %cond3A_6 {
      %mul3A = arith.constant 640 : i32
      %mul3A_7 = arith.muli %arg1, %mul3A : i32
      "tpu.region"() ({
        %run_scoped3A = tpu.sem_alloc : memref<!tpu.dma_semaphore, #tpu.memory_space<semaphore_mem>>
        %dma_start3A_25 = arith.constant 0 : i32
        %dma_start3A_26 = tpu.memref_slice %arg15[%mul3A_7, %dma_start3A_25] : memref<10240x80xbf16, #tpu.memory_space<vmem_shared>> -> memref<640x80xbf16, #tpu.memory_space<vmem_shared>>
        tpu.enqueue_dma source(%arg8 : memref<640x80xbf16, #tpu.memory_space<hbm>>) target(%dma_start3A_26 : memref<640x80xbf16, #tpu.memory_space<vmem_shared>>) target_semaphore(%run_scoped3A : memref<!tpu.dma_semaphore, #tpu.memory_space<semaphore_mem>>)
        %dma_wait3A = arith.constant 0 : i32
        %dma_wait3A_27 = tpu.memref_slice %arg15[%mul3A_7, %dma_wait3A] : memref<10240x80xbf16, #tpu.memory_space<vmem_shared>> -> memref<640x80xbf16, #tpu.memory_space<vmem_shared>>
        tpu.wait_dma2 semaphore(%run_scoped3A : memref<!tpu.dma_semaphore, #tpu.memory_space<semaphore_mem>>) src(%arg8 : memref<640x80xbf16, #tpu.memory_space<hbm>>) dst(%dma_wait3A_27 : memref<640x80xbf16, #tpu.memory_space<vmem_shared>>)
        tpu.yield
      }) : () -> ()
      "tpu.region"() ({
        %run_scoped3A = tpu.sem_alloc : memref<!tpu.dma_semaphore, #tpu.memory_space<semaphore_mem>>
        %dma_start3A_25 = arith.constant 0 : i32
        %dma_start3A_26 = arith.constant 0 : i32
        %dma_start3A_27 = tpu.memref_slice %arg6[%arg1, %dma_start3A_25, %dma_start3A_26] : memref<16x40x512xi32, #tpu.memory_space<hbm>> -> memref<1x40x512xi32, #tpu.memory_space<hbm>>
        %dma_start3A_28 = tpu.memref_squeeze %dma_start3A_27 : memref<1x40x512xi32, #tpu.memory_space<hbm>> -> memref<40x512xi32, #tpu.memory_space<hbm>>
        %dma_start3A_29 = arith.constant 0 : i32
        %dma_start3A_30 = arith.constant 0 : i32
        %dma_start3A_31 = tpu.memref_slice %arg6[%arg1, %dma_start3A_29, %dma_start3A_30] : memref<16x40x512xi32, #tpu.memory_space<hbm>> -> memref<1x40x512xi32, #tpu.memory_space<hbm>>
        %dma_start3A_32 = tpu.memref_squeeze %dma_start3A_31 : memref<1x40x512xi32, #tpu.memory_space<hbm>> -> memref<40x512xi32, #tpu.memory_space<hbm>>
        tpu.enqueue_dma source(%dma_start3A_32 : memref<40x512xi32, #tpu.memory_space<hbm>>) target(%arg11 : memref<40x512xi32, #tpu.memory_space<vmem>>) target_semaphore(%run_scoped3A : memref<!tpu.dma_semaphore, #tpu.memory_space<semaphore_mem>>)
        %dma_wait3A = arith.constant 0 : i32
        %dma_wait3A_33 = arith.constant 0 : i32
        %dma_wait3A_34 = tpu.memref_slice %arg6[%arg1, %dma_wait3A, %dma_wait3A_33] : memref<16x40x512xi32, #tpu.memory_space<hbm>> -> memref<1x40x512xi32, #tpu.memory_space<hbm>>
        %dma_wait3A_35 = tpu.memref_squeeze %dma_wait3A_34 : memref<1x40x512xi32, #tpu.memory_space<hbm>> -> memref<40x512xi32, #tpu.memory_space<hbm>>
        %dma_wait3A_36 = arith.constant 0 : i32
        %dma_wait3A_37 = arith.constant 0 : i32
        %dma_wait3A_38 = tpu.memref_slice %arg6[%arg1, %dma_wait3A_36, %dma_wait3A_37] : memref<16x40x512xi32, #tpu.memory_space<hbm>> -> memref<1x40x512xi32, #tpu.memory_space<hbm>>
        %dma_wait3A_39 = tpu.memref_squeeze %dma_wait3A_38 : memref<1x40x512xi32, #tpu.memory_space<hbm>> -> memref<40x512xi32, #tpu.memory_space<hbm>>
        tpu.wait_dma2 semaphore(%run_scoped3A : memref<!tpu.dma_semaphore, #tpu.memory_space<semaphore_mem>>) src(%dma_wait3A_39 : memref<40x512xi32, #tpu.memory_space<hbm>>) dst(%arg11 : memref<40x512xi32, #tpu.memory_space<vmem>>)
        tpu.yield
      }) : () -> ()
      "tpu.region"() ({
        %run_scoped3A = tpu.sem_alloc : memref<!tpu.dma_semaphore, #tpu.memory_space<semaphore_mem>>
        %dma_start3A_25 = arith.constant 0 : i32
        %dma_start3A_26 = arith.constant 0 : i32
        %dma_start3A_27 = tpu.memref_slice %arg7[%arg1, %dma_start3A_25, %dma_start3A_26] : memref<16x40x512xi32, #tpu.memory_space<hbm>> -> memref<1x40x512xi32, #tpu.memory_space<hbm>>
        %dma_start3A_28 = tpu.memref_squeeze %dma_start3A_27 : memref<1x40x512xi32, #tpu.memory_space<hbm>> -> memref<40x512xi32, #tpu.memory_space<hbm>>
        %dma_start3A_29 = arith.constant 0 : i32
        %dma_start3A_30 = arith.constant 0 : i32
        %dma_start3A_31 = tpu.memref_slice %arg7[%arg1, %dma_start3A_29, %dma_start3A_30] : memref<16x40x512xi32, #tpu.memory_space<hbm>> -> memref<1x40x512xi32, #tpu.memory_space<hbm>>
        %dma_start3A_32 = tpu.memref_squeeze %dma_start3A_31 : memref<1x40x512xi32, #tpu.memory_space<hbm>> -> memref<40x512xi32, #tpu.memory_space<hbm>>
        tpu.enqueue_dma source(%dma_start3A_32 : memref<40x512xi32, #tpu.memory_space<hbm>>) target(%arg12 : memref<40x512xi32, #tpu.memory_space<vmem>>) target_semaphore(%run_scoped3A : memref<!tpu.dma_semaphore, #tpu.memory_space<semaphore_mem>>)
        %dma_wait3A = arith.constant 0 : i32
        %dma_wait3A_33 = arith.constant 0 : i32
        %dma_wait3A_34 = tpu.memref_slice %arg7[%arg1, %dma_wait3A, %dma_wait3A_33] : memref<16x40x512xi32, #tpu.memory_space<hbm>> -> memref<1x40x512xi32, #tpu.memory_space<hbm>>
        %dma_wait3A_35 = tpu.memref_squeeze %dma_wait3A_34 : memref<1x40x512xi32, #tpu.memory_space<hbm>> -> memref<40x512xi32, #tpu.memory_space<hbm>>
        %dma_wait3A_36 = arith.constant 0 : i32
        %dma_wait3A_37 = arith.constant 0 : i32
        %dma_wait3A_38 = tpu.memref_slice %arg7[%arg1, %dma_wait3A_36, %dma_wait3A_37] : memref<16x40x512xi32, #tpu.memory_space<hbm>> -> memref<1x40x512xi32, #tpu.memory_space<hbm>>
        %dma_wait3A_39 = tpu.memref_squeeze %dma_wait3A_38 : memref<1x40x512xi32, #tpu.memory_space<hbm>> -> memref<40x512xi32, #tpu.memory_space<hbm>>
        tpu.wait_dma2 semaphore(%run_scoped3A : memref<!tpu.dma_semaphore, #tpu.memory_space<semaphore_mem>>) src(%dma_wait3A_39 : memref<40x512xi32, #tpu.memory_space<hbm>>) dst(%arg12 : memref<40x512xi32, #tpu.memory_space<vmem>>)
        tpu.yield
      }) : () -> ()
      %barrier3A = arith.constant 0 : index
      tpu.barrier barrier_id(%barrier3A)
      %dma_start3A = arith.constant 0 : i32
      %dma_start3A_8 = arith.constant 0 : i32
      %dma_start3A_9 = tpu.memref_slice %arg11[%dma_start3A, %dma_start3A_8] : memref<40x512xi32, #tpu.memory_space<vmem>> -> memref<1x512xi32, #tpu.memory_space<vmem>>
      %dma_start3A_10 = tpu.memref_squeeze %dma_start3A_9 : memref<1x512xi32, #tpu.memory_space<vmem>> -> memref<512xi32, #tpu.memory_space<vmem>>
      %dma_start3A_11 = arith.constant 0 : i32
      %dma_start3A_12 = arith.constant 0 : i32
      %dma_start3A_13 = tpu.memref_slice %arg3[%dma_start3A_11, %dma_start3A_12] : memref<10240x80xbf16, #tpu.memory_space<hbm>> -> memref<10240x80xbf16, #tpu.memory_space<hbm>>
      tpu.enqueue_indirect_dma source(%dma_start3A_13 : memref<10240x80xbf16, #tpu.memory_space<hbm>>) target(%arg13 : memref<512x80xbf16, #tpu.memory_space<vmem>>) offsets(%dma_start3A_10 : memref<512xi32, #tpu.memory_space<vmem>>) semaphore(%arg16 : memref<!tpu.dma_semaphore, #tpu.memory_space<semaphore_mem>>)
      %scan3A = arith.constant 0 : i32
      %scan3A_14 = arith.constant 0 : i32
      %scan3A_15 = arith.constant 20 : i32
      %scan3A_16 = arith.addi %scan3A_14, %scan3A_15 : i32
      %scan3A_17 = arith.constant 1 : i32
      %scan3A_18 = scf.for %scan3A_25 = %scan3A_14 to %scan3A_16 step %scan3A_17 iter_args(%scan3A_26 = %scan3A) -> (i32)  : i32 {
        %mul3A_27 = arith.constant 2 : i32
        %mul3A_28 = arith.muli %mul3A_27, %scan3A_25 : i32
        %add3A = arith.constant 1 : i32
        %add3A_29 = arith.addi %mul3A_28, %add3A : i32
        %lt3A = arith.constant 40 : i32
        %lt3A_30 = arith.cmpi slt, %add3A_29, %lt3A : i32
        %convert_element_type3A_31 = arith.extui %lt3A_30 : i1 to i32
        %cond3A_32 = arith.constant 0 : i32
        %cond3A_33 = arith.cmpi ne, %convert_element_type3A_31, %cond3A_32 : i32
        scf.if %cond3A_33 {
          %add3A_57 = arith.constant 1 : i32
          %add3A_58 = arith.addi %mul3A_28, %add3A_57 : i32
          %dma_start3A_59 = arith.constant 0 : i32
          %dma_start3A_60 = tpu.memref_slice %arg11[%add3A_58, %dma_start3A_59] : memref<40x512xi32, #tpu.memory_space<vmem>> -> memref<1x512xi32, #tpu.memory_space<vmem>>
          %dma_start3A_61 = tpu.memref_squeeze %dma_start3A_60 : memref<1x512xi32, #tpu.memory_space<vmem>> -> memref<512xi32, #tpu.memory_space<vmem>>
          %dma_start3A_62 = arith.constant 0 : i32
          %dma_start3A_63 = arith.constant 0 : i32
          %dma_start3A_64 = tpu.memref_slice %arg3[%dma_start3A_62, %dma_start3A_63] : memref<10240x80xbf16, #tpu.memory_space<hbm>> -> memref<10240x80xbf16, #tpu.memory_space<hbm>>
          tpu.enqueue_indirect_dma source(%dma_start3A_64 : memref<10240x80xbf16, #tpu.memory_space<hbm>>) target(%arg14 : memref<512x80xbf16, #tpu.memory_space<vmem>>) offsets(%dma_start3A_61 : memref<512xi32, #tpu.memory_space<vmem>>) semaphore(%arg17 : memref<!tpu.dma_semaphore, #tpu.memory_space<semaphore_mem>>)
        } else {
        }
        %dma_wait3A = arith.constant 0 : i32
        %dma_wait3A_34 = tpu.memref_slice %arg11[%mul3A_28, %dma_wait3A] : memref<40x512xi32, #tpu.memory_space<vmem>> -> memref<1x512xi32, #tpu.memory_space<vmem>>
        %dma_wait3A_35 = tpu.memref_squeeze %dma_wait3A_34 : memref<1x512xi32, #tpu.memory_space<vmem>> -> memref<512xi32, #tpu.memory_space<vmem>>
        %dma_wait3A_36 = arith.constant 0 : i32
        %dma_wait3A_37 = arith.constant 0 : i32
        %dma_wait3A_38 = tpu.memref_slice %arg3[%dma_wait3A_36, %dma_wait3A_37] : memref<10240x80xbf16, #tpu.memory_space<hbm>> -> memref<10240x80xbf16, #tpu.memory_space<hbm>>
        tpu.wait_indirect_dma semaphore(%arg16 : memref<!tpu.dma_semaphore, #tpu.memory_space<semaphore_mem>>) src(%dma_wait3A_38 : memref<10240x80xbf16, #tpu.memory_space<hbm>>) dst(%arg13 : memref<512x80xbf16, #tpu.memory_space<vmem>>)
        "tpu.region"() ({
          %run_scoped3A = tpu.sem_alloc : memref<!tpu.dma_semaphore, #tpu.memory_space<semaphore_mem>>
          %dma_start3A_57 = arith.constant 0 : i32
          %dma_start3A_58 = tpu.memref_slice %arg12[%mul3A_28, %dma_start3A_57] : memref<40x512xi32, #tpu.memory_space<vmem>> -> memref<1x512xi32, #tpu.memory_space<vmem>>
          %dma_start3A_59 = tpu.memref_squeeze %dma_start3A_58 : memref<1x512xi32, #tpu.memory_space<vmem>> -> memref<512xi32, #tpu.memory_space<vmem>>
          %dma_start3A_60 = arith.constant 0 : i32
          %dma_start3A_61 = arith.constant 0 : i32
          %dma_start3A_62 = tpu.memref_slice %arg15[%dma_start3A_60, %dma_start3A_61] : memref<10240x80xbf16, #tpu.memory_space<vmem_shared>> -> memref<10240x80xbf16, #tpu.memory_space<vmem_shared>>
          tpu.enqueue_indirect_dma source(%arg13 : memref<512x80xbf16, #tpu.memory_space<vmem>>) target(%dma_start3A_62 : memref<10240x80xbf16, #tpu.memory_space<vmem_shared>>) offsets(%dma_start3A_59 : memref<512xi32, #tpu.memory_space<vmem>>) semaphore(%run_scoped3A : memref<!tpu.dma_semaphore, #tpu.memory_space<semaphore_mem>>) {add = true}
          %dma_wait3A_63 = arith.constant 0 : i32
          %dma_wait3A_64 = tpu.memref_slice %arg12[%mul3A_28, %dma_wait3A_63] : memref<40x512xi32, #tpu.memory_space<vmem>> -> memref<1x512xi32, #tpu.memory_space<vmem>>
          %dma_wait3A_65 = tpu.memref_squeeze %dma_wait3A_64 : memref<1x512xi32, #tpu.memory_space<vmem>> -> memref<512xi32, #tpu.memory_space<vmem>>
          %dma_wait3A_66 = arith.constant 0 : i32
          %dma_wait3A_67 = arith.constant 0 : i32
          %dma_wait3A_68 = tpu.memref_slice %arg15[%dma_wait3A_66, %dma_wait3A_67] : memref<10240x80xbf16, #tpu.memory_space<vmem_shared>> -> memref<10240x80xbf16, #tpu.memory_space<vmem_shared>>
          tpu.wait_indirect_dma semaphore(%run_scoped3A : memref<!tpu.dma_semaphore, #tpu.memory_space<semaphore_mem>>) src(%arg13 : memref<512x80xbf16, #tpu.memory_space<vmem>>) dst(%dma_wait3A_68 : memref<10240x80xbf16, #tpu.memory_space<vmem_shared>>)
          tpu.yield
        }) : () -> ()
        %mul3A_39 = arith.constant 2 : i32
        %mul3A_40 = arith.muli %mul3A_39, %scan3A_25 : i32
        %add3A_41 = arith.constant 1 : i32
        %add3A_42 = arith.addi %mul3A_40, %add3A_41 : i32
        %add3A_43 = arith.constant 1 : i32
        %add3A_44 = arith.addi %add3A_42, %add3A_43 : i32
        %lt3A_45 = arith.constant 40 : i32
        %lt3A_46 = arith.cmpi slt, %add3A_44, %lt3A_45 : i32
        %convert_element_type3A_47 = arith.extui %lt3A_46 : i1 to i32
        %cond3A_48 = arith.constant 0 : i32
        %cond3A_49 = arith.cmpi ne, %convert_element_type3A_47, %cond3A_48 : i32
        scf.if %cond3A_49 {
          %add3A_57 = arith.constant 1 : i32
          %add3A_58 = arith.addi %add3A_42, %add3A_57 : i32
          %dma_start3A_59 = arith.constant 0 : i32
          %dma_start3A_60 = tpu.memref_slice %arg11[%add3A_58, %dma_start3A_59] : memref<40x512xi32, #tpu.memory_space<vmem>> -> memref<1x512xi32, #tpu.memory_space<vmem>>
          %dma_start3A_61 = tpu.memref_squeeze %dma_start3A_60 : memref<1x512xi32, #tpu.memory_space<vmem>> -> memref<512xi32, #tpu.memory_space<vmem>>
          %dma_start3A_62 = arith.constant 0 : i32
          %dma_start3A_63 = arith.constant 0 : i32
          %dma_start3A_64 = tpu.memref_slice %arg3[%dma_start3A_62, %dma_start3A_63] : memref<10240x80xbf16, #tpu.memory_space<hbm>> -> memref<10240x80xbf16, #tpu.memory_space<hbm>>
          tpu.enqueue_indirect_dma source(%dma_start3A_64 : memref<10240x80xbf16, #tpu.memory_space<hbm>>) target(%arg13 : memref<512x80xbf16, #tpu.memory_space<vmem>>) offsets(%dma_start3A_61 : memref<512xi32, #tpu.memory_space<vmem>>) semaphore(%arg16 : memref<!tpu.dma_semaphore, #tpu.memory_space<semaphore_mem>>)
        } else {
        }
        %dma_wait3A_50 = arith.constant 0 : i32
        %dma_wait3A_51 = tpu.memref_slice %arg11[%add3A_42, %dma_wait3A_50] : memref<40x512xi32, #tpu.memory_space<vmem>> -> memref<1x512xi32, #tpu.memory_space<vmem>>
        %dma_wait3A_52 = tpu.memref_squeeze %dma_wait3A_51 : memref<1x512xi32, #tpu.memory_space<vmem>> -> memref<512xi32, #tpu.memory_space<vmem>>
        %dma_wait3A_53 = arith.constant 0 : i32
        %dma_wait3A_54 = arith.constant 0 : i32
        %dma_wait3A_55 = tpu.memref_slice %arg3[%dma_wait3A_53, %dma_wait3A_54] : memref<10240x80xbf16, #tpu.memory_space<hbm>> -> memref<10240x80xbf16, #tpu.memory_space<hbm>>
        tpu.wait_indirect_dma semaphore(%arg17 : memref<!tpu.dma_semaphore, #tpu.memory_space<semaphore_mem>>) src(%dma_wait3A_55 : memref<10240x80xbf16, #tpu.memory_space<hbm>>) dst(%arg14 : memref<512x80xbf16, #tpu.memory_space<vmem>>)
        "tpu.region"() ({
          %run_scoped3A = tpu.sem_alloc : memref<!tpu.dma_semaphore, #tpu.memory_space<semaphore_mem>>
          %dma_start3A_57 = arith.constant 0 : i32
          %dma_start3A_58 = tpu.memref_slice %arg12[%add3A_42, %dma_start3A_57] : memref<40x512xi32, #tpu.memory_space<vmem>> -> memref<1x512xi32, #tpu.memory_space<vmem>>
          %dma_start3A_59 = tpu.memref_squeeze %dma_start3A_58 : memref<1x512xi32, #tpu.memory_space<vmem>> -> memref<512xi32, #tpu.memory_space<vmem>>
          %dma_start3A_60 = arith.constant 0 : i32
          %dma_start3A_61 = arith.constant 0 : i32
          %dma_start3A_62 = tpu.memref_slice %arg15[%dma_start3A_60, %dma_start3A_61] : memref<10240x80xbf16, #tpu.memory_space<vmem_shared>> -> memref<10240x80xbf16, #tpu.memory_space<vmem_shared>>
          tpu.enqueue_indirect_dma source(%arg14 : memref<512x80xbf16, #tpu.memory_space<vmem>>) target(%dma_start3A_62 : memref<10240x80xbf16, #tpu.memory_space<vmem_shared>>) offsets(%dma_start3A_59 : memref<512xi32, #tpu.memory_space<vmem>>) semaphore(%run_scoped3A : memref<!tpu.dma_semaphore, #tpu.memory_space<semaphore_mem>>) {add = true}
          %dma_wait3A_63 = arith.constant 0 : i32
          %dma_wait3A_64 = tpu.memref_slice %arg12[%add3A_42, %dma_wait3A_63] : memref<40x512xi32, #tpu.memory_space<vmem>> -> memref<1x512xi32, #tpu.memory_space<vmem>>
          %dma_wait3A_65 = tpu.memref_squeeze %dma_wait3A_64 : memref<1x512xi32, #tpu.memory_space<vmem>> -> memref<512xi32, #tpu.memory_space<vmem>>
          %dma_wait3A_66 = arith.constant 0 : i32
          %dma_wait3A_67 = arith.constant 0 : i32
          %dma_wait3A_68 = tpu.memref_slice %arg15[%dma_wait3A_66, %dma_wait3A_67] : memref<10240x80xbf16, #tpu.memory_space<vmem_shared>> -> memref<10240x80xbf16, #tpu.memory_space<vmem_shared>>
          tpu.wait_indirect_dma semaphore(%run_scoped3A : memref<!tpu.dma_semaphore, #tpu.memory_space<semaphore_mem>>) src(%arg14 : memref<512x80xbf16, #tpu.memory_space<vmem>>) dst(%dma_wait3A_68 : memref<10240x80xbf16, #tpu.memory_space<vmem_shared>>)
          tpu.yield
        }) : () -> ()
        %scan3A_56 = arith.constant 0 : i32
        scf.yield %scan3A_56 : i32
      }
      %scan3A_19 = arith.constant 20 : i32
      %barrier3A_20 = arith.constant 0 : index
      tpu.barrier barrier_id(%barrier3A_20)
      %mul3A_21 = arith.constant 640 : i32
      %mul3A_22 = arith.muli %arg1, %mul3A_21 : i32
      %mul3A_23 = arith.constant 640 : i32
      %mul3A_24 = arith.muli %arg1, %mul3A_23 : i32
      "tpu.region"() ({
        %run_scoped3A = tpu.sem_alloc : memref<!tpu.dma_semaphore, #tpu.memory_space<semaphore_mem>>
        %dma_start3A_25 = arith.constant 0 : i32
        %dma_start3A_26 = tpu.memref_slice %arg10[%mul3A_24, %dma_start3A_25] : memref<10240x80xbf16, #tpu.memory_space<hbm>> -> memref<640x80xbf16, #tpu.memory_space<hbm>>
        %dma_start3A_27 = arith.constant 0 : i32
        %dma_start3A_28 = tpu.memref_slice %arg15[%mul3A_22, %dma_start3A_27] : memref<10240x80xbf16, #tpu.memory_space<vmem_shared>> -> memref<640x80xbf16, #tpu.memory_space<vmem_shared>>
        tpu.enqueue_dma source(%dma_start3A_28 : memref<640x80xbf16, #tpu.memory_space<vmem_shared>>) target(%dma_start3A_26 : memref<640x80xbf16, #tpu.memory_space<hbm>>) target_semaphore(%run_scoped3A : memref<!tpu.dma_semaphore, #tpu.memory_space<semaphore_mem>>)
        %dma_wait3A = arith.constant 0 : i32
        %dma_wait3A_29 = tpu.memref_slice %arg10[%mul3A_24, %dma_wait3A] : memref<10240x80xbf16, #tpu.memory_space<hbm>> -> memref<640x80xbf16, #tpu.memory_space<hbm>>
        %dma_wait3A_30 = arith.constant 0 : i32
        %dma_wait3A_31 = tpu.memref_slice %arg15[%mul3A_22, %dma_wait3A_30] : memref<10240x80xbf16, #tpu.memory_space<vmem_shared>> -> memref<640x80xbf16, #tpu.memory_space<vmem_shared>>
        tpu.wait_dma2 semaphore(%run_scoped3A : memref<!tpu.dma_semaphore, #tpu.memory_space<semaphore_mem>>) src(%dma_wait3A_31 : memref<640x80xbf16, #tpu.memory_space<vmem_shared>>) dst(%dma_wait3A_29 : memref<640x80xbf16, #tpu.memory_space<hbm>>)
        tpu.yield
      }) : () -> ()
    } else {
    }
    return
  }
}

#map = affine_map<(d0, d1) -> (0, 0)>
#map1 = affine_map<(d0, d1) -> (0, 0, 0)>
module attributes {stable_mosaic.version = 14 : i64} {
  func.func @body(%arg0: i32, %arg1: i32, %arg2: memref<10000x64xbf16, #tpu.memory_space<hbm>>, %arg3: memref<10000x64xbf16, #tpu.memory_space<hbm>>, %arg4: memref<16x40x512xi32, #tpu.memory_space<hbm>>, %arg5: memref<16x40x512xi32, #tpu.memory_space<hbm>>, %arg6: memref<16x40x512xi32, #tpu.memory_space<hbm>>, %arg7: memref<16x40x512xi32, #tpu.memory_space<hbm>>, %arg8: memref<640x64xbf16, #tpu.memory_space<hbm>>, %arg9: memref<10240x64xbf16, #tpu.memory_space<hbm>>, %arg10: memref<10240x64xbf16, #tpu.memory_space<hbm>>, %arg11: memref<40x512xi32, #tpu.memory_space<vmem>>, %arg12: memref<40x512xi32, #tpu.memory_space<vmem>>, %arg13: memref<512x64xbf16, #tpu.memory_space<vmem>>, %arg14: memref<512x64xbf16, #tpu.memory_space<vmem>>, %arg15: memref<10240x64xbf16, #tpu.memory_space<vmem_shared>>, %arg16: memref<!tpu.dma_semaphore, #tpu.memory_space<semaphore_mem>>, %arg17: memref<!tpu.dma_semaphore, #tpu.memory_space<semaphore_mem>>) attributes {dimension_semantics = [#tpu.dimension_semantics<core_parallel>, #tpu.dimension_semantics<subcore_parallel>], iteration_bounds = array<i64: 2, 16>, scalar_prefetch = 0 : i64, scratch_operands = 7 : i64, tpu.core_type = #tpu.core_type<sc_vector_subcore>, window_params = [{transform_indices = #map}, {transform_indices = #map}, {transform_indices = #map1}, {transform_indices = #map1}, {transform_indices = #map1}, {transform_indices = #map1}, {transform_indices = #map}, {transform_indices = #map}, {transform_indices = #map}]} {
    %eq3A = arith.constant 0 : i32
    %eq3A_0 = arith.cmpi eq, %arg0, %eq3A : i32
    %convert_element_type3A = arith.extui %eq3A_0 : i1 to i32
    %cond3A = arith.constant 0 : i32
    %cond3A_1 = arith.cmpi ne, %convert_element_type3A, %cond3A : i32
    scf.if %cond3A_1 {
      %mul3A = arith.constant 640 : i32
      %mul3A_7 = arith.muli %arg1, %mul3A : i32
      "tpu.region"() ({
        %run_scoped3A = tpu.sem_alloc : memref<!tpu.dma_semaphore, #tpu.memory_space<semaphore_mem>>
        %dma_start3A_25 = arith.constant 0 : i32
        %dma_start3A_26 = tpu.memref_slice %arg15[%mul3A_7, %dma_start3A_25] : memref<10240x64xbf16, #tpu.memory_space<vmem_shared>> -> memref<640x64xbf16, #tpu.memory_space<vmem_shared>>
        tpu.enqueue_dma source(%arg8 : memref<640x64xbf16, #tpu.memory_space<hbm>>) target(%dma_start3A_26 : memref<640x64xbf16, #tpu.memory_space<vmem_shared>>) target_semaphore(%run_scoped3A : memref<!tpu.dma_semaphore, #tpu.memory_space<semaphore_mem>>)
        %dma_wait3A = arith.constant 0 : i32
        %dma_wait3A_27 = tpu.memref_slice %arg15[%mul3A_7, %dma_wait3A] : memref<10240x64xbf16, #tpu.memory_space<vmem_shared>> -> memref<640x64xbf16, #tpu.memory_space<vmem_shared>>
        tpu.wait_dma2 semaphore(%run_scoped3A : memref<!tpu.dma_semaphore, #tpu.memory_space<semaphore_mem>>) src(%arg8 : memref<640x64xbf16, #tpu.memory_space<hbm>>) dst(%dma_wait3A_27 : memref<640x64xbf16, #tpu.memory_space<vmem_shared>>)
        tpu.yield
      }) : () -> ()
      "tpu.region"() ({
        %run_scoped3A = tpu.sem_alloc : memref<!tpu.dma_semaphore, #tpu.memory_space<semaphore_mem>>
        %dma_start3A_25 = arith.constant 0 : i32
        %dma_start3A_26 = arith.constant 0 : i32
        %dma_start3A_27 = tpu.memref_slice %arg4[%arg1, %dma_start3A_25, %dma_start3A_26] : memref<16x40x512xi32, #tpu.memory_space<hbm>> -> memref<1x40x512xi32, #tpu.memory_space<hbm>>
        %dma_start3A_28 = tpu.memref_squeeze %dma_start3A_27 : memref<1x40x512xi32, #tpu.memory_space<hbm>> -> memref<40x512xi32, #tpu.memory_space<hbm>>
        %dma_start3A_29 = arith.constant 0 : i32
        %dma_start3A_30 = arith.constant 0 : i32
        %dma_start3A_31 = tpu.memref_slice %arg4[%arg1, %dma_start3A_29, %dma_start3A_30] : memref<16x40x512xi32, #tpu.memory_space<hbm>> -> memref<1x40x512xi32, #tpu.memory_space<hbm>>
        %dma_start3A_32 = tpu.memref_squeeze %dma_start3A_31 : memref<1x40x512xi32, #tpu.memory_space<hbm>> -> memref<40x512xi32, #tpu.memory_space<hbm>>
        tpu.enqueue_dma source(%dma_start3A_32 : memref<40x512xi32, #tpu.memory_space<hbm>>) target(%arg11 : memref<40x512xi32, #tpu.memory_space<vmem>>) target_semaphore(%run_scoped3A : memref<!tpu.dma_semaphore, #tpu.memory_space<semaphore_mem>>)
        %dma_wait3A = arith.constant 0 : i32
        %dma_wait3A_33 = arith.constant 0 : i32
        %dma_wait3A_34 = tpu.memref_slice %arg4[%arg1, %dma_wait3A, %dma_wait3A_33] : memref<16x40x512xi32, #tpu.memory_space<hbm>> -> memref<1x40x512xi32, #tpu.memory_space<hbm>>
        %dma_wait3A_35 = tpu.memref_squeeze %dma_wait3A_34 : memref<1x40x512xi32, #tpu.memory_space<hbm>> -> memref<40x512xi32, #tpu.memory_space<hbm>>
        %dma_wait3A_36 = arith.constant 0 : i32
        %dma_wait3A_37 = arith.constant 0 : i32
        %dma_wait3A_38 = tpu.memref_slice %arg4[%arg1, %dma_wait3A_36, %dma_wait3A_37] : memref<16x40x512xi32, #tpu.memory_space<hbm>> -> memref<1x40x512xi32, #tpu.memory_space<hbm>>
        %dma_wait3A_39 = tpu.memref_squeeze %dma_wait3A_38 : memref<1x40x512xi32, #tpu.memory_space<hbm>> -> memref<40x512xi32, #tpu.memory_space<hbm>>
        tpu.wait_dma2 semaphore(%run_scoped3A : memref<!tpu.dma_semaphore, #tpu.memory_space<semaphore_mem>>) src(%dma_wait3A_39 : memref<40x512xi32, #tpu.memory_space<hbm>>) dst(%arg11 : memref<40x512xi32, #tpu.memory_space<vmem>>)
        tpu.yield
      }) : () -> ()
      "tpu.region"() ({
        %run_scoped3A = tpu.sem_alloc : memref<!tpu.dma_semaphore, #tpu.memory_space<semaphore_mem>>
        %dma_start3A_25 = arith.constant 0 : i32
        %dma_start3A_26 = arith.constant 0 : i32
        %dma_start3A_27 = tpu.memref_slice %arg5[%arg1, %dma_start3A_25, %dma_start3A_26] : memref<16x40x512xi32, #tpu.memory_space<hbm>> -> memref<1x40x512xi32, #tpu.memory_space<hbm>>
        %dma_start3A_28 = tpu.memref_squeeze %dma_start3A_27 : memref<1x40x512xi32, #tpu.memory_space<hbm>> -> memref<40x512xi32, #tpu.memory_space<hbm>>
        %dma_start3A_29 = arith.constant 0 : i32
        %dma_start3A_30 = arith.constant 0 : i32
        %dma_start3A_31 = tpu.memref_slice %arg5[%arg1, %dma_start3A_29, %dma_start3A_30] : memref<16x40x512xi32, #tpu.memory_space<hbm>> -> memref<1x40x512xi32, #tpu.memory_space<hbm>>
        %dma_start3A_32 = tpu.memref_squeeze %dma_start3A_31 : memref<1x40x512xi32, #tpu.memory_space<hbm>> -> memref<40x512xi32, #tpu.memory_space<hbm>>
        tpu.enqueue_dma source(%dma_start3A_32 : memref<40x512xi32, #tpu.memory_space<hbm>>) target(%arg12 : memref<40x512xi32, #tpu.memory_space<vmem>>) target_semaphore(%run_scoped3A : memref<!tpu.dma_semaphore, #tpu.memory_space<semaphore_mem>>)
        %dma_wait3A = arith.constant 0 : i32
        %dma_wait3A_33 = arith.constant 0 : i32
        %dma_wait3A_34 = tpu.memref_slice %arg5[%arg1, %dma_wait3A, %dma_wait3A_33] : memref<16x40x512xi32, #tpu.memory_space<hbm>> -> memref<1x40x512xi32, #tpu.memory_space<hbm>>
        %dma_wait3A_35 = tpu.memref_squeeze %dma_wait3A_34 : memref<1x40x512xi32, #tpu.memory_space<hbm>> -> memref<40x512xi32, #tpu.memory_space<hbm>>
        %dma_wait3A_36 = arith.constant 0 : i32
        %dma_wait3A_37 = arith.constant 0 : i32
        %dma_wait3A_38 = tpu.memref_slice %arg5[%arg1, %dma_wait3A_36, %dma_wait3A_37] : memref<16x40x512xi32, #tpu.memory_space<hbm>> -> memref<1x40x512xi32, #tpu.memory_space<hbm>>
        %dma_wait3A_39 = tpu.memref_squeeze %dma_wait3A_38 : memref<1x40x512xi32, #tpu.memory_space<hbm>> -> memref<40x512xi32, #tpu.memory_space<hbm>>
        tpu.wait_dma2 semaphore(%run_scoped3A : memref<!tpu.dma_semaphore, #tpu.memory_space<semaphore_mem>>) src(%dma_wait3A_39 : memref<40x512xi32, #tpu.memory_space<hbm>>) dst(%arg12 : memref<40x512xi32, #tpu.memory_space<vmem>>)
        tpu.yield
      }) : () -> ()
      %barrier3A = arith.constant 0 : index
      tpu.barrier barrier_id(%barrier3A)
      %dma_start3A = arith.constant 0 : i32
      %dma_start3A_8 = arith.constant 0 : i32
      %dma_start3A_9 = tpu.memref_slice %arg11[%dma_start3A, %dma_start3A_8] : memref<40x512xi32, #tpu.memory_space<vmem>> -> memref<1x512xi32, #tpu.memory_space<vmem>>
      %dma_start3A_10 = tpu.memref_squeeze %dma_start3A_9 : memref<1x512xi32, #tpu.memory_space<vmem>> -> memref<512xi32, #tpu.memory_space<vmem>>
      %dma_start3A_11 = arith.constant 0 : i32
      %dma_start3A_12 = arith.constant 0 : i32
      %dma_start3A_13 = tpu.memref_slice %arg2[%dma_start3A_11, %dma_start3A_12] : memref<10000x64xbf16, #tpu.memory_space<hbm>> -> memref<10000x64xbf16, #tpu.memory_space<hbm>>
      tpu.enqueue_indirect_dma source(%dma_start3A_13 : memref<10000x64xbf16, #tpu.memory_space<hbm>>) target(%arg13 : memref<512x64xbf16, #tpu.memory_space<vmem>>) offsets(%dma_start3A_10 : memref<512xi32, #tpu.memory_space<vmem>>) semaphore(%arg16 : memref<!tpu.dma_semaphore, #tpu.memory_space<semaphore_mem>>)
      %scan3A = arith.constant 0 : i32
      %scan3A_14 = arith.constant 0 : i32
      %scan3A_15 = arith.constant 20 : i32
      %scan3A_16 = arith.addi %scan3A_14, %scan3A_15 : i32
      %scan3A_17 = arith.constant 1 : i32
      %scan3A_18 = scf.for %scan3A_25 = %scan3A_14 to %scan3A_16 step %scan3A_17 iter_args(%scan3A_26 = %scan3A) -> (i32)  : i32 {
        %mul3A_27 = arith.constant 2 : i32
        %mul3A_28 = arith.muli %mul3A_27, %scan3A_25 : i32
        %add3A = arith.constant 1 : i32
        %add3A_29 = arith.addi %mul3A_28, %add3A : i32
        %lt3A = arith.constant 40 : i32
        %lt3A_30 = arith.cmpi slt, %add3A_29, %lt3A : i32
        %convert_element_type3A_31 = arith.extui %lt3A_30 : i1 to i32
        %cond3A_32 = arith.constant 0 : i32
        %cond3A_33 = arith.cmpi ne, %convert_element_type3A_31, %cond3A_32 : i32
        scf.if %cond3A_33 {
          %add3A_57 = arith.constant 1 : i32
          %add3A_58 = arith.addi %mul3A_28, %add3A_57 : i32
          %dma_start3A_59 = arith.constant 0 : i32
          %dma_start3A_60 = tpu.memref_slice %arg11[%add3A_58, %dma_start3A_59] : memref<40x512xi32, #tpu.memory_space<vmem>> -> memref<1x512xi32, #tpu.memory_space<vmem>>
          %dma_start3A_61 = tpu.memref_squeeze %dma_start3A_60 : memref<1x512xi32, #tpu.memory_space<vmem>> -> memref<512xi32, #tpu.memory_space<vmem>>
          %dma_start3A_62 = arith.constant 0 : i32
          %dma_start3A_63 = arith.constant 0 : i32
          %dma_start3A_64 = tpu.memref_slice %arg2[%dma_start3A_62, %dma_start3A_63] : memref<10000x64xbf16, #tpu.memory_space<hbm>> -> memref<10000x64xbf16, #tpu.memory_space<hbm>>
          tpu.enqueue_indirect_dma source(%dma_start3A_64 : memref<10000x64xbf16, #tpu.memory_space<hbm>>) target(%arg14 : memref<512x64xbf16, #tpu.memory_space<vmem>>) offsets(%dma_start3A_61 : memref<512xi32, #tpu.memory_space<vmem>>) semaphore(%arg17 : memref<!tpu.dma_semaphore, #tpu.memory_space<semaphore_mem>>)
        } else {
        }
        %dma_wait3A = arith.constant 0 : i32
        %dma_wait3A_34 = tpu.memref_slice %arg11[%mul3A_28, %dma_wait3A] : memref<40x512xi32, #tpu.memory_space<vmem>> -> memref<1x512xi32, #tpu.memory_space<vmem>>
        %dma_wait3A_35 = tpu.memref_squeeze %dma_wait3A_34 : memref<1x512xi32, #tpu.memory_space<vmem>> -> memref<512xi32, #tpu.memory_space<vmem>>
        %dma_wait3A_36 = arith.constant 0 : i32
        %dma_wait3A_37 = arith.constant 0 : i32
        %dma_wait3A_38 = tpu.memref_slice %arg2[%dma_wait3A_36, %dma_wait3A_37] : memref<10000x64xbf16, #tpu.memory_space<hbm>> -> memref<10000x64xbf16, #tpu.memory_space<hbm>>
        tpu.wait_indirect_dma semaphore(%arg16 : memref<!tpu.dma_semaphore, #tpu.memory_space<semaphore_mem>>) src(%dma_wait3A_38 : memref<10000x64xbf16, #tpu.memory_space<hbm>>) dst(%arg13 : memref<512x64xbf16, #tpu.memory_space<vmem>>)
        "tpu.region"() ({
          %run_scoped3A = tpu.sem_alloc : memref<!tpu.dma_semaphore, #tpu.memory_space<semaphore_mem>>
          %dma_start3A_57 = arith.constant 0 : i32
          %dma_start3A_58 = tpu.memref_slice %arg12[%mul3A_28, %dma_start3A_57] : memref<40x512xi32, #tpu.memory_space<vmem>> -> memref<1x512xi32, #tpu.memory_space<vmem>>
          %dma_start3A_59 = tpu.memref_squeeze %dma_start3A_58 : memref<1x512xi32, #tpu.memory_space<vmem>> -> memref<512xi32, #tpu.memory_space<vmem>>
          %dma_start3A_60 = arith.constant 0 : i32
          %dma_start3A_61 = arith.constant 0 : i32
          %dma_start3A_62 = tpu.memref_slice %arg15[%dma_start3A_60, %dma_start3A_61] : memref<10240x64xbf16, #tpu.memory_space<vmem_shared>> -> memref<10240x64xbf16, #tpu.memory_space<vmem_shared>>
          tpu.enqueue_indirect_dma source(%arg13 : memref<512x64xbf16, #tpu.memory_space<vmem>>) target(%dma_start3A_62 : memref<10240x64xbf16, #tpu.memory_space<vmem_shared>>) offsets(%dma_start3A_59 : memref<512xi32, #tpu.memory_space<vmem>>) semaphore(%run_scoped3A : memref<!tpu.dma_semaphore, #tpu.memory_space<semaphore_mem>>) {add = true}
          %dma_wait3A_63 = arith.constant 0 : i32
          %dma_wait3A_64 = tpu.memref_slice %arg12[%mul3A_28, %dma_wait3A_63] : memref<40x512xi32, #tpu.memory_space<vmem>> -> memref<1x512xi32, #tpu.memory_space<vmem>>
          %dma_wait3A_65 = tpu.memref_squeeze %dma_wait3A_64 : memref<1x512xi32, #tpu.memory_space<vmem>> -> memref<512xi32, #tpu.memory_space<vmem>>
          %dma_wait3A_66 = arith.constant 0 : i32
          %dma_wait3A_67 = arith.constant 0 : i32
          %dma_wait3A_68 = tpu.memref_slice %arg15[%dma_wait3A_66, %dma_wait3A_67] : memref<10240x64xbf16, #tpu.memory_space<vmem_shared>> -> memref<10240x64xbf16, #tpu.memory_space<vmem_shared>>
          tpu.wait_indirect_dma semaphore(%run_scoped3A : memref<!tpu.dma_semaphore, #tpu.memory_space<semaphore_mem>>) src(%arg13 : memref<512x64xbf16, #tpu.memory_space<vmem>>) dst(%dma_wait3A_68 : memref<10240x64xbf16, #tpu.memory_space<vmem_shared>>)
          tpu.yield
        }) : () -> ()
        %mul3A_39 = arith.constant 2 : i32
        %mul3A_40 = arith.muli %mul3A_39, %scan3A_25 : i32
        %add3A_41 = arith.constant 1 : i32
        %add3A_42 = arith.addi %mul3A_40, %add3A_41 : i32
        %add3A_43 = arith.constant 1 : i32
        %add3A_44 = arith.addi %add3A_42, %add3A_43 : i32
        %lt3A_45 = arith.constant 40 : i32
        %lt3A_46 = arith.cmpi slt, %add3A_44, %lt3A_45 : i32
        %convert_element_type3A_47 = arith.extui %lt3A_46 : i1 to i32
        %cond3A_48 = arith.constant 0 : i32
        %cond3A_49 = arith.cmpi ne, %convert_element_type3A_47, %cond3A_48 : i32
        scf.if %cond3A_49 {
          %add3A_57 = arith.constant 1 : i32
          %add3A_58 = arith.addi %add3A_42, %add3A_57 : i32
          %dma_start3A_59 = arith.constant 0 : i32
          %dma_start3A_60 = tpu.memref_slice %arg11[%add3A_58, %dma_start3A_59] : memref<40x512xi32, #tpu.memory_space<vmem>> -> memref<1x512xi32, #tpu.memory_space<vmem>>
          %dma_start3A_61 = tpu.memref_squeeze %dma_start3A_60 : memref<1x512xi32, #tpu.memory_space<vmem>> -> memref<512xi32, #tpu.memory_space<vmem>>
          %dma_start3A_62 = arith.constant 0 : i32
          %dma_start3A_63 = arith.constant 0 : i32
          %dma_start3A_64 = tpu.memref_slice %arg2[%dma_start3A_62, %dma_start3A_63] : memref<10000x64xbf16, #tpu.memory_space<hbm>> -> memref<10000x64xbf16, #tpu.memory_space<hbm>>
          tpu.enqueue_indirect_dma source(%dma_start3A_64 : memref<10000x64xbf16, #tpu.memory_space<hbm>>) target(%arg13 : memref<512x64xbf16, #tpu.memory_space<vmem>>) offsets(%dma_start3A_61 : memref<512xi32, #tpu.memory_space<vmem>>) semaphore(%arg16 : memref<!tpu.dma_semaphore, #tpu.memory_space<semaphore_mem>>)
        } else {
        }
        %dma_wait3A_50 = arith.constant 0 : i32
        %dma_wait3A_51 = tpu.memref_slice %arg11[%add3A_42, %dma_wait3A_50] : memref<40x512xi32, #tpu.memory_space<vmem>> -> memref<1x512xi32, #tpu.memory_space<vmem>>
        %dma_wait3A_52 = tpu.memref_squeeze %dma_wait3A_51 : memref<1x512xi32, #tpu.memory_space<vmem>> -> memref<512xi32, #tpu.memory_space<vmem>>
        %dma_wait3A_53 = arith.constant 0 : i32
        %dma_wait3A_54 = arith.constant 0 : i32
        %dma_wait3A_55 = tpu.memref_slice %arg2[%dma_wait3A_53, %dma_wait3A_54] : memref<10000x64xbf16, #tpu.memory_space<hbm>> -> memref<10000x64xbf16, #tpu.memory_space<hbm>>
        tpu.wait_indirect_dma semaphore(%arg17 : memref<!tpu.dma_semaphore, #tpu.memory_space<semaphore_mem>>) src(%dma_wait3A_55 : memref<10000x64xbf16, #tpu.memory_space<hbm>>) dst(%arg14 : memref<512x64xbf16, #tpu.memory_space<vmem>>)
        "tpu.region"() ({
          %run_scoped3A = tpu.sem_alloc : memref<!tpu.dma_semaphore, #tpu.memory_space<semaphore_mem>>
          %dma_start3A_57 = arith.constant 0 : i32
          %dma_start3A_58 = tpu.memref_slice %arg12[%add3A_42, %dma_start3A_57] : memref<40x512xi32, #tpu.memory_space<vmem>> -> memref<1x512xi32, #tpu.memory_space<vmem>>
          %dma_start3A_59 = tpu.memref_squeeze %dma_start3A_58 : memref<1x512xi32, #tpu.memory_space<vmem>> -> memref<512xi32, #tpu.memory_space<vmem>>
          %dma_start3A_60 = arith.constant 0 : i32
          %dma_start3A_61 = arith.constant 0 : i32
          %dma_start3A_62 = tpu.memref_slice %arg15[%dma_start3A_60, %dma_start3A_61] : memref<10240x64xbf16, #tpu.memory_space<vmem_shared>> -> memref<10240x64xbf16, #tpu.memory_space<vmem_shared>>
          tpu.enqueue_indirect_dma source(%arg14 : memref<512x64xbf16, #tpu.memory_space<vmem>>) target(%dma_start3A_62 : memref<10240x64xbf16, #tpu.memory_space<vmem_shared>>) offsets(%dma_start3A_59 : memref<512xi32, #tpu.memory_space<vmem>>) semaphore(%run_scoped3A : memref<!tpu.dma_semaphore, #tpu.memory_space<semaphore_mem>>) {add = true}
          %dma_wait3A_63 = arith.constant 0 : i32
          %dma_wait3A_64 = tpu.memref_slice %arg12[%add3A_42, %dma_wait3A_63] : memref<40x512xi32, #tpu.memory_space<vmem>> -> memref<1x512xi32, #tpu.memory_space<vmem>>
          %dma_wait3A_65 = tpu.memref_squeeze %dma_wait3A_64 : memref<1x512xi32, #tpu.memory_space<vmem>> -> memref<512xi32, #tpu.memory_space<vmem>>
          %dma_wait3A_66 = arith.constant 0 : i32
          %dma_wait3A_67 = arith.constant 0 : i32
          %dma_wait3A_68 = tpu.memref_slice %arg15[%dma_wait3A_66, %dma_wait3A_67] : memref<10240x64xbf16, #tpu.memory_space<vmem_shared>> -> memref<10240x64xbf16, #tpu.memory_space<vmem_shared>>
          tpu.wait_indirect_dma semaphore(%run_scoped3A : memref<!tpu.dma_semaphore, #tpu.memory_space<semaphore_mem>>) src(%arg14 : memref<512x64xbf16, #tpu.memory_space<vmem>>) dst(%dma_wait3A_68 : memref<10240x64xbf16, #tpu.memory_space<vmem_shared>>)
          tpu.yield
        }) : () -> ()
        %scan3A_56 = arith.constant 0 : i32
        scf.yield %scan3A_56 : i32
      }
      %scan3A_19 = arith.constant 20 : i32
      %barrier3A_20 = arith.constant 0 : index
      tpu.barrier barrier_id(%barrier3A_20)
      %mul3A_21 = arith.constant 640 : i32
      %mul3A_22 = arith.muli %arg1, %mul3A_21 : i32
      %mul3A_23 = arith.constant 640 : i32
      %mul3A_24 = arith.muli %arg1, %mul3A_23 : i32
      "tpu.region"() ({
        %run_scoped3A = tpu.sem_alloc : memref<!tpu.dma_semaphore, #tpu.memory_space<semaphore_mem>>
        %dma_start3A_25 = arith.constant 0 : i32
        %dma_start3A_26 = tpu.memref_slice %arg9[%mul3A_24, %dma_start3A_25] : memref<10240x64xbf16, #tpu.memory_space<hbm>> -> memref<640x64xbf16, #tpu.memory_space<hbm>>
        %dma_start3A_27 = arith.constant 0 : i32
        %dma_start3A_28 = tpu.memref_slice %arg15[%mul3A_22, %dma_start3A_27] : memref<10240x64xbf16, #tpu.memory_space<vmem_shared>> -> memref<640x64xbf16, #tpu.memory_space<vmem_shared>>
        tpu.enqueue_dma source(%dma_start3A_28 : memref<640x64xbf16, #tpu.memory_space<vmem_shared>>) target(%dma_start3A_26 : memref<640x64xbf16, #tpu.memory_space<hbm>>) target_semaphore(%run_scoped3A : memref<!tpu.dma_semaphore, #tpu.memory_space<semaphore_mem>>)
        %dma_wait3A = arith.constant 0 : i32
        %dma_wait3A_29 = tpu.memref_slice %arg9[%mul3A_24, %dma_wait3A] : memref<10240x64xbf16, #tpu.memory_space<hbm>> -> memref<640x64xbf16, #tpu.memory_space<hbm>>
        %dma_wait3A_30 = arith.constant 0 : i32
        %dma_wait3A_31 = tpu.memref_slice %arg15[%mul3A_22, %dma_wait3A_30] : memref<10240x64xbf16, #tpu.memory_space<vmem_shared>> -> memref<640x64xbf16, #tpu.memory_space<vmem_shared>>
        tpu.wait_dma2 semaphore(%run_scoped3A : memref<!tpu.dma_semaphore, #tpu.memory_space<semaphore_mem>>) src(%dma_wait3A_31 : memref<640x64xbf16, #tpu.memory_space<vmem_shared>>) dst(%dma_wait3A_29 : memref<640x64xbf16, #tpu.memory_space<hbm>>)
        tpu.yield
      }) : () -> ()
    } else {
    }
    %eq3A_2 = arith.constant 1 : i32
    %eq3A_3 = arith.cmpi eq, %arg0, %eq3A_2 : i32
    %convert_element_type3A_4 = arith.extui %eq3A_3 : i1 to i32
    %cond3A_5 = arith.constant 0 : i32
    %cond3A_6 = arith.cmpi ne, %convert_element_type3A_4, %cond3A_5 : i32
    scf.if %cond3A_6 {
      %mul3A = arith.constant 640 : i32
      %mul3A_7 = arith.muli %arg1, %mul3A : i32
      "tpu.region"() ({
        %run_scoped3A = tpu.sem_alloc : memref<!tpu.dma_semaphore, #tpu.memory_space<semaphore_mem>>
        %dma_start3A_25 = arith.constant 0 : i32
        %dma_start3A_26 = tpu.memref_slice %arg15[%mul3A_7, %dma_start3A_25] : memref<10240x64xbf16, #tpu.memory_space<vmem_shared>> -> memref<640x64xbf16, #tpu.memory_space<vmem_shared>>
        tpu.enqueue_dma source(%arg8 : memref<640x64xbf16, #tpu.memory_space<hbm>>) target(%dma_start3A_26 : memref<640x64xbf16, #tpu.memory_space<vmem_shared>>) target_semaphore(%run_scoped3A : memref<!tpu.dma_semaphore, #tpu.memory_space<semaphore_mem>>)
        %dma_wait3A = arith.constant 0 : i32
        %dma_wait3A_27 = tpu.memref_slice %arg15[%mul3A_7, %dma_wait3A] : memref<10240x64xbf16, #tpu.memory_space<vmem_shared>> -> memref<640x64xbf16, #tpu.memory_space<vmem_shared>>
        tpu.wait_dma2 semaphore(%run_scoped3A : memref<!tpu.dma_semaphore, #tpu.memory_space<semaphore_mem>>) src(%arg8 : memref<640x64xbf16, #tpu.memory_space<hbm>>) dst(%dma_wait3A_27 : memref<640x64xbf16, #tpu.memory_space<vmem_shared>>)
        tpu.yield
      }) : () -> ()
      "tpu.region"() ({
        %run_scoped3A = tpu.sem_alloc : memref<!tpu.dma_semaphore, #tpu.memory_space<semaphore_mem>>
        %dma_start3A_25 = arith.constant 0 : i32
        %dma_start3A_26 = arith.constant 0 : i32
        %dma_start3A_27 = tpu.memref_slice %arg6[%arg1, %dma_start3A_25, %dma_start3A_26] : memref<16x40x512xi32, #tpu.memory_space<hbm>> -> memref<1x40x512xi32, #tpu.memory_space<hbm>>
        %dma_start3A_28 = tpu.memref_squeeze %dma_start3A_27 : memref<1x40x512xi32, #tpu.memory_space<hbm>> -> memref<40x512xi32, #tpu.memory_space<hbm>>
        %dma_start3A_29 = arith.constant 0 : i32
        %dma_start3A_30 = arith.constant 0 : i32
        %dma_start3A_31 = tpu.memref_slice %arg6[%arg1, %dma_start3A_29, %dma_start3A_30] : memref<16x40x512xi32, #tpu.memory_space<hbm>> -> memref<1x40x512xi32, #tpu.memory_space<hbm>>
        %dma_start3A_32 = tpu.memref_squeeze %dma_start3A_31 : memref<1x40x512xi32, #tpu.memory_space<hbm>> -> memref<40x512xi32, #tpu.memory_space<hbm>>
        tpu.enqueue_dma source(%dma_start3A_32 : memref<40x512xi32, #tpu.memory_space<hbm>>) target(%arg11 : memref<40x512xi32, #tpu.memory_space<vmem>>) target_semaphore(%run_scoped3A : memref<!tpu.dma_semaphore, #tpu.memory_space<semaphore_mem>>)
        %dma_wait3A = arith.constant 0 : i32
        %dma_wait3A_33 = arith.constant 0 : i32
        %dma_wait3A_34 = tpu.memref_slice %arg6[%arg1, %dma_wait3A, %dma_wait3A_33] : memref<16x40x512xi32, #tpu.memory_space<hbm>> -> memref<1x40x512xi32, #tpu.memory_space<hbm>>
        %dma_wait3A_35 = tpu.memref_squeeze %dma_wait3A_34 : memref<1x40x512xi32, #tpu.memory_space<hbm>> -> memref<40x512xi32, #tpu.memory_space<hbm>>
        %dma_wait3A_36 = arith.constant 0 : i32
        %dma_wait3A_37 = arith.constant 0 : i32
        %dma_wait3A_38 = tpu.memref_slice %arg6[%arg1, %dma_wait3A_36, %dma_wait3A_37] : memref<16x40x512xi32, #tpu.memory_space<hbm>> -> memref<1x40x512xi32, #tpu.memory_space<hbm>>
        %dma_wait3A_39 = tpu.memref_squeeze %dma_wait3A_38 : memref<1x40x512xi32, #tpu.memory_space<hbm>> -> memref<40x512xi32, #tpu.memory_space<hbm>>
        tpu.wait_dma2 semaphore(%run_scoped3A : memref<!tpu.dma_semaphore, #tpu.memory_space<semaphore_mem>>) src(%dma_wait3A_39 : memref<40x512xi32, #tpu.memory_space<hbm>>) dst(%arg11 : memref<40x512xi32, #tpu.memory_space<vmem>>)
        tpu.yield
      }) : () -> ()
      "tpu.region"() ({
        %run_scoped3A = tpu.sem_alloc : memref<!tpu.dma_semaphore, #tpu.memory_space<semaphore_mem>>
        %dma_start3A_25 = arith.constant 0 : i32
        %dma_start3A_26 = arith.constant 0 : i32
        %dma_start3A_27 = tpu.memref_slice %arg7[%arg1, %dma_start3A_25, %dma_start3A_26] : memref<16x40x512xi32, #tpu.memory_space<hbm>> -> memref<1x40x512xi32, #tpu.memory_space<hbm>>
        %dma_start3A_28 = tpu.memref_squeeze %dma_start3A_27 : memref<1x40x512xi32, #tpu.memory_space<hbm>> -> memref<40x512xi32, #tpu.memory_space<hbm>>
        %dma_start3A_29 = arith.constant 0 : i32
        %dma_start3A_30 = arith.constant 0 : i32
        %dma_start3A_31 = tpu.memref_slice %arg7[%arg1, %dma_start3A_29, %dma_start3A_30] : memref<16x40x512xi32, #tpu.memory_space<hbm>> -> memref<1x40x512xi32, #tpu.memory_space<hbm>>
        %dma_start3A_32 = tpu.memref_squeeze %dma_start3A_31 : memref<1x40x512xi32, #tpu.memory_space<hbm>> -> memref<40x512xi32, #tpu.memory_space<hbm>>
        tpu.enqueue_dma source(%dma_start3A_32 : memref<40x512xi32, #tpu.memory_space<hbm>>) target(%arg12 : memref<40x512xi32, #tpu.memory_space<vmem>>) target_semaphore(%run_scoped3A : memref<!tpu.dma_semaphore, #tpu.memory_space<semaphore_mem>>)
        %dma_wait3A = arith.constant 0 : i32
        %dma_wait3A_33 = arith.constant 0 : i32
        %dma_wait3A_34 = tpu.memref_slice %arg7[%arg1, %dma_wait3A, %dma_wait3A_33] : memref<16x40x512xi32, #tpu.memory_space<hbm>> -> memref<1x40x512xi32, #tpu.memory_space<hbm>>
        %dma_wait3A_35 = tpu.memref_squeeze %dma_wait3A_34 : memref<1x40x512xi32, #tpu.memory_space<hbm>> -> memref<40x512xi32, #tpu.memory_space<hbm>>
        %dma_wait3A_36 = arith.constant 0 : i32
        %dma_wait3A_37 = arith.constant 0 : i32
        %dma_wait3A_38 = tpu.memref_slice %arg7[%arg1, %dma_wait3A_36, %dma_wait3A_37] : memref<16x40x512xi32, #tpu.memory_space<hbm>> -> memref<1x40x512xi32, #tpu.memory_space<hbm>>
        %dma_wait3A_39 = tpu.memref_squeeze %dma_wait3A_38 : memref<1x40x512xi32, #tpu.memory_space<hbm>> -> memref<40x512xi32, #tpu.memory_space<hbm>>
        tpu.wait_dma2 semaphore(%run_scoped3A : memref<!tpu.dma_semaphore, #tpu.memory_space<semaphore_mem>>) src(%dma_wait3A_39 : memref<40x512xi32, #tpu.memory_space<hbm>>) dst(%arg12 : memref<40x512xi32, #tpu.memory_space<vmem>>)
        tpu.yield
      }) : () -> ()
      %barrier3A = arith.constant 0 : index
      tpu.barrier barrier_id(%barrier3A)
      %dma_start3A = arith.constant 0 : i32
      %dma_start3A_8 = arith.constant 0 : i32
      %dma_start3A_9 = tpu.memref_slice %arg11[%dma_start3A, %dma_start3A_8] : memref<40x512xi32, #tpu.memory_space<vmem>> -> memref<1x512xi32, #tpu.memory_space<vmem>>
      %dma_start3A_10 = tpu.memref_squeeze %dma_start3A_9 : memref<1x512xi32, #tpu.memory_space<vmem>> -> memref<512xi32, #tpu.memory_space<vmem>>
      %dma_start3A_11 = arith.constant 0 : i32
      %dma_start3A_12 = arith.constant 0 : i32
      %dma_start3A_13 = tpu.memref_slice %arg3[%dma_start3A_11, %dma_start3A_12] : memref<10000x64xbf16, #tpu.memory_space<hbm>> -> memref<10000x64xbf16, #tpu.memory_space<hbm>>
      tpu.enqueue_indirect_dma source(%dma_start3A_13 : memref<10000x64xbf16, #tpu.memory_space<hbm>>) target(%arg13 : memref<512x64xbf16, #tpu.memory_space<vmem>>) offsets(%dma_start3A_10 : memref<512xi32, #tpu.memory_space<vmem>>) semaphore(%arg16 : memref<!tpu.dma_semaphore, #tpu.memory_space<semaphore_mem>>)
      %scan3A = arith.constant 0 : i32
      %scan3A_14 = arith.constant 0 : i32
      %scan3A_15 = arith.constant 20 : i32
      %scan3A_16 = arith.addi %scan3A_14, %scan3A_15 : i32
      %scan3A_17 = arith.constant 1 : i32
      %scan3A_18 = scf.for %scan3A_25 = %scan3A_14 to %scan3A_16 step %scan3A_17 iter_args(%scan3A_26 = %scan3A) -> (i32)  : i32 {
        %mul3A_27 = arith.constant 2 : i32
        %mul3A_28 = arith.muli %mul3A_27, %scan3A_25 : i32
        %add3A = arith.constant 1 : i32
        %add3A_29 = arith.addi %mul3A_28, %add3A : i32
        %lt3A = arith.constant 40 : i32
        %lt3A_30 = arith.cmpi slt, %add3A_29, %lt3A : i32
        %convert_element_type3A_31 = arith.extui %lt3A_30 : i1 to i32
        %cond3A_32 = arith.constant 0 : i32
        %cond3A_33 = arith.cmpi ne, %convert_element_type3A_31, %cond3A_32 : i32
        scf.if %cond3A_33 {
          %add3A_57 = arith.constant 1 : i32
          %add3A_58 = arith.addi %mul3A_28, %add3A_57 : i32
          %dma_start3A_59 = arith.constant 0 : i32
          %dma_start3A_60 = tpu.memref_slice %arg11[%add3A_58, %dma_start3A_59] : memref<40x512xi32, #tpu.memory_space<vmem>> -> memref<1x512xi32, #tpu.memory_space<vmem>>
          %dma_start3A_61 = tpu.memref_squeeze %dma_start3A_60 : memref<1x512xi32, #tpu.memory_space<vmem>> -> memref<512xi32, #tpu.memory_space<vmem>>
          %dma_start3A_62 = arith.constant 0 : i32
          %dma_start3A_63 = arith.constant 0 : i32
          %dma_start3A_64 = tpu.memref_slice %arg3[%dma_start3A_62, %dma_start3A_63] : memref<10000x64xbf16, #tpu.memory_space<hbm>> -> memref<10000x64xbf16, #tpu.memory_space<hbm>>
          tpu.enqueue_indirect_dma source(%dma_start3A_64 : memref<10000x64xbf16, #tpu.memory_space<hbm>>) target(%arg14 : memref<512x64xbf16, #tpu.memory_space<vmem>>) offsets(%dma_start3A_61 : memref<512xi32, #tpu.memory_space<vmem>>) semaphore(%arg17 : memref<!tpu.dma_semaphore, #tpu.memory_space<semaphore_mem>>)
        } else {
        }
        %dma_wait3A = arith.constant 0 : i32
        %dma_wait3A_34 = tpu.memref_slice %arg11[%mul3A_28, %dma_wait3A] : memref<40x512xi32, #tpu.memory_space<vmem>> -> memref<1x512xi32, #tpu.memory_space<vmem>>
        %dma_wait3A_35 = tpu.memref_squeeze %dma_wait3A_34 : memref<1x512xi32, #tpu.memory_space<vmem>> -> memref<512xi32, #tpu.memory_space<vmem>>
        %dma_wait3A_36 = arith.constant 0 : i32
        %dma_wait3A_37 = arith.constant 0 : i32
        %dma_wait3A_38 = tpu.memref_slice %arg3[%dma_wait3A_36, %dma_wait3A_37] : memref<10000x64xbf16, #tpu.memory_space<hbm>> -> memref<10000x64xbf16, #tpu.memory_space<hbm>>
        tpu.wait_indirect_dma semaphore(%arg16 : memref<!tpu.dma_semaphore, #tpu.memory_space<semaphore_mem>>) src(%dma_wait3A_38 : memref<10000x64xbf16, #tpu.memory_space<hbm>>) dst(%arg13 : memref<512x64xbf16, #tpu.memory_space<vmem>>)
        "tpu.region"() ({
          %run_scoped3A = tpu.sem_alloc : memref<!tpu.dma_semaphore, #tpu.memory_space<semaphore_mem>>
          %dma_start3A_57 = arith.constant 0 : i32
          %dma_start3A_58 = tpu.memref_slice %arg12[%mul3A_28, %dma_start3A_57] : memref<40x512xi32, #tpu.memory_space<vmem>> -> memref<1x512xi32, #tpu.memory_space<vmem>>
          %dma_start3A_59 = tpu.memref_squeeze %dma_start3A_58 : memref<1x512xi32, #tpu.memory_space<vmem>> -> memref<512xi32, #tpu.memory_space<vmem>>
          %dma_start3A_60 = arith.constant 0 : i32
          %dma_start3A_61 = arith.constant 0 : i32
          %dma_start3A_62 = tpu.memref_slice %arg15[%dma_start3A_60, %dma_start3A_61] : memref<10240x64xbf16, #tpu.memory_space<vmem_shared>> -> memref<10240x64xbf16, #tpu.memory_space<vmem_shared>>
          tpu.enqueue_indirect_dma source(%arg13 : memref<512x64xbf16, #tpu.memory_space<vmem>>) target(%dma_start3A_62 : memref<10240x64xbf16, #tpu.memory_space<vmem_shared>>) offsets(%dma_start3A_59 : memref<512xi32, #tpu.memory_space<vmem>>) semaphore(%run_scoped3A : memref<!tpu.dma_semaphore, #tpu.memory_space<semaphore_mem>>) {add = true}
          %dma_wait3A_63 = arith.constant 0 : i32
          %dma_wait3A_64 = tpu.memref_slice %arg12[%mul3A_28, %dma_wait3A_63] : memref<40x512xi32, #tpu.memory_space<vmem>> -> memref<1x512xi32, #tpu.memory_space<vmem>>
          %dma_wait3A_65 = tpu.memref_squeeze %dma_wait3A_64 : memref<1x512xi32, #tpu.memory_space<vmem>> -> memref<512xi32, #tpu.memory_space<vmem>>
          %dma_wait3A_66 = arith.constant 0 : i32
          %dma_wait3A_67 = arith.constant 0 : i32
          %dma_wait3A_68 = tpu.memref_slice %arg15[%dma_wait3A_66, %dma_wait3A_67] : memref<10240x64xbf16, #tpu.memory_space<vmem_shared>> -> memref<10240x64xbf16, #tpu.memory_space<vmem_shared>>
          tpu.wait_indirect_dma semaphore(%run_scoped3A : memref<!tpu.dma_semaphore, #tpu.memory_space<semaphore_mem>>) src(%arg13 : memref<512x64xbf16, #tpu.memory_space<vmem>>) dst(%dma_wait3A_68 : memref<10240x64xbf16, #tpu.memory_space<vmem_shared>>)
          tpu.yield
        }) : () -> ()
        %mul3A_39 = arith.constant 2 : i32
        %mul3A_40 = arith.muli %mul3A_39, %scan3A_25 : i32
        %add3A_41 = arith.constant 1 : i32
        %add3A_42 = arith.addi %mul3A_40, %add3A_41 : i32
        %add3A_43 = arith.constant 1 : i32
        %add3A_44 = arith.addi %add3A_42, %add3A_43 : i32
        %lt3A_45 = arith.constant 40 : i32
        %lt3A_46 = arith.cmpi slt, %add3A_44, %lt3A_45 : i32
        %convert_element_type3A_47 = arith.extui %lt3A_46 : i1 to i32
        %cond3A_48 = arith.constant 0 : i32
        %cond3A_49 = arith.cmpi ne, %convert_element_type3A_47, %cond3A_48 : i32
        scf.if %cond3A_49 {
          %add3A_57 = arith.constant 1 : i32
          %add3A_58 = arith.addi %add3A_42, %add3A_57 : i32
          %dma_start3A_59 = arith.constant 0 : i32
          %dma_start3A_60 = tpu.memref_slice %arg11[%add3A_58, %dma_start3A_59] : memref<40x512xi32, #tpu.memory_space<vmem>> -> memref<1x512xi32, #tpu.memory_space<vmem>>
          %dma_start3A_61 = tpu.memref_squeeze %dma_start3A_60 : memref<1x512xi32, #tpu.memory_space<vmem>> -> memref<512xi32, #tpu.memory_space<vmem>>
          %dma_start3A_62 = arith.constant 0 : i32
          %dma_start3A_63 = arith.constant 0 : i32
          %dma_start3A_64 = tpu.memref_slice %arg3[%dma_start3A_62, %dma_start3A_63] : memref<10000x64xbf16, #tpu.memory_space<hbm>> -> memref<10000x64xbf16, #tpu.memory_space<hbm>>
          tpu.enqueue_indirect_dma source(%dma_start3A_64 : memref<10000x64xbf16, #tpu.memory_space<hbm>>) target(%arg13 : memref<512x64xbf16, #tpu.memory_space<vmem>>) offsets(%dma_start3A_61 : memref<512xi32, #tpu.memory_space<vmem>>) semaphore(%arg16 : memref<!tpu.dma_semaphore, #tpu.memory_space<semaphore_mem>>)
        } else {
        }
        %dma_wait3A_50 = arith.constant 0 : i32
        %dma_wait3A_51 = tpu.memref_slice %arg11[%add3A_42, %dma_wait3A_50] : memref<40x512xi32, #tpu.memory_space<vmem>> -> memref<1x512xi32, #tpu.memory_space<vmem>>
        %dma_wait3A_52 = tpu.memref_squeeze %dma_wait3A_51 : memref<1x512xi32, #tpu.memory_space<vmem>> -> memref<512xi32, #tpu.memory_space<vmem>>
        %dma_wait3A_53 = arith.constant 0 : i32
        %dma_wait3A_54 = arith.constant 0 : i32
        %dma_wait3A_55 = tpu.memref_slice %arg3[%dma_wait3A_53, %dma_wait3A_54] : memref<10000x64xbf16, #tpu.memory_space<hbm>> -> memref<10000x64xbf16, #tpu.memory_space<hbm>>
        tpu.wait_indirect_dma semaphore(%arg17 : memref<!tpu.dma_semaphore, #tpu.memory_space<semaphore_mem>>) src(%dma_wait3A_55 : memref<10000x64xbf16, #tpu.memory_space<hbm>>) dst(%arg14 : memref<512x64xbf16, #tpu.memory_space<vmem>>)
        "tpu.region"() ({
          %run_scoped3A = tpu.sem_alloc : memref<!tpu.dma_semaphore, #tpu.memory_space<semaphore_mem>>
          %dma_start3A_57 = arith.constant 0 : i32
          %dma_start3A_58 = tpu.memref_slice %arg12[%add3A_42, %dma_start3A_57] : memref<40x512xi32, #tpu.memory_space<vmem>> -> memref<1x512xi32, #tpu.memory_space<vmem>>
          %dma_start3A_59 = tpu.memref_squeeze %dma_start3A_58 : memref<1x512xi32, #tpu.memory_space<vmem>> -> memref<512xi32, #tpu.memory_space<vmem>>
          %dma_start3A_60 = arith.constant 0 : i32
          %dma_start3A_61 = arith.constant 0 : i32
          %dma_start3A_62 = tpu.memref_slice %arg15[%dma_start3A_60, %dma_start3A_61] : memref<10240x64xbf16, #tpu.memory_space<vmem_shared>> -> memref<10240x64xbf16, #tpu.memory_space<vmem_shared>>
          tpu.enqueue_indirect_dma source(%arg14 : memref<512x64xbf16, #tpu.memory_space<vmem>>) target(%dma_start3A_62 : memref<10240x64xbf16, #tpu.memory_space<vmem_shared>>) offsets(%dma_start3A_59 : memref<512xi32, #tpu.memory_space<vmem>>) semaphore(%run_scoped3A : memref<!tpu.dma_semaphore, #tpu.memory_space<semaphore_mem>>) {add = true}
          %dma_wait3A_63 = arith.constant 0 : i32
          %dma_wait3A_64 = tpu.memref_slice %arg12[%add3A_42, %dma_wait3A_63] : memref<40x512xi32, #tpu.memory_space<vmem>> -> memref<1x512xi32, #tpu.memory_space<vmem>>
          %dma_wait3A_65 = tpu.memref_squeeze %dma_wait3A_64 : memref<1x512xi32, #tpu.memory_space<vmem>> -> memref<512xi32, #tpu.memory_space<vmem>>
          %dma_wait3A_66 = arith.constant 0 : i32
          %dma_wait3A_67 = arith.constant 0 : i32
          %dma_wait3A_68 = tpu.memref_slice %arg15[%dma_wait3A_66, %dma_wait3A_67] : memref<10240x64xbf16, #tpu.memory_space<vmem_shared>> -> memref<10240x64xbf16, #tpu.memory_space<vmem_shared>>
          tpu.wait_indirect_dma semaphore(%run_scoped3A : memref<!tpu.dma_semaphore, #tpu.memory_space<semaphore_mem>>) src(%arg14 : memref<512x64xbf16, #tpu.memory_space<vmem>>) dst(%dma_wait3A_68 : memref<10240x64xbf16, #tpu.memory_space<vmem_shared>>)
          tpu.yield
        }) : () -> ()
        %scan3A_56 = arith.constant 0 : i32
        scf.yield %scan3A_56 : i32
      }
      %scan3A_19 = arith.constant 20 : i32
      %barrier3A_20 = arith.constant 0 : index
      tpu.barrier barrier_id(%barrier3A_20)
      %mul3A_21 = arith.constant 640 : i32
      %mul3A_22 = arith.muli %arg1, %mul3A_21 : i32
      %mul3A_23 = arith.constant 640 : i32
      %mul3A_24 = arith.muli %arg1, %mul3A_23 : i32
      "tpu.region"() ({
        %run_scoped3A = tpu.sem_alloc : memref<!tpu.dma_semaphore, #tpu.memory_space<semaphore_mem>>
        %dma_start3A_25 = arith.constant 0 : i32
        %dma_start3A_26 = tpu.memref_slice %arg10[%mul3A_24, %dma_start3A_25] : memref<10240x64xbf16, #tpu.memory_space<hbm>> -> memref<640x64xbf16, #tpu.memory_space<hbm>>
        %dma_start3A_27 = arith.constant 0 : i32
        %dma_start3A_28 = tpu.memref_slice %arg15[%mul3A_22, %dma_start3A_27] : memref<10240x64xbf16, #tpu.memory_space<vmem_shared>> -> memref<640x64xbf16, #tpu.memory_space<vmem_shared>>
        tpu.enqueue_dma source(%dma_start3A_28 : memref<640x64xbf16, #tpu.memory_space<vmem_shared>>) target(%dma_start3A_26 : memref<640x64xbf16, #tpu.memory_space<hbm>>) target_semaphore(%run_scoped3A : memref<!tpu.dma_semaphore, #tpu.memory_space<semaphore_mem>>)
        %dma_wait3A = arith.constant 0 : i32
        %dma_wait3A_29 = tpu.memref_slice %arg10[%mul3A_24, %dma_wait3A] : memref<10240x64xbf16, #tpu.memory_space<hbm>> -> memref<640x64xbf16, #tpu.memory_space<hbm>>
        %dma_wait3A_30 = arith.constant 0 : i32
        %dma_wait3A_31 = tpu.memref_slice %arg15[%mul3A_22, %dma_wait3A_30] : memref<10240x64xbf16, #tpu.memory_space<vmem_shared>> -> memref<640x64xbf16, #tpu.memory_space<vmem_shared>>
        tpu.wait_dma2 semaphore(%run_scoped3A : memref<!tpu.dma_semaphore, #tpu.memory_space<semaphore_mem>>) src(%dma_wait3A_31 : memref<640x64xbf16, #tpu.memory_space<vmem_shared>>) dst(%dma_wait3A_29 : memref<640x64xbf16, #tpu.memory_space<hbm>>)
        tpu.yield
      }) : () -> ()
    } else {
    }
    return
  }
}

module attributes {stable_mosaic.version = 14 : i64} {
  func.func @_tc_pre_body(%arg0: i32, %arg1: memref<2000x128xf32, #tpu.memory_space<vmem>>, %arg2: memref<2000x1xf32, #tpu.memory_space<vmem>>, %arg3: memref<2000x1xf32, #tpu.memory_space<vmem>>, %arg4: memref<128x64xf32, #tpu.memory_space<vmem>>, %arg5: memref<128x64xf32, #tpu.memory_space<vmem>>, %arg6: memref<2000x80xbf16, #tpu.memory_space<vmem>>, %arg7: memref<2000x80xbf16, #tpu.memory_space<vmem>>) attributes {dimension_semantics = [#tpu.dimension_semantics<arbitrary>], iteration_bounds = array<i64: 5>, scalar_prefetch = 0 : i64, scratch_operands = 0 : i64, tpu.core_type = #tpu.core_type<tc>, window_params = [{transform_indices = @transform_0, window_bounds = array<i64: 2000, 128>}, {transform_indices = @transform_1, window_bounds = array<i64: 2000, 1>}, {transform_indices = @transform_2, window_bounds = array<i64: 2000, 1>}, {pipeline_mode = #tpu.pipeline_mode<synchronous>, transform_indices = @transform_3, window_bounds = array<i64: 128, 64>}, {pipeline_mode = #tpu.pipeline_mode<synchronous>, transform_indices = @transform_4, window_bounds = array<i64: 128, 64>}, {transform_indices = @transform_5, window_bounds = array<i64: 2000, 80>}, {transform_indices = @transform_6, window_bounds = array<i64: 2000, 80>}]} {
    %get3A = arith.constant 0 : index
    %get3A_0 = arith.constant 0 : index
    %get3A_1 = vector.load %arg1[%get3A, %get3A_0] : memref<2000x128xf32, #tpu.memory_space<vmem>>, vector<2000x128xf32>
    %get3A_2 = arith.constant 0 : index
    %get3A_3 = arith.constant 0 : index
    %get3A_4 = vector.load %arg2[%get3A_2, %get3A_3] : memref<2000x1xf32, #tpu.memory_space<vmem>>, vector<2000x1xf32>
    %get3A_5 = arith.constant 0 : index
    %get3A_6 = arith.constant 0 : index
    %get3A_7 = vector.load %arg4[%get3A_5, %get3A_6] : memref<128x64xf32, #tpu.memory_space<vmem>>, vector<128x64xf32>
    %add3A = arith.constant 1.000000e+00 : f32
    %add3A_8 = vector.broadcast %add3A : f32 to vector<2000x1xf32>
    %add3A_9 = arith.addf %get3A_4, %add3A_8 : vector<2000x1xf32>
    %rsqrt3A = math.rsqrt %add3A_9 : vector<2000x1xf32>
    %convert_element_type3A = arith.truncf %rsqrt3A : vector<2000x1xf32> to vector<2000x1xbf16>
    %convert_element_type3A_10 = arith.extf %convert_element_type3A : vector<2000x1xbf16> to vector<2000x1xf32>
    %sub3A = arith.subf %rsqrt3A, %convert_element_type3A_10 : vector<2000x1xf32>
    %convert_element_type3A_11 = arith.truncf %sub3A : vector<2000x1xf32> to vector<2000x1xbf16>
    %dot_general3A = arith.constant dense<0.000000e+00> : vector<2000x64xf32>
    %dot_general3A_12 = tpu.matmul %get3A_1, %get3A_7, %dot_general3A {dimension_numbers = #tpu.dot_dimension_numbers<[1], [0], [0], [1], [0, 0, 1, 1], [], []>, transpose_lhs_hint = false} : vector<2000x128xf32>, vector<128x64xf32>, vector<2000x64xf32> -> vector<2000x64xf32>
    %mul3A = vector.broadcast %rsqrt3A : vector<2000x1xf32> to vector<2000x64xf32>
    %mul3A_13 = arith.mulf %dot_general3A_12, %mul3A : vector<2000x64xf32>
    %broadcast_in_dim3A = arith.constant 0.000000e+00 : bf16
    %broadcast_in_dim3A_14 = vector.broadcast %broadcast_in_dim3A : bf16 to vector<2000x14xbf16>
    %convert_element_type3A_15 = arith.truncf %mul3A_13 : vector<2000x64xf32> to vector<2000x64xbf16>
    %concatenate3A = tpu.concatenate %convert_element_type3A_15, %convert_element_type3A, %convert_element_type3A_11, %broadcast_in_dim3A_14 in 1 : vector<2000x64xbf16>, vector<2000x1xbf16>, vector<2000x1xbf16>, vector<2000x14xbf16> -> vector<2000x80xbf16>
    %swap3A = arith.constant 0 : index
    %swap3A_16 = arith.constant 0 : index
    %swap3A_17 = vector.load %arg6[%swap3A, %swap3A_16] : memref<2000x80xbf16, #tpu.memory_space<vmem>>, vector<2000x80xbf16>
    tpu.vector_store %arg6[%swap3A, %swap3A_16], %concatenate3A {strides = array<i32>} : memref<2000x80xbf16, #tpu.memory_space<vmem>>, vector<2000x80xbf16>,
    %get3A_18 = arith.constant 0 : index
    %get3A_19 = arith.constant 0 : index
    %get3A_20 = vector.load %arg3[%get3A_18, %get3A_19] : memref<2000x1xf32, #tpu.memory_space<vmem>>, vector<2000x1xf32>
    %get3A_21 = arith.constant 0 : index
    %get3A_22 = arith.constant 0 : index
    %get3A_23 = vector.load %arg5[%get3A_21, %get3A_22] : memref<128x64xf32, #tpu.memory_space<vmem>>, vector<128x64xf32>
    %add3A_24 = arith.constant 1.000000e+00 : f32
    %add3A_25 = vector.broadcast %add3A_24 : f32 to vector<2000x1xf32>
    %add3A_26 = arith.addf %get3A_20, %add3A_25 : vector<2000x1xf32>
    %rsqrt3A_27 = math.rsqrt %add3A_26 : vector<2000x1xf32>
    %convert_element_type3A_28 = arith.truncf %rsqrt3A_27 : vector<2000x1xf32> to vector<2000x1xbf16>
    %convert_element_type3A_29 = arith.extf %convert_element_type3A_28 : vector<2000x1xbf16> to vector<2000x1xf32>
    %sub3A_30 = arith.subf %rsqrt3A_27, %convert_element_type3A_29 : vector<2000x1xf32>
    %convert_element_type3A_31 = arith.truncf %sub3A_30 : vector<2000x1xf32> to vector<2000x1xbf16>
    %dot_general3A_32 = arith.constant dense<0.000000e+00> : vector<2000x64xf32>
    %dot_general3A_33 = tpu.matmul %get3A_1, %get3A_23, %dot_general3A_32 {dimension_numbers = #tpu.dot_dimension_numbers<[1], [0], [0], [1], [0, 0, 1, 1], [], []>, transpose_lhs_hint = false} : vector<2000x128xf32>, vector<128x64xf32>, vector<2000x64xf32> -> vector<2000x64xf32>
    %mul3A_34 = vector.broadcast %rsqrt3A_27 : vector<2000x1xf32> to vector<2000x64xf32>
    %mul3A_35 = arith.mulf %dot_general3A_33, %mul3A_34 : vector<2000x64xf32>
    %broadcast_in_dim3A_36 = arith.constant 0.000000e+00 : bf16
    %broadcast_in_dim3A_37 = vector.broadcast %broadcast_in_dim3A_36 : bf16 to vector<2000x14xbf16>
    %convert_element_type3A_38 = arith.truncf %mul3A_35 : vector<2000x64xf32> to vector<2000x64xbf16>
    %concatenate3A_39 = tpu.concatenate %convert_element_type3A_38, %convert_element_type3A_28, %convert_element_type3A_31, %broadcast_in_dim3A_37 in 1 : vector<2000x64xbf16>, vector<2000x1xbf16>, vector<2000x1xbf16>, vector<2000x14xbf16> -> vector<2000x80xbf16>
    %swap3A_40 = arith.constant 0 : index
    %swap3A_41 = arith.constant 0 : index
    %swap3A_42 = vector.load %arg7[%swap3A_40, %swap3A_41] : memref<2000x80xbf16, #tpu.memory_space<vmem>>, vector<2000x80xbf16>
    tpu.vector_store %arg7[%swap3A_40, %swap3A_41], %concatenate3A_39 {strides = array<i32>} : memref<2000x80xbf16, #tpu.memory_space<vmem>>, vector<2000x80xbf16>,
    return
  }
  func.func @transform_0(%arg0: i32) -> (i32, i32) {
    %c0_i32 = arith.constant 0 : i32
    %c0_i32_0 = arith.constant 0 : i32
    return %arg0, %c0_i32 : i32, i32
  }
  func.func @transform_1(%arg0: i32) -> (i32, i32) {
    %c0_i32 = arith.constant 0 : i32
    %c0_i32_0 = arith.constant 0 : i32
    return %arg0, %c0_i32 : i32, i32
  }
  func.func @transform_2(%arg0: i32) -> (i32, i32) {
    %c0_i32 = arith.constant 0 : i32
    %c0_i32_0 = arith.constant 0 : i32
    return %arg0, %c0_i32 : i32, i32
  }
  func.func @transform_3(%arg0: i32) -> (i32, i32) {
    %c0_i32 = arith.constant 0 : i32
    %c0_i32_0 = arith.constant 0 : i32
    %c0_i32_1 = arith.constant 0 : i32
    return %c0_i32, %c0_i32_0 : i32, i32
  }
  func.func @transform_4(%arg0: i32) -> (i32, i32) {
    %c0_i32 = arith.constant 0 : i32
    %c0_i32_0 = arith.constant 0 : i32
    %c0_i32_1 = arith.constant 0 : i32
    return %c0_i32, %c0_i32_0 : i32, i32
  }
  func.func @transform_5(%arg0: i32) -> (i32, i32) {
    %c0_i32 = arith.constant 0 : i32
    %c0_i32_0 = arith.constant 0 : i32
    return %arg0, %c0_i32 : i32, i32
  }
  func.func @transform_6(%arg0: i32) -> (i32, i32) {
    %c0_i32 = arith.constant 0 : i32
    %c0_i32_0 = arith.constant 0 : i32
    return %arg0, %c0_i32 : i32, i32
  }
}

module attributes {stable_mosaic.version = 14 : i64} {
  func.func @_tc_mid_body(%arg0: i32, %arg1: memref<2000x80xbf16, #tpu.memory_space<vmem>>, %arg2: memref<2000x80xbf16, #tpu.memory_space<vmem>>, %arg3: memref<2000x80xbf16, #tpu.memory_space<vmem>>, %arg4: memref<2000x80xbf16, #tpu.memory_space<vmem>>, %arg5: memref<64x64xf32, #tpu.memory_space<vmem>>, %arg6: memref<64x64xf32, #tpu.memory_space<vmem>>, %arg7: memref<1x128xf32, #tpu.memory_space<vmem>>, %arg8: memref<128x64xf32, #tpu.memory_space<vmem>>, %arg9: memref<128x64xf32, #tpu.memory_space<vmem>>, %arg10: memref<2000x64xbf16, #tpu.memory_space<vmem>>, %arg11: memref<2000x64xbf16, #tpu.memory_space<vmem>>, %arg12: memref<2000x64xf32, #tpu.memory_space<vmem>>, %arg13: memref<2000x64xf32, #tpu.memory_space<vmem>>) attributes {dimension_semantics = [#tpu.dimension_semantics<arbitrary>], iteration_bounds = array<i64: 5>, scalar_prefetch = 0 : i64, scratch_operands = 0 : i64, tpu.core_type = #tpu.core_type<tc>, window_params = [{transform_indices = @transform_0, window_bounds = array<i64: 2000, 80>}, {transform_indices = @transform_1, window_bounds = array<i64: 2000, 80>}, {transform_indices = @transform_2, window_bounds = array<i64: 2000, 80>}, {transform_indices = @transform_3, window_bounds = array<i64: 2000, 80>}, {pipeline_mode = #tpu.pipeline_mode<synchronous>, transform_indices = @transform_4, window_bounds = array<i64: 64, 64>}, {pipeline_mode = #tpu.pipeline_mode<synchronous>, transform_indices = @transform_5, window_bounds = array<i64: 64, 64>}, {pipeline_mode = #tpu.pipeline_mode<synchronous>, transform_indices = @transform_6, window_bounds = array<i64: 1, 128>}, {pipeline_mode = #tpu.pipeline_mode<synchronous>, transform_indices = @transform_7, window_bounds = array<i64: 128, 64>}, {pipeline_mode = #tpu.pipeline_mode<synchronous>, transform_indices = @transform_8, window_bounds = array<i64: 128, 64>}, {transform_indices = @transform_9, window_bounds = array<i64: 2000, 64>}, {transform_indices = @transform_10, window_bounds = array<i64: 2000, 64>}, {transform_indices = @transform_11, window_bounds = array<i64: 2000, 64>}, {transform_indices = @transform_12, window_bounds = array<i64: 2000, 64>}]} {
    %get3A = arith.constant 0 : index
    %get3A_0 = arith.constant 0 : index
    %get3A_1 = vector.load %arg1[%get3A, %get3A_0] : memref<2000x80xbf16, #tpu.memory_space<vmem>>, vector<2000x80xbf16>
    %get3A_2 = arith.constant 0 : index
    %get3A_3 = arith.constant 0 : index
    %get3A_4 = vector.load %arg3[%get3A_2, %get3A_3] : memref<2000x80xbf16, #tpu.memory_space<vmem>>, vector<2000x80xbf16>
    %get3A_5 = arith.constant 0 : index
    %get3A_6 = arith.constant 0 : index
    %get3A_7 = vector.load %arg5[%get3A_5, %get3A_6] : memref<64x64xf32, #tpu.memory_space<vmem>>, vector<64x64xf32>
    %get3A_8 = arith.constant 0 : index
    %get3A_9 = arith.constant 0 : index
    %get3A_10 = vector.load %arg8[%get3A_8, %get3A_9] : memref<128x64xf32, #tpu.memory_space<vmem>>, vector<128x64xf32>
    %convert_element_type3A = arith.extf %get3A_1 : vector<2000x80xbf16> to vector<2000x80xf32>
    %convert_element_type3A_11 = arith.extf %get3A_4 : vector<2000x80xbf16> to vector<2000x80xf32>
    %slice3A = vector.extract_strided_slice %convert_element_type3A_11 {offsets = [0, 64], sizes = [2000, 1], strides = [1, 1]} : vector<2000x80xf32> to vector<2000x1xf32>
    %slice3A_12 = vector.extract_strided_slice %convert_element_type3A_11 {offsets = [0, 65], sizes = [2000, 1], strides = [1, 1]} : vector<2000x80xf32> to vector<2000x1xf32>
    %add3A = arith.addf %slice3A, %slice3A_12 : vector<2000x1xf32>
    %slice3A_13 = vector.extract_strided_slice %convert_element_type3A {offsets = [0, 64], sizes = [2000, 1], strides = [1, 1]} : vector<2000x80xf32> to vector<2000x1xf32>
    %slice3A_14 = vector.extract_strided_slice %convert_element_type3A {offsets = [0, 65], sizes = [2000, 1], strides = [1, 1]} : vector<2000x80xf32> to vector<2000x1xf32>
    %add3A_15 = arith.addf %slice3A_13, %slice3A_14 : vector<2000x1xf32>
    %slice3A_16 = vector.extract_strided_slice %convert_element_type3A {offsets = [0, 0], sizes = [2000, 64], strides = [1, 1]} : vector<2000x80xf32> to vector<2000x64xf32>
    %slice3A_17 = vector.extract_strided_slice %convert_element_type3A_11 {offsets = [0, 0], sizes = [2000, 64], strides = [1, 1]} : vector<2000x80xf32> to vector<2000x64xf32>
    %add3A_18 = arith.addf %slice3A_16, %slice3A_17 : vector<2000x64xf32>
    %mul3A = vector.broadcast %add3A : vector<2000x1xf32> to vector<2000x64xf32>
    %mul3A_19 = arith.mulf %mul3A, %add3A_18 : vector<2000x64xf32>
    %max3A = arith.constant 0.000000e+00 : f32
    %max3A_20 = vector.broadcast %max3A : f32 to vector<2000x64xf32>
    %max3A_21 = arith.maximumf %mul3A_19, %max3A_20 : vector<2000x64xf32>
    %dot_general3A = arith.constant dense<0.000000e+00> : vector<2000x64xf32>
    %dot_general3A_22 = tpu.matmul %max3A_21, %get3A_7, %dot_general3A {dimension_numbers = #tpu.dot_dimension_numbers<[1], [0], [0], [1], [0, 0, 1, 1], [], []>, transpose_lhs_hint = false} : vector<2000x64xf32>, vector<64x64xf32>, vector<2000x64xf32> -> vector<2000x64xf32>
    %mul3A_23 = vector.broadcast %add3A : vector<2000x1xf32> to vector<2000x64xf32>
    %mul3A_24 = arith.mulf %dot_general3A_22, %mul3A_23 : vector<2000x64xf32>
    %get3A_25 = arith.constant 0 : index
    %get3A_26 = arith.constant 0 : index
    %get3A_27 = vector.load %arg7[%get3A_25, %get3A_26] : memref<1x128xf32, #tpu.memory_space<vmem>>, vector<1x128xf32>
    %dot_general3A_28 = arith.constant dense<0.000000e+00> : vector<1x64xf32>
    %dot_general3A_29 = tpu.matmul %get3A_27, %get3A_10, %dot_general3A_28 {dimension_numbers = #tpu.dot_dimension_numbers<[1], [0], [0], [1], [0, 0, 1, 1], [], []>, transpose_lhs_hint = false} : vector<1x128xf32>, vector<128x64xf32>, vector<1x64xf32> -> vector<1x64xf32>
    %mul3A_30 = vector.broadcast %add3A : vector<2000x1xf32> to vector<2000x64xf32>
    %mul3A_31 = arith.mulf %mul3A_30, %mul3A_24 : vector<2000x64xf32>
    %add3A_32 = arith.addf %add3A_15, %add3A : vector<2000x1xf32>
    %mul3A_33 = arith.mulf %add3A, %add3A_32 : vector<2000x1xf32>
    %mul3A_34 = vector.broadcast %mul3A_33 : vector<2000x1xf32> to vector<2000x64xf32>
    %mul3A_35 = vector.broadcast %dot_general3A_29 : vector<1x64xf32> to vector<2000x64xf32>
    %mul3A_36 = arith.mulf %mul3A_34, %mul3A_35 : vector<2000x64xf32>
    %add3A_37 = arith.addf %mul3A_31, %mul3A_36 : vector<2000x64xf32>
    %convert_element_type3A_38 = arith.truncf %mul3A_24 : vector<2000x64xf32> to vector<2000x64xbf16>
    %get3A_39 = arith.constant 0 : index
    %get3A_40 = arith.constant 0 : index
    %get3A_41 = vector.load %arg2[%get3A_39, %get3A_40] : memref<2000x80xbf16, #tpu.memory_space<vmem>>, vector<2000x80xbf16>
    %get3A_42 = arith.constant 0 : index
    %get3A_43 = arith.constant 0 : index
    %get3A_44 = vector.load %arg4[%get3A_42, %get3A_43] : memref<2000x80xbf16, #tpu.memory_space<vmem>>, vector<2000x80xbf16>
    %get3A_45 = arith.constant 0 : index
    %get3A_46 = arith.constant 0 : index
    %get3A_47 = vector.load %arg6[%get3A_45, %get3A_46] : memref<64x64xf32, #tpu.memory_space<vmem>>, vector<64x64xf32>
    %get3A_48 = arith.constant 0 : index
    %get3A_49 = arith.constant 0 : index
    %get3A_50 = vector.load %arg9[%get3A_48, %get3A_49] : memref<128x64xf32, #tpu.memory_space<vmem>>, vector<128x64xf32>
    %convert_element_type3A_51 = arith.extf %get3A_41 : vector<2000x80xbf16> to vector<2000x80xf32>
    %convert_element_type3A_52 = arith.extf %get3A_44 : vector<2000x80xbf16> to vector<2000x80xf32>
    %slice3A_53 = vector.extract_strided_slice %convert_element_type3A_52 {offsets = [0, 64], sizes = [2000, 1], strides = [1, 1]} : vector<2000x80xf32> to vector<2000x1xf32>
    %slice3A_54 = vector.extract_strided_slice %convert_element_type3A_52 {offsets = [0, 65], sizes = [2000, 1], strides = [1, 1]} : vector<2000x80xf32> to vector<2000x1xf32>
    %add3A_55 = arith.addf %slice3A_53, %slice3A_54 : vector<2000x1xf32>
    %slice3A_56 = vector.extract_strided_slice %convert_element_type3A_51 {offsets = [0, 64], sizes = [2000, 1], strides = [1, 1]} : vector<2000x80xf32> to vector<2000x1xf32>
    %slice3A_57 = vector.extract_strided_slice %convert_element_type3A_51 {offsets = [0, 65], sizes = [2000, 1], strides = [1, 1]} : vector<2000x80xf32> to vector<2000x1xf32>
    %add3A_58 = arith.addf %slice3A_56, %slice3A_57 : vector<2000x1xf32>
    %slice3A_59 = vector.extract_strided_slice %convert_element_type3A_51 {offsets = [0, 0], sizes = [2000, 64], strides = [1, 1]} : vector<2000x80xf32> to vector<2000x64xf32>
    %slice3A_60 = vector.extract_strided_slice %convert_element_type3A_52 {offsets = [0, 0], sizes = [2000, 64], strides = [1, 1]} : vector<2000x80xf32> to vector<2000x64xf32>
    %add3A_61 = arith.addf %slice3A_59, %slice3A_60 : vector<2000x64xf32>
    %mul3A_62 = vector.broadcast %add3A_55 : vector<2000x1xf32> to vector<2000x64xf32>
    %mul3A_63 = arith.mulf %mul3A_62, %add3A_61 : vector<2000x64xf32>
    %max3A_64 = arith.constant 0.000000e+00 : f32
    %max3A_65 = vector.broadcast %max3A_64 : f32 to vector<2000x64xf32>
    %max3A_66 = arith.maximumf %mul3A_63, %max3A_65 : vector<2000x64xf32>
    %dot_general3A_67 = arith.constant dense<0.000000e+00> : vector<2000x64xf32>
    %dot_general3A_68 = tpu.matmul %max3A_66, %get3A_47, %dot_general3A_67 {dimension_numbers = #tpu.dot_dimension_numbers<[1], [0], [0], [1], [0, 0, 1, 1], [], []>, transpose_lhs_hint = false} : vector<2000x64xf32>, vector<64x64xf32>, vector<2000x64xf32> -> vector<2000x64xf32>
    %mul3A_69 = vector.broadcast %add3A_55 : vector<2000x1xf32> to vector<2000x64xf32>
    %mul3A_70 = arith.mulf %dot_general3A_68, %mul3A_69 : vector<2000x64xf32>
    %get3A_71 = arith.constant 0 : index
    %get3A_72 = arith.constant 0 : index
    %get3A_73 = vector.load %arg7[%get3A_71, %get3A_72] : memref<1x128xf32, #tpu.memory_space<vmem>>, vector<1x128xf32>
    %dot_general3A_74 = arith.constant dense<0.000000e+00> : vector<1x64xf32>
    %dot_general3A_75 = tpu.matmul %get3A_73, %get3A_50, %dot_general3A_74 {dimension_numbers = #tpu.dot_dimension_numbers<[1], [0], [0], [1], [0, 0, 1, 1], [], []>, transpose_lhs_hint = false} : vector<1x128xf32>, vector<128x64xf32>, vector<1x64xf32> -> vector<1x64xf32>
    %mul3A_76 = vector.broadcast %add3A_55 : vector<2000x1xf32> to vector<2000x64xf32>
    %mul3A_77 = arith.mulf %mul3A_76, %mul3A_70 : vector<2000x64xf32>
    %add3A_78 = arith.addf %add3A_58, %add3A_55 : vector<2000x1xf32>
    %mul3A_79 = arith.mulf %add3A_55, %add3A_78 : vector<2000x1xf32>
    %mul3A_80 = vector.broadcast %mul3A_79 : vector<2000x1xf32> to vector<2000x64xf32>
    %mul3A_81 = vector.broadcast %dot_general3A_75 : vector<1x64xf32> to vector<2000x64xf32>
    %mul3A_82 = arith.mulf %mul3A_80, %mul3A_81 : vector<2000x64xf32>
    %add3A_83 = arith.addf %mul3A_77, %mul3A_82 : vector<2000x64xf32>
    %convert_element_type3A_84 = arith.truncf %mul3A_70 : vector<2000x64xf32> to vector<2000x64xbf16>
    %swap3A = arith.constant 0 : index
    %swap3A_85 = arith.constant 0 : index
    %swap3A_86 = vector.load %arg10[%swap3A, %swap3A_85] : memref<2000x64xbf16, #tpu.memory_space<vmem>>, vector<2000x64xbf16>
    tpu.vector_store %arg10[%swap3A, %swap3A_85], %convert_element_type3A_38 {strides = array<i32>} : memref<2000x64xbf16, #tpu.memory_space<vmem>>, vector<2000x64xbf16>,
    %swap3A_87 = arith.constant 0 : index
    %swap3A_88 = arith.constant 0 : index
    %swap3A_89 = vector.load %arg11[%swap3A_87, %swap3A_88] : memref<2000x64xbf16, #tpu.memory_space<vmem>>, vector<2000x64xbf16>
    tpu.vector_store %arg11[%swap3A_87, %swap3A_88], %convert_element_type3A_84 {strides = array<i32>} : memref<2000x64xbf16, #tpu.memory_space<vmem>>, vector<2000x64xbf16>,
    %swap3A_90 = arith.constant 0 : index
    %swap3A_91 = arith.constant 0 : index
    %swap3A_92 = vector.load %arg12[%swap3A_90, %swap3A_91] : memref<2000x64xf32, #tpu.memory_space<vmem>>, vector<2000x64xf32>
    tpu.vector_store %arg12[%swap3A_90, %swap3A_91], %add3A_37 {strides = array<i32>} : memref<2000x64xf32, #tpu.memory_space<vmem>>, vector<2000x64xf32>,
    %swap3A_93 = arith.constant 0 : index
    %swap3A_94 = arith.constant 0 : index
    %swap3A_95 = vector.load %arg13[%swap3A_93, %swap3A_94] : memref<2000x64xf32, #tpu.memory_space<vmem>>, vector<2000x64xf32>
    tpu.vector_store %arg13[%swap3A_93, %swap3A_94], %add3A_83 {strides = array<i32>} : memref<2000x64xf32, #tpu.memory_space<vmem>>, vector<2000x64xf32>,
    return
  }
  func.func @transform_0(%arg0: i32) -> (i32, i32) {
    %c0_i32 = arith.constant 0 : i32
    %c0_i32_0 = arith.constant 0 : i32
    return %arg0, %c0_i32 : i32, i32
  }
  func.func @transform_1(%arg0: i32) -> (i32, i32) {
    %c0_i32 = arith.constant 0 : i32
    %c0_i32_0 = arith.constant 0 : i32
    return %arg0, %c0_i32 : i32, i32
  }
  func.func @transform_2(%arg0: i32) -> (i32, i32) {
    %c0_i32 = arith.constant 0 : i32
    %c0_i32_0 = arith.constant 0 : i32
    return %arg0, %c0_i32 : i32, i32
  }
  func.func @transform_3(%arg0: i32) -> (i32, i32) {
    %c0_i32 = arith.constant 0 : i32
    %c0_i32_0 = arith.constant 0 : i32
    return %arg0, %c0_i32 : i32, i32
  }
  func.func @transform_4(%arg0: i32) -> (i32, i32) {
    %c0_i32 = arith.constant 0 : i32
    %c0_i32_0 = arith.constant 0 : i32
    %c0_i32_1 = arith.constant 0 : i32
    return %c0_i32, %c0_i32_0 : i32, i32
  }
  func.func @transform_5(%arg0: i32) -> (i32, i32) {
    %c0_i32 = arith.constant 0 : i32
    %c0_i32_0 = arith.constant 0 : i32
    %c0_i32_1 = arith.constant 0 : i32
    return %c0_i32, %c0_i32_0 : i32, i32
  }
  func.func @transform_6(%arg0: i32) -> (i32, i32) {
    %c0_i32 = arith.constant 0 : i32
    %c0_i32_0 = arith.constant 0 : i32
    %c0_i32_1 = arith.constant 0 : i32
    return %c0_i32, %c0_i32_0 : i32, i32
  }
  func.func @transform_7(%arg0: i32) -> (i32, i32) {
    %c0_i32 = arith.constant 0 : i32
    %c0_i32_0 = arith.constant 0 : i32
    %c0_i32_1 = arith.constant 0 : i32
    return %c0_i32, %c0_i32_0 : i32, i32
  }
  func.func @transform_8(%arg0: i32) -> (i32, i32) {
    %c0_i32 = arith.constant 0 : i32
    %c0_i32_0 = arith.constant 0 : i32
    %c0_i32_1 = arith.constant 0 : i32
    return %c0_i32, %c0_i32_0 : i32, i32
  }
  func.func @transform_9(%arg0: i32) -> (i32, i32) {
    %c0_i32 = arith.constant 0 : i32
    %c0_i32_0 = arith.constant 0 : i32
    return %arg0, %c0_i32 : i32, i32
  }
  func.func @transform_10(%arg0: i32) -> (i32, i32) {
    %c0_i32 = arith.constant 0 : i32
    %c0_i32_0 = arith.constant 0 : i32
    return %arg0, %c0_i32 : i32, i32
  }
  func.func @transform_11(%arg0: i32) -> (i32, i32) {
    %c0_i32 = arith.constant 0 : i32
    %c0_i32_0 = arith.constant 0 : i32
    return %arg0, %c0_i32 : i32, i32
  }
  func.func @transform_12(%arg0: i32) -> (i32, i32) {
    %c0_i32 = arith.constant 0 : i32
    %c0_i32_0 = arith.constant 0 : i32
    return %arg0, %c0_i32 : i32, i32
  }
}

module attributes {stable_mosaic.version = 14 : i64} {
  func.func @_tc_post_body(%arg0: i32, %arg1: memref<2000x64xbf16, #tpu.memory_space<vmem>>, %arg2: memref<2000x64xbf16, #tpu.memory_space<vmem>>, %arg3: memref<2000x64xf32, #tpu.memory_space<vmem>>, %arg4: memref<2000x64xf32, #tpu.memory_space<vmem>>, %arg5: memref<2000x80xbf16, #tpu.memory_space<vmem>>, %arg6: memref<2000x80xbf16, #tpu.memory_space<vmem>>, %arg7: memref<2000x128xf32, #tpu.memory_space<vmem>>) attributes {dimension_semantics = [#tpu.dimension_semantics<arbitrary>], iteration_bounds = array<i64: 5>, scalar_prefetch = 0 : i64, scratch_operands = 0 : i64, tpu.core_type = #tpu.core_type<tc>, window_params = [{transform_indices = @transform_0, window_bounds = array<i64: 2000, 64>}, {transform_indices = @transform_1, window_bounds = array<i64: 2000, 64>}, {transform_indices = @transform_2, window_bounds = array<i64: 2000, 64>}, {transform_indices = @transform_3, window_bounds = array<i64: 2000, 64>}, {transform_indices = @transform_4, window_bounds = array<i64: 2000, 80>}, {transform_indices = @transform_5, window_bounds = array<i64: 2000, 80>}, {transform_indices = @transform_6, window_bounds = array<i64: 2000, 128>}]} {
    %get3A = arith.constant 0 : index
    %get3A_0 = arith.constant 0 : index
    %get3A_1 = vector.load %arg1[%get3A, %get3A_0] : memref<2000x64xbf16, #tpu.memory_space<vmem>>, vector<2000x64xbf16>
    %get3A_2 = arith.constant 0 : index
    %get3A_3 = arith.constant 0 : index
    %get3A_4 = vector.load %arg3[%get3A_2, %get3A_3] : memref<2000x64xf32, #tpu.memory_space<vmem>>, vector<2000x64xf32>
    %get3A_5 = arith.constant 0 : index
    %get3A_6 = arith.constant 0 : index
    %get3A_7 = vector.load %arg5[%get3A_5, %get3A_6] : memref<2000x80xbf16, #tpu.memory_space<vmem>>, vector<2000x80xbf16>
    %slice3A = vector.extract_strided_slice %get3A_7 {offsets = [0, 64], sizes = [2000, 1], strides = [1, 1]} : vector<2000x80xbf16> to vector<2000x1xbf16>
    %convert_element_type3A = arith.extf %slice3A : vector<2000x1xbf16> to vector<2000x1xf32>
    %slice3A_8 = vector.extract_strided_slice %get3A_7 {offsets = [0, 65], sizes = [2000, 1], strides = [1, 1]} : vector<2000x80xbf16> to vector<2000x1xbf16>
    %convert_element_type3A_9 = arith.extf %slice3A_8 : vector<2000x1xbf16> to vector<2000x1xf32>
    %add3A = arith.addf %convert_element_type3A, %convert_element_type3A_9 : vector<2000x1xf32>
    %convert_element_type3A_10 = arith.extf %get3A_1 : vector<2000x64xbf16> to vector<2000x64xf32>
    %mul3A = vector.broadcast %add3A : vector<2000x1xf32> to vector<2000x64xf32>
    %mul3A_11 = arith.mulf %mul3A, %convert_element_type3A_10 : vector<2000x64xf32>
    %add3A_12 = arith.addf %mul3A_11, %get3A_4 : vector<2000x64xf32>
    %max3A = arith.constant 0.000000e+00 : f32
    %max3A_13 = vector.broadcast %max3A : f32 to vector<2000x64xf32>
    %max3A_14 = arith.maximumf %add3A_12, %max3A_13 : vector<2000x64xf32>
    %get3A_15 = arith.constant 0 : index
    %get3A_16 = arith.constant 0 : index
    %get3A_17 = vector.load %arg2[%get3A_15, %get3A_16] : memref<2000x64xbf16, #tpu.memory_space<vmem>>, vector<2000x64xbf16>
    %get3A_18 = arith.constant 0 : index
    %get3A_19 = arith.constant 0 : index
    %get3A_20 = vector.load %arg4[%get3A_18, %get3A_19] : memref<2000x64xf32, #tpu.memory_space<vmem>>, vector<2000x64xf32>
    %get3A_21 = arith.constant 0 : index
    %get3A_22 = arith.constant 0 : index
    %get3A_23 = vector.load %arg6[%get3A_21, %get3A_22] : memref<2000x80xbf16, #tpu.memory_space<vmem>>, vector<2000x80xbf16>
    %slice3A_24 = vector.extract_strided_slice %get3A_23 {offsets = [0, 64], sizes = [2000, 1], strides = [1, 1]} : vector<2000x80xbf16> to vector<2000x1xbf16>
    %convert_element_type3A_25 = arith.extf %slice3A_24 : vector<2000x1xbf16> to vector<2000x1xf32>
    %slice3A_26 = vector.extract_strided_slice %get3A_23 {offsets = [0, 65], sizes = [2000, 1], strides = [1, 1]} : vector<2000x80xbf16> to vector<2000x1xbf16>
    %convert_element_type3A_27 = arith.extf %slice3A_26 : vector<2000x1xbf16> to vector<2000x1xf32>
    %add3A_28 = arith.addf %convert_element_type3A_25, %convert_element_type3A_27 : vector<2000x1xf32>
    %convert_element_type3A_29 = arith.extf %get3A_17 : vector<2000x64xbf16> to vector<2000x64xf32>
    %mul3A_30 = vector.broadcast %add3A_28 : vector<2000x1xf32> to vector<2000x64xf32>
    %mul3A_31 = arith.mulf %mul3A_30, %convert_element_type3A_29 : vector<2000x64xf32>
    %add3A_32 = arith.addf %mul3A_31, %get3A_20 : vector<2000x64xf32>
    %max3A_33 = arith.constant 0.000000e+00 : f32
    %max3A_34 = vector.broadcast %max3A_33 : f32 to vector<2000x64xf32>
    %max3A_35 = arith.maximumf %add3A_32, %max3A_34 : vector<2000x64xf32>
    %concatenate3A = tpu.concatenate %max3A_14, %max3A_35 in 1 : vector<2000x64xf32>, vector<2000x64xf32> -> vector<2000x128xf32>
    %swap3A = arith.constant 0 : index
    %swap3A_36 = arith.constant 0 : index
    %swap3A_37 = vector.load %arg7[%swap3A, %swap3A_36] : memref<2000x128xf32, #tpu.memory_space<vmem>>, vector<2000x128xf32>
    tpu.vector_store %arg7[%swap3A, %swap3A_36], %concatenate3A {strides = array<i32>} : memref<2000x128xf32, #tpu.memory_space<vmem>>, vector<2000x128xf32>,
    return
  }
  func.func @transform_0(%arg0: i32) -> (i32, i32) {
    %c0_i32 = arith.constant 0 : i32
    %c0_i32_0 = arith.constant 0 : i32
    return %arg0, %c0_i32 : i32, i32
  }
  func.func @transform_1(%arg0: i32) -> (i32, i32) {
    %c0_i32 = arith.constant 0 : i32
    %c0_i32_0 = arith.constant 0 : i32
    return %arg0, %c0_i32 : i32, i32
  }
  func.func @transform_2(%arg0: i32) -> (i32, i32) {
    %c0_i32 = arith.constant 0 : i32
    %c0_i32_0 = arith.constant 0 : i32
    return %arg0, %c0_i32 : i32, i32
  }
  func.func @transform_3(%arg0: i32) -> (i32, i32) {
    %c0_i32 = arith.constant 0 : i32
    %c0_i32_0 = arith.constant 0 : i32
    return %arg0, %c0_i32 : i32, i32
  }
  func.func @transform_4(%arg0: i32) -> (i32, i32) {
    %c0_i32 = arith.constant 0 : i32
    %c0_i32_0 = arith.constant 0 : i32
    return %arg0, %c0_i32 : i32, i32
  }
  func.func @transform_5(%arg0: i32) -> (i32, i32) {
    %c0_i32 = arith.constant 0 : i32
    %c0_i32_0 = arith.constant 0 : i32
    return %arg0, %c0_i32 : i32, i32
  }
  func.func @transform_6(%arg0: i32) -> (i32, i32) {
    %c0_i32 = arith.constant 0 : i32
    %c0_i32_0 = arith.constant 0 : i32
    return %arg0, %c0_i32 : i32, i32
  }
}

</mosaic_0001>

<sc_bundles>
// kernel: kernel.11.cloned.1.call-start
scs
__scs_entry_jumppad:
0x0: {  	(pc) =	sbr.rel $0x88, $3  }
0x1: {  	(tag) =	ssettag $0x0;
	lr =	simm.s32 $0x1  }
0x2: {  	[smem:$0x3F99] =	sst lr;
	_ =	strace $0xD0000000  }
0x3: {  	_ = 	snop  }
0x4: {  	_ = 	snop  }
0x5: {  	_ = 	snop  }
0x6: {  	_ = 	snop  }
0x7: {  	_ = 	snop  }
__scs_overlays_trampoline_lowered:
0x8: {  	[smem:$0x3FA8] =	sst s0  }
0x9: {  	[smem:$0x3FA9] =	sst s1  }
0xa: {  	[smem:$0x3FAA] =	sst s2  }
0xb: {  	[smem:$0x3FAB] =	sst s3  }
0xc: {  	[smem:$0x3FAC] =	sst s4  }
0xd: {  	[smem:$0x3FAD] =	sst s5  }
0xe: {  	[smem:$0x3FAE] =	sst s6  }
0xf: {  	[smem:$0x3FAF] =	sst s7  }
0x10: {  	[smem:$0x3FB0] =	sst s8  }
0x11: {  	[smem:$0x3FB1] =	sst s9;
	s0 =	simm.s32 @!p0 $0x0  }
0x12: {  	s1 =	sld [smem:$0x3F97];
	s0 =	simm.s32 @p0 $0x1  }
0x13: {  	[smem:$0x3FB2] =	sst s0;
	s0 =	simm.s32 @!p1 $0x0  }
0x14: {  	s2 =	sld [smem:$0x3F96];
	s0 =	simm.s32 @p1 $0x1  }
0x15: {  	[smem:$0x3FB3] =	sst s0;
	s0 =	simm.s32 @!p2 $0x0  }
0x16: {  	s3 =	sld [smem:$0x3FDB];
	s0 =	simm.s32 @p2 $0x1  }
0x17: {  	s4 =	simm.s32 $0x1BF5;
	[smem:$0x3FB5] =	sst s0  }
0x18: {  	s0 =	sld [smem:$0x3F98];
	_ =	swait.ge [sflag:s4], $0x0  }
0x19: {  	s7 =	sld [smem:$0x3F99]  }
0x1a: {  	s8 =	sadd.s32 $0xFFFFE003, lr  }
0x1b: {  	s9 =	sadd.s32 $0xFFFFFEF7, lr;
	s5 =	simm.s32 $0xFFFFFFFF;
	p2 =	slt.u32 s8, $0xFFFFF086  }
0x1c: {  	p1 =	slt.u32 s9, $0xF7A;
	s5 =	simm.s32 @!p2 $0x0  }
0x1d: {  	s5 =	simm.s32 @p1 $0x1;
	p0 =	seq.s32 s7, s2  }
0x1e: {  	s7 =	smul.u32 @!p0 $0xF7A, s2;
	p2 =	seq.s32 @!p0 s5, $0x0  }
0x1f: {  	s9 =	smul.u32 $0xF7A, s1;
	s8 =	simm.s32 @!p0 $0x1BF5;
	p2 =	por !p2, p0  }
0x20: {  	[sflag:s8] =	ssyncset.s32 @!p0 $0xFFFFF086;
	s6 =	sadd.s32 @!p0 s3, s7;
	s7 =	simm.s32 @!p0 $0x108  }
0x21: {  	s3 =	sadd.s32 s3, s9;
	s6 =	sadd.s32 @!p0 $0x88, s6;
	s7 =	simm.s32 @p2 $0x1082  }
0x22: {  	[simem:s7], [sflag:s8] =	dma.local @!p0 [hbm:s6], $0xF7A  }
0x23: {  	s9 =	sor.u32 $0xD0000000, s2;
	s6 =	simm.s32 $0x108;
	_ =	swait.ge @!p0 [sflag:s8], $0x0  }
0x24: {  	s3 =	sadd.s32 $0x88, s3;
	s6 =	simm.s32 @!p1 $0x1082;
	[sflag:s4] =	ssyncset.s32 $0xFFFFF086  }
0x25: {  	[simem:s6], [sflag:s4] =	dma.local [hbm:s3], $0xF7A  }
0x26: {  	[smem:$0x3F99] =	sst s1;
	(tag) =	ssettag s2;
	_ =	strace s9  }
0x27: {  	s1 =	sld [smem:$0x3FA9]  }
0x28: {  	s2 =	sld [smem:$0x3FAA]  }
0x29: {  	s4 =	sld [smem:$0x3FAC]  }
0x2a: {  	p0 =	seq.s32 s5, $0x0;
	s5 =	sld [smem:$0x3FAD]  }
0x2b: {  	s6 =	sld [smem:$0x3FAE]  }
0x2c: {  	s7 =	sld [smem:$0x3FAF]  }
0x2d: {  	s3 =	simm.s32 $0x108;
	s8 =	sld [smem:$0x3FB0]  }
0x2e: {  	s3 =	simm.s32 @!p0 $0x1082;
	s9 =	sld [smem:$0x3FB1]  }
0x2f: {  	lr =	sadd.s32 s0, s3;
	s0 =	sld [smem:$0x3FA8]  }
0x30: {  	s3 =	sld [smem:$0x3FAB]  }
0x31: {  	[smem:$0x3FB4] =	sst s10  }
0x32: {  	s10 =	sld [smem:$0x3FB2];
	_ =	sdelay $0x3  }
0x33: {  	p0 =	seq.s32 s10, $0x1;
	s10 =	sld [smem:$0x3FB4];
	_ =	sdelay $0x3  }
0x34: {  	[smem:$0x3FB4] =	sst s10  }
0x35: {  	s10 =	sld [smem:$0x3FB3];
	_ =	sdelay $0x3  }
0x36: {  	p1 =	seq.s32 s10, $0x1;
	s10 =	sld [smem:$0x3FB4];
	_ =	sdelay $0x3  }
0x37: {  	[smem:$0x3FB4] =	sst s10  }
0x38: {  	s10 =	sld [smem:$0x3FB5]  }
0x39: {  	_ = 	snop;
	(pc) =	sbr.ind lr, $3  }
0x3a: {  	_ = 	snop  }
0x3b: {  	_ = 	snop  }
0x3c: {  	p2 =	seq.s32 s10, $0x1;
	s10 =	sld [smem:$0x3FB4]  }
0x3d: {  	_ =	shalt  }
0x3e: {  	_ =	shalt  }
0x3f: {  	_ =	shalt  }
0x40: {  	_ =	shalt  }
0x41: {  	_ =	shalt  }
0x42: {  	_ =	shalt  }
0x43: {  	_ =	shalt  }
0x44: {  	_ =	shalt  }
0x45: {  	_ =	shalt  }
0x46: {  	_ =	shalt  }
0x47: {  	_ =	shalt  }
0x48: {  	_ =	shalt  }
0x49: {  	_ =	shalt  }
0x4a: {  	_ =	shalt  }
0x4b: {  	_ =	shalt  }
0x4c: {  	_ =	shalt  }
0x4d: {  	_ =	shalt  }
0x4e: {  	_ =	shalt  }
0x4f: {  	_ =	shalt  }
0x50: {  	_ =	shalt  }
0x51: {  	_ =	shalt  }
0x52: {  	_ =	shalt  }
0x53: {  	_ =	shalt  }
0x54: {  	_ =	shalt  }
0x55: {  	_ =	shalt  }
0x56: {  	_ =	shalt  }
0x57: {  	_ =	shalt  }
0x58: {  	_ =	shalt  }
0x59: {  	_ =	shalt  }
0x5a: {  	_ =	shalt  }
0x5b: {  	_ =	shalt  }
0x5c: {  	_ =	shalt  }
0x5d: {  	_ =	shalt  }
0x5e: {  	_ =	shalt  }
0x5f: {  	_ =	shalt  }
0x60: {  	_ =	shalt  }
0x61: {  	_ =	shalt  }
0x62: {  	_ =	shalt  }
0x63: {  	_ =	shalt  }
0x64: {  	_ =	shalt  }
0x65: {  	_ =	shalt  }
0x66: {  	_ =	shalt  }
0x67: {  	_ =	shalt  }
0x68: {  	_ =	shalt  }
0x69: {  	_ =	shalt  }
0x6a: {  	_ =	shalt  }
0x6b: {  	_ =	shalt  }
0x6c: {  	_ =	shalt  }
0x6d: {  	_ =	shalt  }
0x6e: {  	_ =	shalt  }
0x6f: {  	_ =	shalt  }
0x70: {  	_ =	shalt  }
0x71: {  	_ =	shalt  }
0x72: {  	_ =	shalt  }
0x73: {  	_ =	shalt  }
0x74: {  	_ =	shalt  }
0x75: {  	_ =	shalt  }
0x76: {  	_ =	shalt  }
0x77: {  	_ =	shalt  }
0x78: {  	_ =	shalt  }
0x79: {  	_ =	shalt  }
0x7a: {  	_ =	shalt  }
0x7b: {  	_ =	shalt  }
0x7c: {  	_ =	shalt  }
0x7d: {  	_ =	shalt  }
0x7e: {  	_ =	shalt  }
0x7f: {  	_ =	shalt  }
0x80: {  	_ =	shalt  }
0x81: {  	_ =	shalt  }
0x82: {  	_ =	shalt  }
0x83: {  	_ =	shalt  }
0x84: {  	_ =	shalt  }
0x85: {  	_ =	shalt  }
0x86: {  	_ =	shalt  }
0x87: {  	_ =	shalt  }
.Lfunc_end0:
.L_simem_size_0:
called_computation.1_lowered:
.L_overlay_start_0:
0x88: {  	s2 =	sld [smem:$0x3FD9]  }
0x89: {  	s3 =	sld [smem:$0x3FFE];
	_ =	sdelay $0x1  }
0x8a: {  	s1 =	srdreg.scid  }
0x8b: {  	s0 =	sand.u32 $0x1, s1  }
0x8c: {  	s17 =	sshll.u32 s0, $0xA;
	s2 =	sadd.s32 s3, s2  }
0x8d: {  	s2 =	sadd.s32 s2, s17  }
0x8e: {  	[smem:$0x3FC0] =	sst s2  }
0x8f: {  	_ = 	snop  }
0x90: {  	s2 =	sld [smem:$0x3FD0];
	(tm) =	ssettm $0x1  }
0x91: {  	s18 =	sld [smem:$0x3FFB];
	_ =	sdelay $0x3  }
0x92: {  	_ =	strace s18  }
0x93: {  	s3 =	sld [smem:$0x3FFC];
	_ =	sdelay $0x3  }
0x94: {  	_ =	strace s3  }
0x95: {  	s3 =	sld [smem:$0x3FFD];
	_ =	sdelay $0x3  }
0x96: {  	_ =	strace s3  }
0x97: {  	_ =	strace $0x8FFFFFFF  }
0x98: {  	s19 =	sld [smem:$0x3FDB];
	_ =	sdelay $0x1  }
0x99: {  	s4 =	simm.s32 $_scs_section_size  }
0x9a: {  	s5 =	simm.s32 $_size__tile_overlayer_lowered;
	s6 =	simm.s32 $_tile_overlayer_lowered  }
0x9b: {  	s22 =	simm.s32 $0x1BFF;
	s21 =	sshll.u32 s6, $0x1;
	s3 =	sadd.s32 s4, s19  }
0x9c: {  	s7 =	simm.s32 $0x0;
	s20 =	sshll.u32 s5, $0x1;
	s5 =	sadd.s32 s21, s3  }
0x9d: {  	[timem:s7], [sflag:s22] =	dma.local [hbm:s5], s20  }
0x9e: {  	_ =	swait.ge [sflag:s22], s20  }
0x9f: {  	s4 =	ssub.s32 $0x0, s20;
	[sflag:s22] =	ssyncset.done $0x0  }
0xa0: {  	[sflag:s22] =	ssyncadd.s32 s4;
	_ =	sdelay $0x1  }
0xa1: {  	s23 =	simm.s32 $0x1B8B  }
0xa2: {  	_ =	swait.ge [sflag:s23], $0x1  }
0xa3: {  	[sflag:s23] =	ssyncset.done $0x0  }
0xa4: {  	s25 =	simm.s32 $0x1B8E;
	s24 =	sld [smem:$0x3FFE];
	[sflag:s23] =	ssyncadd.s32 $0xFFFFFFFF  }
0xa5: {  	s26 =	simm.s32 $execute0_lowered;
	[smem:$0x3FD2] =	sst s25  }
0xa6: {  	s5 =	sshll.u32 s26, $0x1;
	_ =	strace $0x80000049;
	[dreg:$0x1] =	wrdreg $0xFFFFFFFF  }
0xa7: {  	s28 =	simm.s32 $_size_execute0_lowered;
	s3 =	sadd.s32 s3, s5;
	[dreg:$0x0] =	wrdreg $0x0  }
0xa8: {  	s5 =	sshll.u32 s28, $0x1;
	[dreg:$0x2] =	wrdreg s3  }
0xa9: {  	[dreg:$0x3] =	wrdreg s5  }
0xaa: {  	[dreg:$0x4] =	wrdreg $0xC0  }
0xab: {  	_ =	task [dreg:s7], $0x5FFFF  }
0xac: {  	[dreg:$0x1] =	wrdreg $0xFFFFFFFF  }
0xad: {  	[dreg:$0x0] =	wrdreg $0x60  }
0xae: {  	[dreg:$0x2] =	wrdreg s2  }
0xaf: {  	[dreg:$0x3] =	wrdreg s24  }
0xb0: {  	[dreg:$0x4] =	wrdreg $0x140000  }
0xb1: {  	[dreg:$0x5] =	wrdreg $0x9  }
0xb2: {  	_ =	task.clear_ibuf [dreg:s7], $0x6FFFF;
	_ =	strace $0x90000049  }
0xb3: {  	s29 =	simm.s32 $0x9;
	_ =	strace $0x8000004B  }
0xb4: {  	_ =	swait.ge [sflag:s29], $0x1  }
0xb5: {  	[sflag:s29] =	ssyncadd.s32 $0xFFFFFFFF  }
0xb6: {  	_ =	strace $0x9000004B  }
0xb7: {  	_ =	sfence  }
0xb8: {  	s30 =	sld [smem:$0x0];
	_ =	sdelay $0x2  }
0xb9: {  	s31 =	sshll.u32 s1, $0xD;
	s1 =	sshrl.u32 s1, $0x2  }
0xba: {  	s3 =	sand.u32 $0x4000, s31;
	s1 =	sadd.s32 s1, s30  }
0xbb: {  	s0 =	sor.u32 s3, s0;
	s1 =	sshll.u32 s1, $0x11  }
0xbc: {  	s0 =	sor.u32 s1, s0  }
0xbd: {  	s0 =	sadd.s32 $0x8F2B, s0  }
0xbe: {  	[sflag:s0] =	ssyncadd.remote.s32 $0x1  }
0xbf: {  	_ =	sfence.sel $0xFFFF  }
0xc0: {  	[dreg:$0x0] =	wrdreg $0xFFFFFFFF;
	(pc) =	sbr.abs _section_cstart, $3  }
0xc1: {  	[dreg:$0x1] =	wrdreg $0xFFFFFFFF  }
0xc2: {  	_ =	task.clear_ibuf [dreg:s7], $0x2FFFF;
	_ =	strace $0x9FFFFFFF  }
0xc3: {  	(tm) =	ssettm $0x7FFFFFFF  }
tec
execute0_lowered:
.L_overlay_start_1:
0x0: {  	(tag) =	ssettag $0x1  }
0x1: {  	s1 =	rddreg [dreg:$0x0]  }
0x2: {  	s8 =	rddreg [dreg:$0x1]  }
0x3: {  	s3 =	rddreg [dreg:$0x2]  }
0x4: {  	s4 =	simm.s32 $0x0;
	s2 =	stileid.u32;
	s7 =	srdreg.scid  }
0x5: {  	s17 =	simm.s32 $0x3;
	s18 =	simm.s32 $0x5000;
	s19 =	simm.s32 $0x200  }
0x6: {  	s20 =	simm.s32 $0xA000;
	s21 =	simm.s32 $0xF000;
	s22 =	simm.s32 $0x1  }
0x7: {  	s23 =	simm.s32 $0x2;
	s24 =	simm.s32 $0x4E00;
	s25 =	simm.s32 $0x9C00  }
0x8: {  	s26 =	simm.s32 $0x9E00;
	[smem:$0x7FF] =	sst s4;
	s6 =	smul.u32 $0xA00, s2  }
0x9: {  	s5 =	sadd.s32 $0x2C400, s8;
	s9 =	sand.u32 $0x1, s7;
	s11 =	smul.u32 $0xC800, s2  }
0xa: {  	s7 =	sadd.s32 $0x45400, s8;
	s15 =	sshll.u32 s2, $0x6;
	_ =	strace $0x8000004A  }
0xb: {  	s10 =	ssub.s32 $0x2, s9;
	p0 =	seq.s32 s9, $0x1;
	s15 =	sor.u32 $0x1C03, s15  }
.Ltmp0:
0xc: {  	s13 =	sadd.s32 s6, s8;
	s6 =	sadd.s32 $0x2B600, s8;
	(pc) =	sbr.rel .LBB2_1-.Ltmp0, $4  }
0xd: {  	s12 =	sshrl.u32 s10, $0x1;
	s8 =	sadd.s32 $0x38C00, s8;
	s31 =	sshrl.u32 s11, $0x1  }
0xe: {  	s11 =	sshrl.u32 s11, $0x4;
	s14 =	ssub.s32 s10, s12;
	s16 =	sadd.s32 s31, s3  }
0xf: {  	s9 =	sadd.s32 $0x17000, s13;
	s10 =	sadd.s32 $0x21000, s13;
	s12 =	sadd.s32 $0x3000, s13  }
0x10: {  	s13 =	sadd.s32 $0xD000, s13;
	s14 =	smax.u32 s14, $0x1;
	s16 =	sshrl.u32 s16, $0x3  }
.LBB2_7:
0x11: {  	s0 =	sadd.s32 $0x200, s28;
	[sflag:s17] =	ssyncadd.s32 $0xFFFFB000  }
0x12: {  	[tilespmem:s21], [sflag:$0x2] =	stream.indirect.gather [hbm4b:s5+s19], $0x28, s0, s19, $0xb8;
	[tilespmem:$0x1A400] =	vst v63  }
0x13: {  	_ =	swait.ge [sflag:s22], $0x5000  }
0x14: {  	[sflag:s22] =	ssyncset.done $0x0  }
0x15: {  	s29 =	sadd.s32 $0x5000, s28;
	[sflag:s22] =	ssyncadd.s32 $0xFFFFB000  }
0x16: {  	[spmem:s3] =	stream.indirect.scatter.add.bf16 [tilespmem:s20], [sflag:$0x3], $0x28, s29, s19, $0xb8;
	[tilespmem:$0x1A400] =	vst v63  }
0x17: {  	_ =	swait.ge [sflag:s17], $0x5000  }
0x18: {  	[sflag:s17] =	ssyncset.done $0x0  }
0x19: {  	s30 =	sadd.s32 $0x400, s28;
	[sflag:s17] =	ssyncadd.s32 $0xFFFFB000  }
0x1a: {  	[tilespmem:s20], [sflag:$0x1] =	stream.indirect.gather [hbm4b:s5+s19], $0x28, s30, s19, $0xb8;
	[tilespmem:$0x1A400] =	vst v63  }
0x1b: {  	_ =	swait.ge [sflag:s23], $0x5000  }
0x1c: {  	[sflag:s23] =	ssyncset.done $0x0  }
0x1d: {  	s31 =	sadd.s32 $0x5200, s28;
	[sflag:s23] =	ssyncadd.s32 $0xFFFFB000  }
0x1e: {  	[spmem:s3] =	stream.indirect.scatter.add.bf16 [tilespmem:s21], [sflag:$0x3], $0x28, s31, s19, $0xb8;
	[tilespmem:$0x1A400] =	vst v63  }
0x1f: {  	_ =	swait.ge [sflag:s17], $0x5000  }
0x20: {  	[sflag:s17] =	ssyncset.done $0x0  }
0x21: {  	s28 =	smov.u32 s8;
	[sflag:s17] =	ssyncadd.s32 $0xFFFFB000  }
0x22: {  	[tilespmem:s21], [sflag:$0x2] =	stream.indirect.gather [hbm4b:s5+s19], $0x28, s24, s19, $0xb8;
	[tilespmem:$0x1A400] =	vst v63  }
.LBB2_8:
0x23: {  	_ =	swait.ge [sflag:s22], $0x5000  }
0x24: {  	[sflag:s22] =	ssyncset.done $0x0  }
0x25: {  	[sflag:s22] =	ssyncadd.s32 $0xFFFFB000  }
0x26: {  	[spmem:s3] =	stream.indirect.scatter.add.bf16 [tilespmem:s20], [sflag:$0x3], $0x28, s25, s19, $0xb8;
	[tilespmem:$0x1A400] =	vst v63  }
0x27: {  	_ =	swait.ge [sflag:s17], $0x5000  }
0x28: {  	[sflag:s17] =	ssyncset.done $0x0  }
0x29: {  	[sflag:s17] =	ssyncadd.s32 $0xFFFFB000  }
0x2a: {  	_ =	swait.ge [sflag:s23], $0x5000  }
0x2b: {  	[sflag:s23] =	ssyncset.done $0x0  }
0x2c: {  	[sflag:s23] =	ssyncadd.s32 $0xFFFFB000  }
0x2d: {  	[spmem:s3] =	stream.indirect.scatter.add.bf16 [tilespmem:s21], [sflag:$0x3], $0x28, s26, s19, $0xb8;
	[tilespmem:$0x1A400] =	vst v63  }
0x2e: {  	_ =	swait.ge [sflag:s17], $0x5000  }
0x2f: {  	s4 =	sadd.s32 $0x1, s4;
	[sflag:s17] =	ssyncset.done $0x0  }
0x30: {  	p1 =	sne.s32 s4, s14;
	[sflag:s17] =	ssyncadd.s32 $0xFFFFB000  }
.Ltmp1:
0x31: {  	s0 =	sadd.s32 s28, s11;
	[bflag:$0x0] =	sbarrier.arrive $0xFFFF;
	(pc) =	sbr.rel @!p1 .LBB2_9-.Ltmp1, $4  }
0x32: {  	[hbm:s0], [sflag:s15] =	dma.local [spmem:s16], $0xC80  }
0x33: {  	_ =	swait.ge [sflag:s17], $0xC80  }
0x34: {  	[sflag:s17] =	ssyncset.done $0x0  }
0x35: {  	[sflag:s17] =	ssyncadd.s32 $0xFFFFF380  }
.LBB2_1:
.Ltmp2:
0x36: {  	(pc) =	sbr.rel @!p0 .LBB2_2-.Ltmp2, $4  }
0x37: {  	[spmem:s16], [sflag:s15] =	dma.local [hbm:s6], $0xC80  }
0x38: {  	_ =	swait.ge [sflag:s17], $0xC80  }
0x39: {  	[sflag:s17] =	ssyncset.done $0x0  }
0x3a: {  	[sflag:s17] =	ssyncadd.s32 $0xFFFFF380  }
0x3b: {  	s0 =	simm.s32 $0x0  }
0x3c: {  	[tilespmem:s0], [sflag:$0x3] =	stream.linear.gather [hbm4b:s12+s0], $0x5000, $0x38;
	[tilespmem:$0x1A400] =	vst v63  }
0x3d: {  	_ =	swait.ge [sflag:s17], $0x5000  }
0x3e: {  	[sflag:s17] =	ssyncset.done $0x0  }
0x3f: {  	[sflag:s17] =	ssyncadd.s32 $0xFFFFB000  }
0x40: {  	[tilespmem:s18], [sflag:$0x3] =	stream.linear.gather [hbm4b:s13+s0], $0x5000, $0x38;
	[tilespmem:$0x1A400] =	vst v63  }
0x41: {  	_ =	swait.ge [sflag:s17], $0x5000  }
0x42: {  	[sflag:s17] =	ssyncset.done $0x0  }
0x43: {  	[sflag:s17] =	ssyncadd.s32 $0xFFFFB000  }
0x44: {  	[bflag:$0x0] =	sbarrier.arrive $0xFFFF  }
0x45: {  	[tilespmem:s20], [sflag:$0x1] =	stream.indirect.gather [hbm4b:s5+s19], $0x28, s0, s19, $0xb8;
	[tilespmem:$0x1A400] =	vst v63  }
0x46: {  	s30 =	simm.s32 $0x200  }
0x47: {  	[tilespmem:s21], [sflag:$0x2] =	stream.indirect.gather [hbm4b:s5+s19], $0x28, s30, s19, $0xb8;
	[tilespmem:$0x1A400] =	vst v63  }
0x48: {  	_ =	swait.ge [sflag:s22], $0x5000  }
0x49: {  	[sflag:s22] =	ssyncset.done $0x0  }
0x4a: {  	s31 =	simm.s32 $0x5000;
	[sflag:s22] =	ssyncadd.s32 $0xFFFFB000  }
0x4b: {  	[spmem:s3] =	stream.indirect.scatter.add.bf16 [tilespmem:s20], [sflag:$0x3], $0x28, s31, s19, $0xb8;
	[tilespmem:$0x1A400] =	vst v63  }
0x4c: {  	_ =	swait.ge [sflag:s17], $0x5000  }
0x4d: {  	[sflag:s17] =	ssyncset.done $0x0  }
0x4e: {  	s30 =	simm.s32 $0x400;
	[sflag:s17] =	ssyncadd.s32 $0xFFFFB000  }
0x4f: {  	[tilespmem:s20], [sflag:$0x1] =	stream.indirect.gather [hbm4b:s5+s19], $0x28, s30, s19, $0xb8;
	[tilespmem:$0x1A400] =	vst v63  }
0x50: {  	_ =	swait.ge [sflag:s23], $0x5000  }
0x51: {  	[sflag:s23] =	ssyncset.done $0x0  }
0x52: {  	s31 =	simm.s32 $0x5200;
	[sflag:s23] =	ssyncadd.s32 $0xFFFFB000  }
0x53: {  	[spmem:s3] =	stream.indirect.scatter.add.bf16 [tilespmem:s21], [sflag:$0x3], $0x28, s31, s19, $0xb8;
	[tilespmem:$0x1A400] =	vst v63  }
0x54: {  	_ =	swait.ge [sflag:s17], $0x5000  }
0x55: {  	s29 =	simm.s32 $0x2000;
	s28 =	simm.s32 $0x400;
	[sflag:s17] =	ssyncset.done $0x0  }
.LBB2_6:
0x56: {  	s0 =	sadd.s32 $0x200, s28  }
0x57: {  	[sflag:s17] =	ssyncadd.s32 $0xFFFFB000;
	s30 =	smov.u32 s29;
	s31 =	sadd.s32 $0x1000, s29  }
0x58: {  	[tilespmem:s21], [sflag:$0x2] =	stream.indirect.gather [hbm4b:s5+s19], $0x28, s0, s19, $0xb8;
	[tilespmem:$0x1A400] =	vst v63  }
0x59: {  	p1 =	sne.s32 s29, $0x12000;
	_ =	swait.ge [sflag:s22], $0x5000  }
0x5a: {  	[sflag:s22] =	ssyncset.done $0x0  }
0x5b: {  	s0 =	sadd.s32 $0x5000, s28;
	[sflag:s22] =	ssyncadd.s32 $0xFFFFB000  }
0x5c: {  	[spmem:s3] =	stream.indirect.scatter.add.bf16 [tilespmem:s20], [sflag:$0x3], $0x28, s0, s19, $0xb8;
	[tilespmem:$0x1A400] =	vst v63  }
0x5d: {  	_ =	swait.ge [sflag:s17], $0x5000  }
0x5e: {  	[sflag:s17] =	ssyncset.done $0x0  }
0x5f: {  	s0 =	sadd.s32 $0x400, s28;
	[sflag:s17] =	ssyncadd.s32 $0xFFFFB000  }
0x60: {  	[tilespmem:s20], [sflag:$0x1] =	stream.indirect.gather [hbm4b:s5+s19], $0x28, s0, s19, $0xb8;
	[tilespmem:$0x1A400] =	vst v63  }
0x61: {  	_ =	swait.ge [sflag:s23], $0x5000  }
.Ltmp3:
0x62: {  	[sflag:s23] =	ssyncset.done $0x0;
	(pc) =	sbr.rel @p1 .LBB2_6-.Ltmp3, $4  }
0x63: {  	s0 =	sadd.s32 $0x5200, s28;
	[sflag:s23] =	ssyncadd.s32 $0xFFFFB000  }
0x64: {  	[spmem:s3] =	stream.indirect.scatter.add.bf16 [tilespmem:s21], [sflag:$0x3], $0x28, s0, s19, $0xb8;
	[tilespmem:$0x1A400] =	vst v63  }
0x65: {  	_ =	swait.ge [sflag:s17], $0x5000  }
0x66: {  	s29 =	smov.u32 s31;
	s28 =	sshra.s32 s30, $0x2;
	[sflag:s17] =	ssyncset.done $0x0  }
.Ltmp4:
0x67: {  	_ = 	snop;
	(pc) =	sbr.rel .LBB2_7-.Ltmp4, $1  }
0x68: {  	_ =	sdelay $0x3  }
.LBB2_2:
0x69: {  	s28 =	simm.s32 $0x0  }
0x6a: {  	[tilespmem:s28], [sflag:$0x3] =	stream.linear.gather [hbm4b:s9+s28], $0x5000, $0x38;
	[tilespmem:$0x1A400] =	vst v63  }
0x6b: {  	_ =	swait.ge [sflag:s17], $0x5000  }
0x6c: {  	[sflag:s17] =	ssyncset.done $0x0  }
0x6d: {  	[sflag:s17] =	ssyncadd.s32 $0xFFFFB000  }
0x6e: {  	[tilespmem:s18], [sflag:$0x3] =	stream.linear.gather [hbm4b:s10+s28], $0x5000, $0x38;
	[tilespmem:$0x1A400] =	vst v63  }
0x6f: {  	_ =	swait.ge [sflag:s17], $0x5000  }
0x70: {  	[sflag:s17] =	ssyncset.done $0x0  }
0x71: {  	[sflag:s17] =	ssyncadd.s32 $0xFFFFB000  }
0x72: {  	[bflag:$0x0] =	sbarrier.arrive $0xFFFF  }
0x73: {  	[tilespmem:s20], [sflag:$0x1] =	stream.indirect.gather [hbm4b:s1+s19], $0x28, s28, s19, $0xb8;
	[tilespmem:$0x1A400] =	vst v63  }
0x74: {  	s28 =	simm.s32 $0x200  }
0x75: {  	[tilespmem:s21], [sflag:$0x2] =	stream.indirect.gather [hbm4b:s1+s19], $0x28, s28, s19, $0xb8;
	[tilespmem:$0x1A400] =	vst v63  }
0x76: {  	_ =	swait.ge [sflag:s22], $0x5000  }
0x77: {  	[sflag:s22] =	ssyncset.done $0x0  }
0x78: {  	s28 =	simm.s32 $0x5000;
	[sflag:s22] =	ssyncadd.s32 $0xFFFFB000  }
0x79: {  	[spmem:s3] =	stream.indirect.scatter.add.bf16 [tilespmem:s20], [sflag:$0x3], $0x28, s28, s19, $0xb8;
	[tilespmem:$0x1A400] =	vst v63  }
0x7a: {  	_ =	swait.ge [sflag:s17], $0x5000  }
0x7b: {  	[sflag:s17] =	ssyncset.done $0x0  }
0x7c: {  	s28 =	simm.s32 $0x400;
	[sflag:s17] =	ssyncadd.s32 $0xFFFFB000  }
0x7d: {  	[tilespmem:s20], [sflag:$0x1] =	stream.indirect.gather [hbm4b:s1+s19], $0x28, s28, s19, $0xb8;
	[tilespmem:$0x1A400] =	vst v63  }
0x7e: {  	_ =	swait.ge [sflag:s23], $0x5000  }
0x7f: {  	[sflag:s23] =	ssyncset.done $0x0  }
0x80: {  	s28 =	simm.s32 $0x5200;
	[sflag:s23] =	ssyncadd.s32 $0xFFFFB000  }
0x81: {  	[spmem:s3] =	stream.indirect.scatter.add.bf16 [tilespmem:s21], [sflag:$0x3], $0x28, s28, s19, $0xb8;
	[tilespmem:$0x1A400] =	vst v63  }
0x82: {  	_ =	swait.ge [sflag:s17], $0x5000  }
0x83: {  	s29 =	simm.s32 $0x2000;
	s28 =	simm.s32 $0x400;
	[sflag:s17] =	ssyncset.done $0x0  }
.LBB2_3:
0x84: {  	s30 =	sadd.s32 $0x200, s28  }
0x85: {  	[sflag:s17] =	ssyncadd.s32 $0xFFFFB000;
	s31 =	smov.u32 s29;
	s0 =	sadd.s32 $0x1000, s29  }
0x86: {  	[tilespmem:s21], [sflag:$0x2] =	stream.indirect.gather [hbm4b:s1+s19], $0x28, s30, s19, $0xb8;
	[tilespmem:$0x1A400] =	vst v63  }
0x87: {  	p1 =	sne.s32 s29, $0x12000;
	_ =	swait.ge [sflag:s22], $0x5000  }
0x88: {  	[sflag:s22] =	ssyncset.done $0x0  }
0x89: {  	s29 =	sadd.s32 $0x5000, s28;
	[sflag:s22] =	ssyncadd.s32 $0xFFFFB000  }
0x8a: {  	[spmem:s3] =	stream.indirect.scatter.add.bf16 [tilespmem:s20], [sflag:$0x3], $0x28, s29, s19, $0xb8;
	[tilespmem:$0x1A400] =	vst v63  }
0x8b: {  	_ =	swait.ge [sflag:s17], $0x5000  }
0x8c: {  	[sflag:s17] =	ssyncset.done $0x0  }
0x8d: {  	s29 =	sadd.s32 $0x400, s28;
	[sflag:s17] =	ssyncadd.s32 $0xFFFFB000  }
0x8e: {  	[tilespmem:s20], [sflag:$0x1] =	stream.indirect.gather [hbm4b:s1+s19], $0x28, s29, s19, $0xb8;
	[tilespmem:$0x1A400] =	vst v63  }
0x8f: {  	_ =	swait.ge [sflag:s23], $0x5000  }
.Ltmp5:
0x90: {  	[sflag:s23] =	ssyncset.done $0x0;
	(pc) =	sbr.rel @p1 .LBB2_3-.Ltmp5, $4  }
0x91: {  	s28 =	sadd.s32 $0x5200, s28;
	[sflag:s23] =	ssyncadd.s32 $0xFFFFB000  }
0x92: {  	[spmem:s3] =	stream.indirect.scatter.add.bf16 [tilespmem:s21], [sflag:$0x3], $0x28, s28, s19, $0xb8;
	[tilespmem:$0x1A400] =	vst v63  }
0x93: {  	_ =	swait.ge [sflag:s17], $0x5000  }
0x94: {  	s29 =	smov.u32 s0;
	s28 =	sshra.s32 s31, $0x2;
	[sflag:s17] =	ssyncset.done $0x0  }
0x95: {  	s0 =	sadd.s32 $0x200, s28;
	[sflag:s17] =	ssyncadd.s32 $0xFFFFB000  }
0x96: {  	[tilespmem:s21], [sflag:$0x2] =	stream.indirect.gather [hbm4b:s1+s19], $0x28, s0, s19, $0xb8;
	[tilespmem:$0x1A400] =	vst v63  }
0x97: {  	_ =	swait.ge [sflag:s22], $0x5000  }
0x98: {  	[sflag:s22] =	ssyncset.done $0x0  }
0x99: {  	s29 =	sadd.s32 $0x5000, s28;
	[sflag:s22] =	ssyncadd.s32 $0xFFFFB000  }
0x9a: {  	[spmem:s3] =	stream.indirect.scatter.add.bf16 [tilespmem:s20], [sflag:$0x3], $0x28, s29, s19, $0xb8;
	[tilespmem:$0x1A400] =	vst v63  }
0x9b: {  	_ =	swait.ge [sflag:s17], $0x5000  }
0x9c: {  	[sflag:s17] =	ssyncset.done $0x0  }
0x9d: {  	s30 =	sadd.s32 $0x400, s28;
	[sflag:s17] =	ssyncadd.s32 $0xFFFFB000  }
0x9e: {  	[tilespmem:s20], [sflag:$0x1] =	stream.indirect.gather [hbm4b:s1+s19], $0x28, s30, s19, $0xb8;
	[tilespmem:$0x1A400] =	vst v63  }
0x9f: {  	_ =	swait.ge [sflag:s23], $0x5000  }
0xa0: {  	[sflag:s23] =	ssyncset.done $0x0  }
0xa1: {  	s31 =	sadd.s32 $0x5200, s28;
	[sflag:s23] =	ssyncadd.s32 $0xFFFFB000  }
0xa2: {  	[spmem:s3] =	stream.indirect.scatter.add.bf16 [tilespmem:s21], [sflag:$0x3], $0x28, s31, s19, $0xb8;
	[tilespmem:$0x1A400] =	vst v63  }
.Ltmp6:
0xa3: {  	_ = 	snop;
	(pc) =	sbr.rel .LBB2_8-.Ltmp6, $4  }
0xa4: {  	_ =	swait.ge [sflag:s17], $0x5000  }
0xa5: {  	[sflag:s17] =	ssyncset.done $0x0  }
0xa6: {  	s28 =	smov.u32 s7;
	[sflag:s17] =	ssyncadd.s32 $0xFFFFB000  }
0xa7: {  	[tilespmem:s21], [sflag:$0x2] =	stream.indirect.gather [hbm4b:s1+s19], $0x28, s24, s19, $0xb8;
	[tilespmem:$0x1A400] =	vst v63  }
.LBB2_9:
0xa8: {  	_ =	sfence.sel $0x180000  }
0xa9: {  	[bflag:$0x0] =	sbarrier.arrive $0xFFFF  }
0xaa: {  	_ =	strace $0x9000004A  }
0xab: {  	[bflag:$0x2] =	sbarrier.arrive $0xFFFF  }
0xac: {  	p0 =	sne.s32 s2, $0x0;
	s0 =	rddreg [dreg:$0x3]  }
0xad: {  	s0 =	sadd.s32 @!p0 $0x100000, s0  }
0xae: {  	[sflag:s0] =	ssyncadd.tile.s32 @!p0 $0x1;
	_ =	shalt  }
.Lfunc_end2:
_tile_overlayer_lowered:
.L_overlay_start_2:
0xaf: {  	(tag) =	ssettag $0x2  }
0xb0: {  	s0 =	rddreg [dreg:$0x0];
	s2 =	stileid.u32  }
0xb1: {  	s1 =	rddreg [dreg:$0x1];
	p0 =	sne.s32 s2, $0x0  }
0xb2: {  	s3 =	rddreg [dreg:$0x2];
	[bflag:$0x3] =	sbarrier.arrive $0xFFFF;
	s2 =	simm.s32 @!p0 $0x1C03  }
0xb3: {  	[timem:s3], [sflag:s2] =	dma.local @!p0 [hbm:s0], s1  }
0xb4: {  	s0 =	simm.s32 @!p0 $0x3  }
0xb5: {  	_ =	swait.ge @!p0 [sflag:s0], s1  }
0xb6: {  	s1 =	ssub.s32 @!p0 $0x0, s1;
	[sflag:s0] =	ssyncset.done @!p0 $0x0  }
0xb7: {  	[sflag:s0] =	ssyncadd.s32 @!p0 s1  }
0xb8: {  	[bflag:$0x3] =	sbarrier.arrive $0xFFFF  }
0xb9: {  	_ =	shalt  }

// kernel: kernel.14.cloned.1.call-start
scs
__scs_entry_jumppad:
0x0: {  	(pc) =	sbr.rel $0x88, $3  }
0x1: {  	(tag) =	ssettag $0x0;
	lr =	simm.s32 $0x1  }
0x2: {  	[smem:$0x3F99] =	sst lr;
	_ =	strace $0xD0000000  }
0x3: {  	_ = 	snop  }
0x4: {  	_ = 	snop  }
0x5: {  	_ = 	snop  }
0x6: {  	_ = 	snop  }
0x7: {  	_ = 	snop  }
__scs_overlays_trampoline_lowered:
0x8: {  	[smem:$0x3FA8] =	sst s0  }
0x9: {  	[smem:$0x3FA9] =	sst s1  }
0xa: {  	[smem:$0x3FAA] =	sst s2  }
0xb: {  	[smem:$0x3FAB] =	sst s3  }
0xc: {  	[smem:$0x3FAC] =	sst s4  }
0xd: {  	[smem:$0x3FAD] =	sst s5  }
0xe: {  	[smem:$0x3FAE] =	sst s6  }
0xf: {  	[smem:$0x3FAF] =	sst s7  }
0x10: {  	[smem:$0x3FB0] =	sst s8  }
0x11: {  	[smem:$0x3FB1] =	sst s9;
	s0 =	simm.s32 @!p0 $0x0  }
0x12: {  	s1 =	sld [smem:$0x3F97];
	s0 =	simm.s32 @p0 $0x1  }
0x13: {  	[smem:$0x3FB2] =	sst s0;
	s0 =	simm.s32 @!p1 $0x0  }
0x14: {  	s2 =	sld [smem:$0x3F96];
	s0 =	simm.s32 @p1 $0x1  }
0x15: {  	[smem:$0x3FB3] =	sst s0;
	s0 =	simm.s32 @!p2 $0x0  }
0x16: {  	s3 =	sld [smem:$0x3FDB];
	s0 =	simm.s32 @p2 $0x1  }
0x17: {  	s4 =	simm.s32 $0x1BF5;
	[smem:$0x3FB5] =	sst s0  }
0x18: {  	s0 =	sld [smem:$0x3F98];
	_ =	swait.ge [sflag:s4], $0x0  }
0x19: {  	s7 =	sld [smem:$0x3F99]  }
0x1a: {  	s8 =	sadd.s32 $0xFFFFE003, lr  }
0x1b: {  	s9 =	sadd.s32 $0xFFFFFEF7, lr;
	s5 =	simm.s32 $0xFFFFFFFF;
	p2 =	slt.u32 s8, $0xFFFFF086  }
0x1c: {  	p1 =	slt.u32 s9, $0xF7A;
	s5 =	simm.s32 @!p2 $0x0  }
0x1d: {  	s5 =	simm.s32 @p1 $0x1;
	p0 =	seq.s32 s7, s2  }
0x1e: {  	s7 =	smul.u32 @!p0 $0xF7A, s2;
	p2 =	seq.s32 @!p0 s5, $0x0  }
0x1f: {  	s9 =	smul.u32 $0xF7A, s1;
	s8 =	simm.s32 @!p0 $0x1BF5;
	p2 =	por !p2, p0  }
0x20: {  	[sflag:s8] =	ssyncset.s32 @!p0 $0xFFFFF086;
	s6 =	sadd.s32 @!p0 s3, s7;
	s7 =	simm.s32 @!p0 $0x108  }
0x21: {  	s3 =	sadd.s32 s3, s9;
	s6 =	sadd.s32 @!p0 $0x88, s6;
	s7 =	simm.s32 @p2 $0x1082  }
0x22: {  	[simem:s7], [sflag:s8] =	dma.local @!p0 [hbm:s6], $0xF7A  }
0x23: {  	s9 =	sor.u32 $0xD0000000, s2;
	s6 =	simm.s32 $0x108;
	_ =	swait.ge @!p0 [sflag:s8], $0x0  }
0x24: {  	s3 =	sadd.s32 $0x88, s3;
	s6 =	simm.s32 @!p1 $0x1082;
	[sflag:s4] =	ssyncset.s32 $0xFFFFF086  }
0x25: {  	[simem:s6], [sflag:s4] =	dma.local [hbm:s3], $0xF7A  }
0x26: {  	[smem:$0x3F99] =	sst s1;
	(tag) =	ssettag s2;
	_ =	strace s9  }
0x27: {  	s1 =	sld [smem:$0x3FA9]  }
0x28: {  	s2 =	sld [smem:$0x3FAA]  }
0x29: {  	s4 =	sld [smem:$0x3FAC]  }
0x2a: {  	p0 =	seq.s32 s5, $0x0;
	s5 =	sld [smem:$0x3FAD]  }
0x2b: {  	s6 =	sld [smem:$0x3FAE]  }
0x2c: {  	s7 =	sld [smem:$0x3FAF]  }
0x2d: {  	s3 =	simm.s32 $0x108;
	s8 =	sld [smem:$0x3FB0]  }
0x2e: {  	s3 =	simm.s32 @!p0 $0x1082;
	s9 =	sld [smem:$0x3FB1]  }
0x2f: {  	lr =	sadd.s32 s0, s3;
	s0 =	sld [smem:$0x3FA8]  }
0x30: {  	s3 =	sld [smem:$0x3FAB]  }
0x31: {  	[smem:$0x3FB4] =	sst s10  }
0x32: {  	s10 =	sld [smem:$0x3FB2];
	_ =	sdelay $0x3  }
0x33: {  	p0 =	seq.s32 s10, $0x1;
	s10 =	sld [smem:$0x3FB4];
	_ =	sdelay $0x3  }
0x34: {  	[smem:$0x3FB4] =	sst s10  }
0x35: {  	s10 =	sld [smem:$0x3FB3];
	_ =	sdelay $0x3  }
0x36: {  	p1 =	seq.s32 s10, $0x1;
	s10 =	sld [smem:$0x3FB4];
	_ =	sdelay $0x3  }
0x37: {  	[smem:$0x3FB4] =	sst s10  }
0x38: {  	s10 =	sld [smem:$0x3FB5]  }
0x39: {  	_ = 	snop;
	(pc) =	sbr.ind lr, $3  }
0x3a: {  	_ = 	snop  }
0x3b: {  	_ = 	snop  }
0x3c: {  	p2 =	seq.s32 s10, $0x1;
	s10 =	sld [smem:$0x3FB4]  }
0x3d: {  	_ =	shalt  }
0x3e: {  	_ =	shalt  }
0x3f: {  	_ =	shalt  }
0x40: {  	_ =	shalt  }
0x41: {  	_ =	shalt  }
0x42: {  	_ =	shalt  }
0x43: {  	_ =	shalt  }
0x44: {  	_ =	shalt  }
0x45: {  	_ =	shalt  }
0x46: {  	_ =	shalt  }
0x47: {  	_ =	shalt  }
0x48: {  	_ =	shalt  }
0x49: {  	_ =	shalt  }
0x4a: {  	_ =	shalt  }
0x4b: {  	_ =	shalt  }
0x4c: {  	_ =	shalt  }
0x4d: {  	_ =	shalt  }
0x4e: {  	_ =	shalt  }
0x4f: {  	_ =	shalt  }
0x50: {  	_ =	shalt  }
0x51: {  	_ =	shalt  }
0x52: {  	_ =	shalt  }
0x53: {  	_ =	shalt  }
0x54: {  	_ =	shalt  }
0x55: {  	_ =	shalt  }
0x56: {  	_ =	shalt  }
0x57: {  	_ =	shalt  }
0x58: {  	_ =	shalt  }
0x59: {  	_ =	shalt  }
0x5a: {  	_ =	shalt  }
0x5b: {  	_ =	shalt  }
0x5c: {  	_ =	shalt  }
0x5d: {  	_ =	shalt  }
0x5e: {  	_ =	shalt  }
0x5f: {  	_ =	shalt  }
0x60: {  	_ =	shalt  }
0x61: {  	_ =	shalt  }
0x62: {  	_ =	shalt  }
0x63: {  	_ =	shalt  }
0x64: {  	_ =	shalt  }
0x65: {  	_ =	shalt  }
0x66: {  	_ =	shalt  }
0x67: {  	_ =	shalt  }
0x68: {  	_ =	shalt  }
0x69: {  	_ =	shalt  }
0x6a: {  	_ =	shalt  }
0x6b: {  	_ =	shalt  }
0x6c: {  	_ =	shalt  }
0x6d: {  	_ =	shalt  }
0x6e: {  	_ =	shalt  }
0x6f: {  	_ =	shalt  }
0x70: {  	_ =	shalt  }
0x71: {  	_ =	shalt  }
0x72: {  	_ =	shalt  }
0x73: {  	_ =	shalt  }
0x74: {  	_ =	shalt  }
0x75: {  	_ =	shalt  }
0x76: {  	_ =	shalt  }
0x77: {  	_ =	shalt  }
0x78: {  	_ =	shalt  }
0x79: {  	_ =	shalt  }
0x7a: {  	_ =	shalt  }
0x7b: {  	_ =	shalt  }
0x7c: {  	_ =	shalt  }
0x7d: {  	_ =	shalt  }
0x7e: {  	_ =	shalt  }
0x7f: {  	_ =	shalt  }
0x80: {  	_ =	shalt  }
0x81: {  	_ =	shalt  }
0x82: {  	_ =	shalt  }
0x83: {  	_ =	shalt  }
0x84: {  	_ =	shalt  }
0x85: {  	_ =	shalt  }
0x86: {  	_ =	shalt  }
0x87: {  	_ =	shalt  }
.Lfunc_end0:
.L_simem_size_0:
called_computation.2_lowered:
.L_overlay_start_0:
0x88: {  	s2 =	sld [smem:$0x3FD9]  }
0x89: {  	s3 =	sld [smem:$0x3FFE];
	_ =	sdelay $0x1  }
0x8a: {  	s1 =	srdreg.scid  }
0x8b: {  	s0 =	sand.u32 $0x1, s1  }
0x8c: {  	s16 =	sshll.u32 s0, $0xA;
	s2 =	sadd.s32 s3, s2  }
0x8d: {  	s2 =	sadd.s32 s2, s16  }
0x8e: {  	[smem:$0x3FC0] =	sst s2  }
0x8f: {  	_ = 	snop  }
0x90: {  	(tm) =	ssettm $0x1  }
0x91: {  	s17 =	sld [smem:$0x3FFB];
	_ =	sdelay $0x3  }
0x92: {  	_ =	strace s17  }
0x93: {  	s2 =	sld [smem:$0x3FFC];
	_ =	sdelay $0x3  }
0x94: {  	_ =	strace s2  }
0x95: {  	s2 =	sld [smem:$0x3FFD];
	_ =	sdelay $0x3  }
0x96: {  	_ =	strace s2  }
0x97: {  	_ =	strace $0x8FFFFFFF  }
0x98: {  	s18 =	sld [smem:$0x3FDB];
	_ =	sdelay $0x1  }
0x99: {  	s19 =	simm.s32 $_scs_section_size  }
0x9a: {  	s4 =	simm.s32 $_size__tile_overlayer_lowered;
	s5 =	simm.s32 $_tile_overlayer_lowered  }
0x9b: {  	s22 =	simm.s32 $0x1BFF;
	s21 =	sshll.u32 s5, $0x1;
	s2 =	sadd.s32 s19, s18  }
0x9c: {  	s6 =	simm.s32 $0x0;
	s20 =	sshll.u32 s4, $0x1;
	s4 =	sadd.s32 s21, s2  }
0x9d: {  	[timem:s6], [sflag:s22] =	dma.local [hbm:s4], s20  }
0x9e: {  	_ =	swait.ge [sflag:s22], s20  }
0x9f: {  	s3 =	ssub.s32 $0x0, s20;
	[sflag:s22] =	ssyncset.done $0x0  }
0xa0: {  	[sflag:s22] =	ssyncadd.s32 s3;
	_ =	sdelay $0x1  }
0xa1: {  	s23 =	simm.s32 $0x1B8B  }
0xa2: {  	_ =	swait.ge [sflag:s23], $0x1  }
0xa3: {  	[sflag:s23] =	ssyncset.done $0x0  }
0xa4: {  	s25 =	simm.s32 $0x1B8E;
	s24 =	sld [smem:$0x3FFE];
	[sflag:s23] =	ssyncadd.s32 $0xFFFFFFFF  }
0xa5: {  	s26 =	simm.s32 $execute0_lowered;
	[smem:$0x3FD2] =	sst s25  }
0xa6: {  	s4 =	sshll.u32 s26, $0x1;
	_ =	strace $0x8000004C;
	[dreg:$0x1] =	wrdreg $0xFFFFFFFF  }
0xa7: {  	s28 =	simm.s32 $_size_execute0_lowered;
	s2 =	sadd.s32 s2, s4;
	[dreg:$0x0] =	wrdreg $0x0  }
0xa8: {  	s4 =	sshll.u32 s28, $0x1;
	[dreg:$0x2] =	wrdreg s2  }
0xa9: {  	[dreg:$0x3] =	wrdreg s4  }
0xaa: {  	[dreg:$0x4] =	wrdreg $0xC0  }
0xab: {  	_ =	task [dreg:s6], $0x5FFFF  }
0xac: {  	[dreg:$0x1] =	wrdreg $0xFFFFFFFF  }
0xad: {  	[dreg:$0x0] =	wrdreg $0x60  }
0xae: {  	[dreg:$0x2] =	wrdreg s24  }
0xaf: {  	[dreg:$0x3] =	wrdreg $0x120000  }
0xb0: {  	[dreg:$0x4] =	wrdreg $0x9  }
0xb1: {  	_ =	task.clear_ibuf [dreg:s6], $0x5FFFF;
	_ =	strace $0x9000004C  }
0xb2: {  	s29 =	simm.s32 $0x9;
	_ =	strace $0x8000004E  }
0xb3: {  	_ =	swait.ge [sflag:s29], $0x1  }
0xb4: {  	[sflag:s29] =	ssyncadd.s32 $0xFFFFFFFF  }
0xb5: {  	_ =	strace $0x9000004E  }
0xb6: {  	_ =	sfence  }
0xb7: {  	s30 =	sld [smem:$0x0];
	_ =	sdelay $0x2  }
0xb8: {  	s31 =	sshll.u32 s1, $0xD;
	s1 =	sshrl.u32 s1, $0x2  }
0xb9: {  	s3 =	sand.u32 $0x4000, s31;
	s1 =	sadd.s32 s1, s30  }
0xba: {  	s0 =	sor.u32 s3, s0;
	s1 =	sshll.u32 s1, $0x11  }
0xbb: {  	s0 =	sor.u32 s1, s0  }
0xbc: {  	s0 =	sadd.s32 $0x8F2B, s0  }
0xbd: {  	[sflag:s0] =	ssyncadd.remote.s32 $0x1  }
0xbe: {  	_ =	sfence.sel $0xFFFF  }
0xbf: {  	[dreg:$0x0] =	wrdreg $0xFFFFFFFF;
	(pc) =	sbr.abs _section_cstart, $3  }
0xc0: {  	[dreg:$0x1] =	wrdreg $0xFFFFFFFF  }
0xc1: {  	_ =	task.clear_ibuf [dreg:s6], $0x2FFFF;
	_ =	strace $0x9FFFFFFF  }
0xc2: {  	(tm) =	ssettm $0x7FFFFFFF  }
0xc3: {  	_ =	shalt  }
tec
execute0_lowered:
.L_overlay_start_1:
0x0: {  	(tag) =	ssettag $0x1  }
0x1: {  	s8 =	rddreg [dreg:$0x0]  }
0x2: {  	s2 =	rddreg [dreg:$0x1];
	s3 =	simm.s32 $0x0  }
0x3: {  	s1 =	stileid.u32;
	s7 =	srdreg.scid;
	s17 =	simm.s32 $0x3  }
0x4: {  	s18 =	simm.s32 $0x5000;
	s19 =	simm.s32 $0x200;
	s20 =	simm.s32 $0xA000  }
0x5: {  	s21 =	simm.s32 $0xE000;
	s22 =	simm.s32 $0x1;
	s23 =	simm.s32 $0x2  }
0x6: {  	s24 =	simm.s32 $0x4E00;
	s25 =	simm.s32 $0x9C00;
	s26 =	simm.s32 $0x9E00  }
0x7: {  	[smem:$0x7FF] =	sst s3;
	s6 =	smul.u32 $0xA00, s1;
	s4 =	sadd.s32 $0x34E00, s8  }
0x8: {  	s5 =	sadd.s32 $0x2B000, s8;
	s9 =	sand.u32 $0x1, s7;
	s11 =	smul.u32 $0xA000, s1  }
0x9: {  	s7 =	sadd.s32 $0x52600, s8;
	s15 =	sshll.u32 s1, $0x6;
	_ =	strace $0x8000004D  }
0xa: {  	s10 =	ssub.s32 $0x2, s9;
	p0 =	seq.s32 s9, $0x1;
	s15 =	sor.u32 $0x1C03, s15  }
.Ltmp0:
0xb: {  	s13 =	sadd.s32 s6, s8;
	s6 =	sadd.s32 $0x51C00, s8;
	(pc) =	sbr.rel .LBB2_1-.Ltmp0, $4  }
0xc: {  	s12 =	sshrl.u32 s10, $0x1;
	s8 =	sadd.s32 $0x3EC00, s8;
	s31 =	sshrl.u32 s11, $0x1  }
0xd: {  	s11 =	sshrl.u32 s11, $0x4;
	s14 =	ssub.s32 s10, s12;
	s16 =	sadd.s32 s31, s2  }
0xe: {  	s9 =	sadd.s32 $0x17000, s13;
	s10 =	sadd.s32 $0x21000, s13;
	s12 =	sadd.s32 $0x3000, s13  }
0xf: {  	s13 =	sadd.s32 $0xD000, s13;
	s14 =	smax.u32 s14, $0x1;
	s16 =	sshrl.u32 s16, $0x3  }
.LBB2_7:
0x10: {  	s0 =	sadd.s32 $0x200, s28;
	[sflag:s17] =	ssyncadd.s32 $0xFFFFC000  }
0x11: {  	[tilespmem:s21], [sflag:$0x2] =	stream.indirect.gather [hbm4b:s5+s19], $0x20, s0, s19, $0xb8;
	[tilespmem:$0x17000] =	vst v63  }
0x12: {  	_ =	swait.ge [sflag:s22], $0x4000  }
0x13: {  	[sflag:s22] =	ssyncset.done $0x0  }
0x14: {  	s29 =	sadd.s32 $0x5000, s28;
	[sflag:s22] =	ssyncadd.s32 $0xFFFFC000  }
0x15: {  	[spmem:s2] =	stream.indirect.scatter.add.bf16 [tilespmem:s20], [sflag:$0x3], $0x20, s29, s19, $0xb8;
	[tilespmem:$0x17000] =	vst v63  }
0x16: {  	_ =	swait.ge [sflag:s17], $0x4000  }
0x17: {  	[sflag:s17] =	ssyncset.done $0x0  }
0x18: {  	s30 =	sadd.s32 $0x400, s28;
	[sflag:s17] =	ssyncadd.s32 $0xFFFFC000  }
0x19: {  	[tilespmem:s20], [sflag:$0x1] =	stream.indirect.gather [hbm4b:s5+s19], $0x20, s30, s19, $0xb8;
	[tilespmem:$0x17000] =	vst v63  }
0x1a: {  	_ =	swait.ge [sflag:s23], $0x4000  }
0x1b: {  	[sflag:s23] =	ssyncset.done $0x0  }
0x1c: {  	s31 =	sadd.s32 $0x5200, s28;
	[sflag:s23] =	ssyncadd.s32 $0xFFFFC000  }
0x1d: {  	[spmem:s2] =	stream.indirect.scatter.add.bf16 [tilespmem:s21], [sflag:$0x3], $0x20, s31, s19, $0xb8;
	[tilespmem:$0x17000] =	vst v63  }
0x1e: {  	_ =	swait.ge [sflag:s17], $0x4000  }
0x1f: {  	[sflag:s17] =	ssyncset.done $0x0  }
0x20: {  	s28 =	smov.u32 s8;
	[sflag:s17] =	ssyncadd.s32 $0xFFFFC000  }
0x21: {  	[tilespmem:s21], [sflag:$0x2] =	stream.indirect.gather [hbm4b:s5+s19], $0x20, s24, s19, $0xb8;
	[tilespmem:$0x17000] =	vst v63  }
.LBB2_8:
0x22: {  	_ =	swait.ge [sflag:s22], $0x4000  }
0x23: {  	[sflag:s22] =	ssyncset.done $0x0  }
0x24: {  	[sflag:s22] =	ssyncadd.s32 $0xFFFFC000  }
0x25: {  	[spmem:s2] =	stream.indirect.scatter.add.bf16 [tilespmem:s20], [sflag:$0x3], $0x20, s25, s19, $0xb8;
	[tilespmem:$0x17000] =	vst v63  }
0x26: {  	_ =	swait.ge [sflag:s17], $0x4000  }
0x27: {  	[sflag:s17] =	ssyncset.done $0x0  }
0x28: {  	[sflag:s17] =	ssyncadd.s32 $0xFFFFC000  }
0x29: {  	_ =	swait.ge [sflag:s23], $0x4000  }
0x2a: {  	[sflag:s23] =	ssyncset.done $0x0  }
0x2b: {  	[sflag:s23] =	ssyncadd.s32 $0xFFFFC000  }
0x2c: {  	[spmem:s2] =	stream.indirect.scatter.add.bf16 [tilespmem:s21], [sflag:$0x3], $0x20, s26, s19, $0xb8;
	[tilespmem:$0x17000] =	vst v63  }
0x2d: {  	_ =	swait.ge [sflag:s17], $0x4000  }
0x2e: {  	s3 =	sadd.s32 $0x1, s3;
	[sflag:s17] =	ssyncset.done $0x0  }
0x2f: {  	p1 =	sne.s32 s3, s14;
	[sflag:s17] =	ssyncadd.s32 $0xFFFFC000  }
.Ltmp1:
0x30: {  	s0 =	sadd.s32 s28, s11;
	[bflag:$0x0] =	sbarrier.arrive $0xFFFF;
	(pc) =	sbr.rel @!p1 .LBB2_9-.Ltmp1, $4  }
0x31: {  	[hbm:s0], [sflag:s15] =	dma.local [spmem:s16], $0xA00  }
0x32: {  	_ =	swait.ge [sflag:s17], $0xA00  }
0x33: {  	[sflag:s17] =	ssyncset.done $0x0  }
0x34: {  	[sflag:s17] =	ssyncadd.s32 $0xFFFFF600  }
.LBB2_1:
.Ltmp2:
0x35: {  	(pc) =	sbr.rel @!p0 .LBB2_2-.Ltmp2, $4  }
0x36: {  	[spmem:s16], [sflag:s15] =	dma.local [hbm:s6], $0xA00  }
0x37: {  	_ =	swait.ge [sflag:s17], $0xA00  }
0x38: {  	[sflag:s17] =	ssyncset.done $0x0  }
0x39: {  	[sflag:s17] =	ssyncadd.s32 $0xFFFFF600  }
0x3a: {  	s0 =	simm.s32 $0x0  }
0x3b: {  	[tilespmem:s0], [sflag:$0x3] =	stream.linear.gather [hbm4b:s12+s0], $0x5000, $0x38;
	[tilespmem:$0x17000] =	vst v63  }
0x3c: {  	_ =	swait.ge [sflag:s17], $0x5000  }
0x3d: {  	[sflag:s17] =	ssyncset.done $0x0  }
0x3e: {  	[sflag:s17] =	ssyncadd.s32 $0xFFFFB000  }
0x3f: {  	[tilespmem:s18], [sflag:$0x3] =	stream.linear.gather [hbm4b:s13+s0], $0x5000, $0x38;
	[tilespmem:$0x17000] =	vst v63  }
0x40: {  	_ =	swait.ge [sflag:s17], $0x5000  }
0x41: {  	[sflag:s17] =	ssyncset.done $0x0  }
0x42: {  	[sflag:s17] =	ssyncadd.s32 $0xFFFFB000  }
0x43: {  	[bflag:$0x0] =	sbarrier.arrive $0xFFFF  }
0x44: {  	[tilespmem:s20], [sflag:$0x1] =	stream.indirect.gather [hbm4b:s5+s19], $0x20, s0, s19, $0xb8;
	[tilespmem:$0x17000] =	vst v63  }
0x45: {  	s30 =	simm.s32 $0x200  }
0x46: {  	[tilespmem:s21], [sflag:$0x2] =	stream.indirect.gather [hbm4b:s5+s19], $0x20, s30, s19, $0xb8;
	[tilespmem:$0x17000] =	vst v63  }
0x47: {  	_ =	swait.ge [sflag:s22], $0x4000  }
0x48: {  	[sflag:s22] =	ssyncset.done $0x0  }
0x49: {  	s31 =	simm.s32 $0x5000;
	[sflag:s22] =	ssyncadd.s32 $0xFFFFC000  }
0x4a: {  	[spmem:s2] =	stream.indirect.scatter.add.bf16 [tilespmem:s20], [sflag:$0x3], $0x20, s31, s19, $0xb8;
	[tilespmem:$0x17000] =	vst v63  }
0x4b: {  	_ =	swait.ge [sflag:s17], $0x4000  }
0x4c: {  	[sflag:s17] =	ssyncset.done $0x0  }
0x4d: {  	s30 =	simm.s32 $0x400;
	[sflag:s17] =	ssyncadd.s32 $0xFFFFC000  }
0x4e: {  	[tilespmem:s20], [sflag:$0x1] =	stream.indirect.gather [hbm4b:s5+s19], $0x20, s30, s19, $0xb8;
	[tilespmem:$0x17000] =	vst v63  }
0x4f: {  	_ =	swait.ge [sflag:s23], $0x4000  }
0x50: {  	[sflag:s23] =	ssyncset.done $0x0  }
0x51: {  	s31 =	simm.s32 $0x5200;
	[sflag:s23] =	ssyncadd.s32 $0xFFFFC000  }
0x52: {  	[spmem:s2] =	stream.indirect.scatter.add.bf16 [tilespmem:s21], [sflag:$0x3], $0x20, s31, s19, $0xb8;
	[tilespmem:$0x17000] =	vst v63  }
0x53: {  	_ =	swait.ge [sflag:s17], $0x4000  }
0x54: {  	s29 =	simm.s32 $0x2000;
	s28 =	simm.s32 $0x400;
	[sflag:s17] =	ssyncset.done $0x0  }
.LBB2_6:
0x55: {  	s0 =	sadd.s32 $0x200, s28  }
0x56: {  	[sflag:s17] =	ssyncadd.s32 $0xFFFFC000;
	s30 =	smov.u32 s29;
	s31 =	sadd.s32 $0x1000, s29  }
0x57: {  	[tilespmem:s21], [sflag:$0x2] =	stream.indirect.gather [hbm4b:s5+s19], $0x20, s0, s19, $0xb8;
	[tilespmem:$0x17000] =	vst v63  }
0x58: {  	p1 =	sne.s32 s29, $0x12000;
	_ =	swait.ge [sflag:s22], $0x4000  }
0x59: {  	[sflag:s22] =	ssyncset.done $0x0  }
0x5a: {  	s0 =	sadd.s32 $0x5000, s28;
	[sflag:s22] =	ssyncadd.s32 $0xFFFFC000  }
0x5b: {  	[spmem:s2] =	stream.indirect.scatter.add.bf16 [tilespmem:s20], [sflag:$0x3], $0x20, s0, s19, $0xb8;
	[tilespmem:$0x17000] =	vst v63  }
0x5c: {  	_ =	swait.ge [sflag:s17], $0x4000  }
0x5d: {  	[sflag:s17] =	ssyncset.done $0x0  }
0x5e: {  	s0 =	sadd.s32 $0x400, s28;
	[sflag:s17] =	ssyncadd.s32 $0xFFFFC000  }
0x5f: {  	[tilespmem:s20], [sflag:$0x1] =	stream.indirect.gather [hbm4b:s5+s19], $0x20, s0, s19, $0xb8;
	[tilespmem:$0x17000] =	vst v63  }
0x60: {  	_ =	swait.ge [sflag:s23], $0x4000  }
.Ltmp3:
0x61: {  	[sflag:s23] =	ssyncset.done $0x0;
	(pc) =	sbr.rel @p1 .LBB2_6-.Ltmp3, $4  }
0x62: {  	s0 =	sadd.s32 $0x5200, s28;
	[sflag:s23] =	ssyncadd.s32 $0xFFFFC000  }
0x63: {  	[spmem:s2] =	stream.indirect.scatter.add.bf16 [tilespmem:s21], [sflag:$0x3], $0x20, s0, s19, $0xb8;
	[tilespmem:$0x17000] =	vst v63  }
0x64: {  	_ =	swait.ge [sflag:s17], $0x4000  }
0x65: {  	s29 =	smov.u32 s31;
	s28 =	sshra.s32 s30, $0x2;
	[sflag:s17] =	ssyncset.done $0x0  }
.Ltmp4:
0x66: {  	_ = 	snop;
	(pc) =	sbr.rel .LBB2_7-.Ltmp4, $1  }
0x67: {  	_ =	sdelay $0x3  }
.LBB2_2:
0x68: {  	s28 =	simm.s32 $0x0  }
0x69: {  	[tilespmem:s28], [sflag:$0x3] =	stream.linear.gather [hbm4b:s9+s28], $0x5000, $0x38;
	[tilespmem:$0x17000] =	vst v63  }
0x6a: {  	_ =	swait.ge [sflag:s17], $0x5000  }
0x6b: {  	[sflag:s17] =	ssyncset.done $0x0  }
0x6c: {  	[sflag:s17] =	ssyncadd.s32 $0xFFFFB000  }
0x6d: {  	[tilespmem:s18], [sflag:$0x3] =	stream.linear.gather [hbm4b:s10+s28], $0x5000, $0x38;
	[tilespmem:$0x17000] =	vst v63  }
0x6e: {  	_ =	swait.ge [sflag:s17], $0x5000  }
0x6f: {  	[sflag:s17] =	ssyncset.done $0x0  }
0x70: {  	[sflag:s17] =	ssyncadd.s32 $0xFFFFB000  }
0x71: {  	[bflag:$0x0] =	sbarrier.arrive $0xFFFF  }
0x72: {  	[tilespmem:s20], [sflag:$0x1] =	stream.indirect.gather [hbm4b:s4+s19], $0x20, s28, s19, $0xb8;
	[tilespmem:$0x17000] =	vst v63  }
0x73: {  	s28 =	simm.s32 $0x200  }
0x74: {  	[tilespmem:s21], [sflag:$0x2] =	stream.indirect.gather [hbm4b:s4+s19], $0x20, s28, s19, $0xb8;
	[tilespmem:$0x17000] =	vst v63  }
0x75: {  	_ =	swait.ge [sflag:s22], $0x4000  }
0x76: {  	[sflag:s22] =	ssyncset.done $0x0  }
0x77: {  	s28 =	simm.s32 $0x5000;
	[sflag:s22] =	ssyncadd.s32 $0xFFFFC000  }
0x78: {  	[spmem:s2] =	stream.indirect.scatter.add.bf16 [tilespmem:s20], [sflag:$0x3], $0x20, s28, s19, $0xb8;
	[tilespmem:$0x17000] =	vst v63  }
0x79: {  	_ =	swait.ge [sflag:s17], $0x4000  }
0x7a: {  	[sflag:s17] =	ssyncset.done $0x0  }
0x7b: {  	s28 =	simm.s32 $0x400;
	[sflag:s17] =	ssyncadd.s32 $0xFFFFC000  }
0x7c: {  	[tilespmem:s20], [sflag:$0x1] =	stream.indirect.gather [hbm4b:s4+s19], $0x20, s28, s19, $0xb8;
	[tilespmem:$0x17000] =	vst v63  }
0x7d: {  	_ =	swait.ge [sflag:s23], $0x4000  }
0x7e: {  	[sflag:s23] =	ssyncset.done $0x0  }
0x7f: {  	s28 =	simm.s32 $0x5200;
	[sflag:s23] =	ssyncadd.s32 $0xFFFFC000  }
0x80: {  	[spmem:s2] =	stream.indirect.scatter.add.bf16 [tilespmem:s21], [sflag:$0x3], $0x20, s28, s19, $0xb8;
	[tilespmem:$0x17000] =	vst v63  }
0x81: {  	_ =	swait.ge [sflag:s17], $0x4000  }
0x82: {  	s29 =	simm.s32 $0x2000;
	s28 =	simm.s32 $0x400;
	[sflag:s17] =	ssyncset.done $0x0  }
.LBB2_3:
0x83: {  	s30 =	sadd.s32 $0x200, s28  }
0x84: {  	[sflag:s17] =	ssyncadd.s32 $0xFFFFC000;
	s31 =	smov.u32 s29;
	s0 =	sadd.s32 $0x1000, s29  }
0x85: {  	[tilespmem:s21], [sflag:$0x2] =	stream.indirect.gather [hbm4b:s4+s19], $0x20, s30, s19, $0xb8;
	[tilespmem:$0x17000] =	vst v63  }
0x86: {  	p1 =	sne.s32 s29, $0x12000;
	_ =	swait.ge [sflag:s22], $0x4000  }
0x87: {  	[sflag:s22] =	ssyncset.done $0x0  }
0x88: {  	s29 =	sadd.s32 $0x5000, s28;
	[sflag:s22] =	ssyncadd.s32 $0xFFFFC000  }
0x89: {  	[spmem:s2] =	stream.indirect.scatter.add.bf16 [tilespmem:s20], [sflag:$0x3], $0x20, s29, s19, $0xb8;
	[tilespmem:$0x17000] =	vst v63  }
0x8a: {  	_ =	swait.ge [sflag:s17], $0x4000  }
0x8b: {  	[sflag:s17] =	ssyncset.done $0x0  }
0x8c: {  	s29 =	sadd.s32 $0x400, s28;
	[sflag:s17] =	ssyncadd.s32 $0xFFFFC000  }
0x8d: {  	[tilespmem:s20], [sflag:$0x1] =	stream.indirect.gather [hbm4b:s4+s19], $0x20, s29, s19, $0xb8;
	[tilespmem:$0x17000] =	vst v63  }
0x8e: {  	_ =	swait.ge [sflag:s23], $0x4000  }
.Ltmp5:
0x8f: {  	[sflag:s23] =	ssyncset.done $0x0;
	(pc) =	sbr.rel @p1 .LBB2_3-.Ltmp5, $4  }
0x90: {  	s28 =	sadd.s32 $0x5200, s28;
	[sflag:s23] =	ssyncadd.s32 $0xFFFFC000  }
0x91: {  	[spmem:s2] =	stream.indirect.scatter.add.bf16 [tilespmem:s21], [sflag:$0x3], $0x20, s28, s19, $0xb8;
	[tilespmem:$0x17000] =	vst v63  }
0x92: {  	_ =	swait.ge [sflag:s17], $0x4000  }
0x93: {  	s29 =	smov.u32 s0;
	s28 =	sshra.s32 s31, $0x2;
	[sflag:s17] =	ssyncset.done $0x0  }
0x94: {  	s0 =	sadd.s32 $0x200, s28;
	[sflag:s17] =	ssyncadd.s32 $0xFFFFC000  }
0x95: {  	[tilespmem:s21], [sflag:$0x2] =	stream.indirect.gather [hbm4b:s4+s19], $0x20, s0, s19, $0xb8;
	[tilespmem:$0x17000] =	vst v63  }
0x96: {  	_ =	swait.ge [sflag:s22], $0x4000  }
0x97: {  	[sflag:s22] =	ssyncset.done $0x0  }
0x98: {  	s29 =	sadd.s32 $0x5000, s28;
	[sflag:s22] =	ssyncadd.s32 $0xFFFFC000  }
0x99: {  	[spmem:s2] =	stream.indirect.scatter.add.bf16 [tilespmem:s20], [sflag:$0x3], $0x20, s29, s19, $0xb8;
	[tilespmem:$0x17000] =	vst v63  }
0x9a: {  	_ =	swait.ge [sflag:s17], $0x4000  }
0x9b: {  	[sflag:s17] =	ssyncset.done $0x0  }
0x9c: {  	s30 =	sadd.s32 $0x400, s28;
	[sflag:s17] =	ssyncadd.s32 $0xFFFFC000  }
0x9d: {  	[tilespmem:s20], [sflag:$0x1] =	stream.indirect.gather [hbm4b:s4+s19], $0x20, s30, s19, $0xb8;
	[tilespmem:$0x17000] =	vst v63  }
0x9e: {  	_ =	swait.ge [sflag:s23], $0x4000  }
0x9f: {  	[sflag:s23] =	ssyncset.done $0x0  }
0xa0: {  	s31 =	sadd.s32 $0x5200, s28;
	[sflag:s23] =	ssyncadd.s32 $0xFFFFC000  }
0xa1: {  	[spmem:s2] =	stream.indirect.scatter.add.bf16 [tilespmem:s21], [sflag:$0x3], $0x20, s31, s19, $0xb8;
	[tilespmem:$0x17000] =	vst v63  }
.Ltmp6:
0xa2: {  	_ = 	snop;
	(pc) =	sbr.rel .LBB2_8-.Ltmp6, $4  }
0xa3: {  	_ =	swait.ge [sflag:s17], $0x4000  }
0xa4: {  	[sflag:s17] =	ssyncset.done $0x0  }
0xa5: {  	s28 =	smov.u32 s7;
	[sflag:s17] =	ssyncadd.s32 $0xFFFFC000  }
0xa6: {  	[tilespmem:s21], [sflag:$0x2] =	stream.indirect.gather [hbm4b:s4+s19], $0x20, s24, s19, $0xb8;
	[tilespmem:$0x17000] =	vst v63  }
.LBB2_9:
0xa7: {  	_ =	sfence.sel $0x180000  }
0xa8: {  	[bflag:$0x0] =	sbarrier.arrive $0xFFFF  }
0xa9: {  	_ =	strace $0x9000004D  }
0xaa: {  	[bflag:$0x2] =	sbarrier.arrive $0xFFFF  }
0xab: {  	p0 =	sne.s32 s1, $0x0;
	s0 =	rddreg [dreg:$0x2]  }
0xac: {  	s0 =	sadd.s32 @!p0 $0x100000, s0  }
0xad: {  	[sflag:s0] =	ssyncadd.tile.s32 @!p0 $0x1;
	_ =	shalt  }
.Lfunc_end2:
_tile_overlayer_lowered:
.L_overlay_start_2:
0xae: {  	(tag) =	ssettag $0x2  }
0xaf: {  	s0 =	rddreg [dreg:$0x0];
	s2 =	stileid.u32  }
0xb0: {  	s1 =	rddreg [dreg:$0x1];
	p0 =	sne.s32 s2, $0x0  }
0xb1: {  	s3 =	rddreg [dreg:$0x2];
	[bflag:$0x3] =	sbarrier.arrive $0xFFFF;
	s2 =	simm.s32 @!p0 $0x1C03  }
0xb2: {  	[timem:s3], [sflag:s2] =	dma.local @!p0 [hbm:s0], s1  }
0xb3: {  	s0 =	simm.s32 @!p0 $0x3  }
0xb4: {  	_ =	swait.ge @!p0 [sflag:s0], s1  }
0xb5: {  	s1 =	ssub.s32 @!p0 $0x0, s1;
	[sflag:s0] =	ssyncset.done @!p0 $0x0  }
0xb6: {  	[sflag:s0] =	ssyncadd.s32 @!p0 s1  }
0xb7: {  	[bflag:$0x3] =	sbarrier.arrive $0xFFFF  }
0xb8: {  	_ =	shalt  }

// kernel: kernel.8.cloned.1.call-start
scs
__scs_entry_jumppad:
0x0: {  	(pc) =	sbr.rel $0x88, $3  }
0x1: {  	(tag) =	ssettag $0x0;
	lr =	simm.s32 $0x1  }
0x2: {  	[smem:$0x3F99] =	sst lr;
	_ =	strace $0xD0000000  }
0x3: {  	_ = 	snop  }
0x4: {  	_ = 	snop  }
0x5: {  	_ = 	snop  }
0x6: {  	_ = 	snop  }
0x7: {  	_ = 	snop  }
__scs_overlays_trampoline_lowered:
0x8: {  	[smem:$0x3FA8] =	sst s0  }
0x9: {  	[smem:$0x3FA9] =	sst s1  }
0xa: {  	[smem:$0x3FAA] =	sst s2  }
0xb: {  	[smem:$0x3FAB] =	sst s3  }
0xc: {  	[smem:$0x3FAC] =	sst s4  }
0xd: {  	[smem:$0x3FAD] =	sst s5  }
0xe: {  	[smem:$0x3FAE] =	sst s6  }
0xf: {  	[smem:$0x3FAF] =	sst s7  }
0x10: {  	[smem:$0x3FB0] =	sst s8  }
0x11: {  	[smem:$0x3FB1] =	sst s9;
	s0 =	simm.s32 @!p0 $0x0  }
0x12: {  	s1 =	sld [smem:$0x3F97];
	s0 =	simm.s32 @p0 $0x1  }
0x13: {  	[smem:$0x3FB2] =	sst s0;
	s0 =	simm.s32 @!p1 $0x0  }
0x14: {  	s2 =	sld [smem:$0x3F96];
	s0 =	simm.s32 @p1 $0x1  }
0x15: {  	[smem:$0x3FB3] =	sst s0;
	s0 =	simm.s32 @!p2 $0x0  }
0x16: {  	s3 =	sld [smem:$0x3FDB];
	s0 =	simm.s32 @p2 $0x1  }
0x17: {  	s4 =	simm.s32 $0x1BF5;
	[smem:$0x3FB5] =	sst s0  }
0x18: {  	s0 =	sld [smem:$0x3F98];
	_ =	swait.ge [sflag:s4], $0x0  }
0x19: {  	s7 =	sld [smem:$0x3F99]  }
0x1a: {  	s8 =	sadd.s32 $0xFFFFE003, lr  }
0x1b: {  	s9 =	sadd.s32 $0xFFFFFEF7, lr;
	s5 =	simm.s32 $0xFFFFFFFF;
	p2 =	slt.u32 s8, $0xFFFFF086  }
0x1c: {  	p1 =	slt.u32 s9, $0xF7A;
	s5 =	simm.s32 @!p2 $0x0  }
0x1d: {  	s5 =	simm.s32 @p1 $0x1;
	p0 =	seq.s32 s7, s2  }
0x1e: {  	s7 =	smul.u32 @!p0 $0xF7A, s2;
	p2 =	seq.s32 @!p0 s5, $0x0  }
0x1f: {  	s9 =	smul.u32 $0xF7A, s1;
	s8 =	simm.s32 @!p0 $0x1BF5;
	p2 =	por !p2, p0  }
0x20: {  	[sflag:s8] =	ssyncset.s32 @!p0 $0xFFFFF086;
	s6 =	sadd.s32 @!p0 s3, s7;
	s7 =	simm.s32 @!p0 $0x108  }
0x21: {  	s3 =	sadd.s32 s3, s9;
	s6 =	sadd.s32 @!p0 $0x88, s6;
	s7 =	simm.s32 @p2 $0x1082  }
0x22: {  	[simem:s7], [sflag:s8] =	dma.local @!p0 [hbm:s6], $0xF7A  }
0x23: {  	s9 =	sor.u32 $0xD0000000, s2;
	s6 =	simm.s32 $0x108;
	_ =	swait.ge @!p0 [sflag:s8], $0x0  }
0x24: {  	s3 =	sadd.s32 $0x88, s3;
	s6 =	simm.s32 @!p1 $0x1082;
	[sflag:s4] =	ssyncset.s32 $0xFFFFF086  }
0x25: {  	[simem:s6], [sflag:s4] =	dma.local [hbm:s3], $0xF7A  }
0x26: {  	[smem:$0x3F99] =	sst s1;
	(tag) =	ssettag s2;
	_ =	strace s9  }
0x27: {  	s1 =	sld [smem:$0x3FA9]  }
0x28: {  	s2 =	sld [smem:$0x3FAA]  }
0x29: {  	s4 =	sld [smem:$0x3FAC]  }
0x2a: {  	p0 =	seq.s32 s5, $0x0;
	s5 =	sld [smem:$0x3FAD]  }
0x2b: {  	s6 =	sld [smem:$0x3FAE]  }
0x2c: {  	s7 =	sld [smem:$0x3FAF]  }
0x2d: {  	s3 =	simm.s32 $0x108;
	s8 =	sld [smem:$0x3FB0]  }
0x2e: {  	s3 =	simm.s32 @!p0 $0x1082;
	s9 =	sld [smem:$0x3FB1]  }
0x2f: {  	lr =	sadd.s32 s0, s3;
	s0 =	sld [smem:$0x3FA8]  }
0x30: {  	s3 =	sld [smem:$0x3FAB]  }
0x31: {  	[smem:$0x3FB4] =	sst s10  }
0x32: {  	s10 =	sld [smem:$0x3FB2];
	_ =	sdelay $0x3  }
0x33: {  	p0 =	seq.s32 s10, $0x1;
	s10 =	sld [smem:$0x3FB4];
	_ =	sdelay $0x3  }
0x34: {  	[smem:$0x3FB4] =	sst s10  }
0x35: {  	s10 =	sld [smem:$0x3FB3];
	_ =	sdelay $0x3  }
0x36: {  	p1 =	seq.s32 s10, $0x1;
	s10 =	sld [smem:$0x3FB4];
	_ =	sdelay $0x3  }
0x37: {  	[smem:$0x3FB4] =	sst s10  }
0x38: {  	s10 =	sld [smem:$0x3FB5]  }
0x39: {  	_ = 	snop;
	(pc) =	sbr.ind lr, $3  }
0x3a: {  	_ = 	snop  }
0x3b: {  	_ = 	snop  }
0x3c: {  	p2 =	seq.s32 s10, $0x1;
	s10 =	sld [smem:$0x3FB4]  }
0x3d: {  	_ =	shalt  }
0x3e: {  	_ =	shalt  }
0x3f: {  	_ =	shalt  }
0x40: {  	_ =	shalt  }
0x41: {  	_ =	shalt  }
0x42: {  	_ =	shalt  }
0x43: {  	_ =	shalt  }
0x44: {  	_ =	shalt  }
0x45: {  	_ =	shalt  }
0x46: {  	_ =	shalt  }
0x47: {  	_ =	shalt  }
0x48: {  	_ =	shalt  }
0x49: {  	_ =	shalt  }
0x4a: {  	_ =	shalt  }
0x4b: {  	_ =	shalt  }
0x4c: {  	_ =	shalt  }
0x4d: {  	_ =	shalt  }
0x4e: {  	_ =	shalt  }
0x4f: {  	_ =	shalt  }
0x50: {  	_ =	shalt  }
0x51: {  	_ =	shalt  }
0x52: {  	_ =	shalt  }
0x53: {  	_ =	shalt  }
0x54: {  	_ =	shalt  }
0x55: {  	_ =	shalt  }
0x56: {  	_ =	shalt  }
0x57: {  	_ =	shalt  }
0x58: {  	_ =	shalt  }
0x59: {  	_ =	shalt  }
0x5a: {  	_ =	shalt  }
0x5b: {  	_ =	shalt  }
0x5c: {  	_ =	shalt  }
0x5d: {  	_ =	shalt  }
0x5e: {  	_ =	shalt  }
0x5f: {  	_ =	shalt  }
0x60: {  	_ =	shalt  }
0x61: {  	_ =	shalt  }
0x62: {  	_ =	shalt  }
0x63: {  	_ =	shalt  }
0x64: {  	_ =	shalt  }
0x65: {  	_ =	shalt  }
0x66: {  	_ =	shalt  }
0x67: {  	_ =	shalt  }
0x68: {  	_ =	shalt  }
0x69: {  	_ =	shalt  }
0x6a: {  	_ =	shalt  }
0x6b: {  	_ =	shalt  }
0x6c: {  	_ =	shalt  }
0x6d: {  	_ =	shalt  }
0x6e: {  	_ =	shalt  }
0x6f: {  	_ =	shalt  }
0x70: {  	_ =	shalt  }
0x71: {  	_ =	shalt  }
0x72: {  	_ =	shalt  }
0x73: {  	_ =	shalt  }
0x74: {  	_ =	shalt  }
0x75: {  	_ =	shalt  }
0x76: {  	_ =	shalt  }
0x77: {  	_ =	shalt  }
0x78: {  	_ =	shalt  }
0x79: {  	_ =	shalt  }
0x7a: {  	_ =	shalt  }
0x7b: {  	_ =	shalt  }
0x7c: {  	_ =	shalt  }
0x7d: {  	_ =	shalt  }
0x7e: {  	_ =	shalt  }
0x7f: {  	_ =	shalt  }
0x80: {  	_ =	shalt  }
0x81: {  	_ =	shalt  }
0x82: {  	_ =	shalt  }
0x83: {  	_ =	shalt  }
0x84: {  	_ =	shalt  }
0x85: {  	_ =	shalt  }
0x86: {  	_ =	shalt  }
0x87: {  	_ =	shalt  }
.Lfunc_end0:
.L_simem_size_0:
called_computation_lowered:
.L_overlay_start_0:
0x88: {  	s2 =	sld [smem:$0x3FD9]  }
0x89: {  	s3 =	sld [smem:$0x3FFE];
	_ =	sdelay $0x1  }
0x8a: {  	s1 =	srdreg.scid  }
0x8b: {  	s0 =	sand.u32 $0x1, s1  }
0x8c: {  	s17 =	sshll.u32 s0, $0xA;
	s2 =	sadd.s32 s3, s2  }
0x8d: {  	s2 =	sadd.s32 s2, s17  }
0x8e: {  	[smem:$0x3FC0] =	sst s2  }
0x8f: {  	_ = 	snop  }
0x90: {  	s2 =	sld [smem:$0x3FD0];
	(tm) =	ssettm $0x1  }
0x91: {  	s18 =	sld [smem:$0x3FFB];
	_ =	sdelay $0x3  }
0x92: {  	_ =	strace s18  }
0x93: {  	s3 =	sld [smem:$0x3FFC];
	_ =	sdelay $0x3  }
0x94: {  	_ =	strace s3  }
0x95: {  	s3 =	sld [smem:$0x3FFD];
	_ =	sdelay $0x3  }
0x96: {  	_ =	strace s3  }
0x97: {  	_ =	strace $0x8FFFFFFF  }
0x98: {  	s19 =	sld [smem:$0x3FDB];
	_ =	sdelay $0x1  }
0x99: {  	s4 =	simm.s32 $_scs_section_size  }
0x9a: {  	s5 =	simm.s32 $_size__tile_overlayer_lowered;
	s6 =	simm.s32 $_tile_overlayer_lowered  }
0x9b: {  	s22 =	simm.s32 $0x1BFF;
	s21 =	sshll.u32 s6, $0x1;
	s3 =	sadd.s32 s4, s19  }
0x9c: {  	s7 =	simm.s32 $0x0;
	s20 =	sshll.u32 s5, $0x1;
	s5 =	sadd.s32 s21, s3  }
0x9d: {  	[timem:s7], [sflag:s22] =	dma.local [hbm:s5], s20  }
0x9e: {  	_ =	swait.ge [sflag:s22], s20  }
0x9f: {  	s4 =	ssub.s32 $0x0, s20;
	[sflag:s22] =	ssyncset.done $0x0  }
0xa0: {  	[sflag:s22] =	ssyncadd.s32 s4;
	_ =	sdelay $0x1  }
0xa1: {  	s23 =	simm.s32 $0x1B8B  }
0xa2: {  	_ =	swait.ge [sflag:s23], $0x1  }
0xa3: {  	[sflag:s23] =	ssyncset.done $0x0  }
0xa4: {  	s25 =	simm.s32 $0x1B8E;
	s24 =	sld [smem:$0x3FFE];
	[sflag:s23] =	ssyncadd.s32 $0xFFFFFFFF  }
0xa5: {  	s26 =	simm.s32 $execute0_lowered;
	[smem:$0x3FD2] =	sst s25  }
0xa6: {  	s5 =	sshll.u32 s26, $0x1;
	_ =	strace $0x80000046;
	[dreg:$0x1] =	wrdreg $0xFFFFFFFF  }
0xa7: {  	s28 =	simm.s32 $_size_execute0_lowered;
	s3 =	sadd.s32 s3, s5;
	[dreg:$0x0] =	wrdreg $0x0  }
0xa8: {  	s5 =	sshll.u32 s28, $0x1;
	[dreg:$0x2] =	wrdreg s3  }
0xa9: {  	[dreg:$0x3] =	wrdreg s5  }
0xaa: {  	[dreg:$0x4] =	wrdreg $0xC0  }
0xab: {  	_ =	task [dreg:s7], $0x5FFFF  }
0xac: {  	[dreg:$0x1] =	wrdreg $0xFFFFFFFF  }
0xad: {  	[dreg:$0x0] =	wrdreg $0x60  }
0xae: {  	[dreg:$0x2] =	wrdreg s24  }
0xaf: {  	[dreg:$0x3] =	wrdreg s2  }
0xb0: {  	[dreg:$0x4] =	wrdreg $0x54800  }
0xb1: {  	[dreg:$0x5] =	wrdreg $0x9  }
0xb2: {  	_ =	task.clear_ibuf [dreg:s7], $0x6FFFF;
	_ =	strace $0x90000046  }
0xb3: {  	s29 =	simm.s32 $0x9;
	_ =	strace $0x80000048  }
0xb4: {  	_ =	swait.ge [sflag:s29], $0x1  }
0xb5: {  	[sflag:s29] =	ssyncadd.s32 $0xFFFFFFFF  }
0xb6: {  	_ =	strace $0x90000048  }
0xb7: {  	_ =	sfence  }
0xb8: {  	s30 =	sld [smem:$0x0];
	_ =	sdelay $0x2  }
0xb9: {  	s31 =	sshll.u32 s1, $0xD;
	s1 =	sshrl.u32 s1, $0x2  }
0xba: {  	s3 =	sand.u32 $0x4000, s31;
	s1 =	sadd.s32 s1, s30  }
0xbb: {  	s0 =	sor.u32 s3, s0;
	s1 =	sshll.u32 s1, $0x11  }
0xbc: {  	s0 =	sor.u32 s1, s0  }
0xbd: {  	s0 =	sadd.s32 $0x8F2B, s0  }
0xbe: {  	[sflag:s0] =	ssyncadd.remote.s32 $0x1  }
0xbf: {  	_ =	sfence.sel $0xFFFF  }
0xc0: {  	[dreg:$0x0] =	wrdreg $0xFFFFFFFF;
	(pc) =	sbr.abs _section_cstart, $3  }
0xc1: {  	[dreg:$0x1] =	wrdreg $0xFFFFFFFF  }
0xc2: {  	_ =	task.clear_ibuf [dreg:s7], $0x2FFFF;
	_ =	strace $0x9FFFFFFF  }
0xc3: {  	(tm) =	ssettm $0x7FFFFFFF  }
tec
execute0_lowered:
.L_overlay_start_1:
0x0: {  	(tag) =	ssettag $0x1  }
0x1: {  	s6 =	rddreg [dreg:$0x0]  }
0x2: {  	s5 =	rddreg [dreg:$0x1];
	s2 =	simm.s32 $0x0  }
0x3: {  	v0 =	vimm.f32 $1.000000000e+00;
	[smem:$0x7FF] =	sst s2  }
0x4: {  	s1 =	rddreg [dreg:$0x2];
	v1 =	vimm.f32 $0.0e+00;
	_ =	strace $0x80000047;
	[tilespmem:$0x5000] =	vst v0  }
0x5: {  	[tilespmem:$0x5470] =	vst v1  }
0x6: {  	[tilespmem:$0x5460] =	vst v1  }
0x7: {  	[tilespmem:$0x5450] =	vst v1  }
0x8: {  	[tilespmem:$0x5440] =	vst v1  }
0x9: {  	[tilespmem:$0x5430] =	vst v1  }
0xa: {  	[tilespmem:$0x5420] =	vst v1  }
0xb: {  	[tilespmem:$0x5410] =	vst v1  }
0xc: {  	[tilespmem:$0x5400] =	vst v1  }
0xd: {  	[tilespmem:$0x53F0] =	vst v1  }
0xe: {  	[tilespmem:$0x53E0] =	vst v1  }
0xf: {  	[tilespmem:$0x53D0] =	vst v1  }
0x10: {  	[tilespmem:$0x53C0] =	vst v1  }
0x11: {  	[tilespmem:$0x53B0] =	vst v1  }
0x12: {  	[tilespmem:$0x53A0] =	vst v1  }
0x13: {  	[tilespmem:$0x5390] =	vst v1  }
0x14: {  	[tilespmem:$0x5380] =	vst v1  }
0x15: {  	[tilespmem:$0x5370] =	vst v1  }
0x16: {  	[tilespmem:$0x5360] =	vst v1  }
0x17: {  	[tilespmem:$0x5350] =	vst v1  }
0x18: {  	[tilespmem:$0x5340] =	vst v1  }
0x19: {  	[tilespmem:$0x5330] =	vst v1  }
0x1a: {  	[tilespmem:$0x5320] =	vst v1  }
0x1b: {  	[tilespmem:$0x5310] =	vst v1  }
0x1c: {  	[tilespmem:$0x5300] =	vst v1  }
0x1d: {  	[tilespmem:$0x52F0] =	vst v1  }
0x1e: {  	[tilespmem:$0x52E0] =	vst v1  }
0x1f: {  	[tilespmem:$0x52D0] =	vst v1  }
0x20: {  	[tilespmem:$0x52C0] =	vst v1  }
0x21: {  	[tilespmem:$0x52B0] =	vst v1  }
0x22: {  	[tilespmem:$0x52A0] =	vst v1  }
0x23: {  	[tilespmem:$0x5290] =	vst v1  }
0x24: {  	[tilespmem:$0x5280] =	vst v1  }
0x25: {  	[tilespmem:$0x5270] =	vst v1  }
0x26: {  	[tilespmem:$0x5260] =	vst v1  }
0x27: {  	[tilespmem:$0x5250] =	vst v1  }
0x28: {  	[tilespmem:$0x5240] =	vst v1  }
0x29: {  	[tilespmem:$0x5230] =	vst v1  }
0x2a: {  	[tilespmem:$0x5220] =	vst v1  }
0x2b: {  	[tilespmem:$0x5210] =	vst v1  }
0x2c: {  	[tilespmem:$0x5200] =	vst v1  }
0x2d: {  	[tilespmem:$0x51F0] =	vst v0  }
0x2e: {  	[tilespmem:$0x51E0] =	vst v0  }
0x2f: {  	[tilespmem:$0x51D0] =	vst v0  }
0x30: {  	[tilespmem:$0x51C0] =	vst v0  }
0x31: {  	[tilespmem:$0x51B0] =	vst v0  }
0x32: {  	s10 =	simm.s32 $0x800;
	[tilespmem:$0x51A0] =	vst v0  }
0x33: {  	s11 =	simm.s32 $0xA00;
	[tilespmem:$0x5190] =	vst v0;
	[dreg:$0x9] =	wrdreg s10  }
0x34: {  	s12 =	simm.s32 $0xC00;
	[tilespmem:$0x5180] =	vst v0;
	[dreg:$0xa] =	wrdreg s11  }
0x35: {  	s13 =	simm.s32 $0xE00;
	[tilespmem:$0x5170] =	vst v0;
	[dreg:$0xb] =	wrdreg s12  }
0x36: {  	s14 =	simm.s32 $0x1000;
	[tilespmem:$0x5160] =	vst v0;
	[dreg:$0xc] =	wrdreg s13  }
0x37: {  	s15 =	simm.s32 $0x1200;
	[tilespmem:$0x5150] =	vst v0;
	[dreg:$0xd] =	wrdreg s14  }
0x38: {  	s16 =	simm.s32 $0x1400;
	[tilespmem:$0x5140] =	vst v0;
	[dreg:$0xe] =	wrdreg s15  }
0x39: {  	s17 =	simm.s32 $0x1600;
	[tilespmem:$0x5130] =	vst v0;
	[dreg:$0xf] =	wrdreg s16  }
0x3a: {  	s18 =	simm.s32 $0x1800;
	[tilespmem:$0x5120] =	vst v0;
	[dreg:$0x10] =	wrdreg s17  }
0x3b: {  	s19 =	simm.s32 $0x1A00;
	[tilespmem:$0x5110] =	vst v0;
	[dreg:$0x11] =	wrdreg s18  }
0x3c: {  	s4 =	srdreg.scid;
	s20 =	simm.s32 $0x1C00;
	[tilespmem:$0x5100] =	vst v0;
	[dreg:$0x12] =	wrdreg s19  }
0x3d: {  	s3 =	stileid.u32;
	s21 =	simm.s32 $0x1E00;
	[tilespmem:$0x50F0] =	vst v0;
	[dreg:$0x13] =	wrdreg s20  }
0x3e: {  	s22 =	simm.s32 $0x2000;
	s23 =	simm.s32 $0x2200;
	[tilespmem:$0x50E0] =	vst v0;
	[dreg:$0x14] =	wrdreg s21  }
0x3f: {  	s24 =	simm.s32 $0x2400;
	s25 =	simm.s32 $0x2600;
	[tilespmem:$0x50D0] =	vst v0;
	[dreg:$0x15] =	wrdreg s22  }
0x40: {  	s26 =	simm.s32 $0x2800;
	s7 =	sadd.s32 $0x21000, s6;
	[tilespmem:$0x50C0] =	vst v0;
	[dreg:$0x16] =	wrdreg s23  }
0x41: {  	s28 =	sand.u32 $0x1, s4;
	s4 =	smul.u32 $0x280, s3;
	[tilespmem:$0x50B0] =	vst v0;
	[dreg:$0x17] =	wrdreg s24  }
0x42: {  	s8 =	sadd.s32 $0xD000, s6;
	s9 =	smul.u32 $0xA00, s3;
	[tilespmem:$0x50A0] =	vst v0;
	[dreg:$0x18] =	wrdreg s25  }
0x43: {  	s6 =	sadd.s32 $0x2B000, s6;
	p0 =	seq.s32 s28, $0x0;
	[tilespmem:$0x5090] =	vst v0;
	[dreg:$0x19] =	wrdreg s26  }
0x44: {  	[tilespmem:$0x5080] =	vst v0;
	s8 =	smov.u32 @p0 s7;
	s0 =	sshrl.u32 s4, $0x3;
	s7 =	simm.s32 $0x5200  }
0x45: {  	[tilespmem:$0x5070] =	vst v0;
	s6 =	smov.u32 @p0 s5;
	s8 =	sadd.s32 s8, s9;
	[dreg:$0x6] =	wrdreg s7  }
0x46: {  	[tilespmem:$0x5060] =	vst v0;
	s5 =	sadd.s32 s6, s0;
	[dreg:$0x4] =	wrdreg s8  }
0x47: {  	[tilespmem:$0x5050] =	vst v0;
	s9 =	simm.s32 $0x600;
	[dreg:$0x5] =	wrdreg s5  }
0x48: {  	[tilespmem:$0x5040] =	vst v0;
	[dreg:$0x8] =	wrdreg s9  }
0x49: {  	[tilespmem:$0x5030] =	vst v0;
	s0 =	simm.s32 $0x2A00;
	s31 =	rddreg [dreg:$0x6]  }
0x4a: {  	[tilespmem:$0x5020] =	vst v0;
	s8 =	simm.s32 $0x400;
	[dreg:$0x1a] =	wrdreg s0  }
0x4b: {  	[tilespmem:$0x5010] =	vst v0;
	s5 =	sadd.s32 s4, s1;
	s4 =	simm.s32 $0x2;
	[dreg:$0x7] =	wrdreg s8  }
0x4c: {  	[spmem:s5] =	stream.linear.scatter [tilespmem:s31], [sflag:$0x2], $0x280, $0x38;
	[tilespmem:$0x5700] =	vst v63  }
0x4d: {  	_ =	swait.ge [sflag:s4], $0x280  }
0x4e: {  	[sflag:s4] =	ssyncset.done $0x0  }
0x4f: {  	s8 =	rddreg [dreg:$0x4];
	[sflag:s4] =	ssyncadd.s32 $0xFFFFFD80  }
0x50: {  	[tilespmem:s2], [sflag:$0x2] =	stream.linear.gather [hbm4b:s8+s2], $0x5000, $0x38;
	[tilespmem:$0x5700] =	vst v63  }
0x51: {  	_ =	swait.ge [sflag:s4], $0x5000  }
0x52: {  	[sflag:s4] =	ssyncset.done $0x0  }
0x53: {  	[sflag:s4] =	ssyncadd.s32 $0xFFFFB000  }
0x54: {  	s6 =	simm.s32 $0x200;
	s7 =	simm.s32 $0x5000;
	[bflag:$0x0] =	sbarrier.arrive $0xFFFF  }
0x55: {  	[spmem:s1] =	stream.indirect.scatter.add.f32 [tilespmem:s7], [sflag:$0x1], $0x1, s2, s6, $0xb8;
	[tilespmem:$0x5700] =	vst v63  }
0x56: {  	_ = 	snop  }
0x57: {  	[spmem:s1] =	stream.indirect.scatter.add.f32 [tilespmem:s7], [sflag:$0x1], $0x1, s6, s6, $0xb8;
	[tilespmem:$0x5700] =	vst v63  }
0x58: {  	s9 =	rddreg [dreg:$0x7]  }
0x59: {  	[spmem:s1] =	stream.indirect.scatter.add.f32 [tilespmem:s7], [sflag:$0x1], $0x1, s9, s6, $0xb8;
	[tilespmem:$0x5700] =	vst v63  }
0x5a: {  	s10 =	rddreg [dreg:$0x8]  }
0x5b: {  	[spmem:s1] =	stream.indirect.scatter.add.f32 [tilespmem:s7], [sflag:$0x1], $0x1, s10, s6, $0xb8;
	[tilespmem:$0x5700] =	vst v63  }
0x5c: {  	s11 =	rddreg [dreg:$0x9]  }
0x5d: {  	[spmem:s1] =	stream.indirect.scatter.add.f32 [tilespmem:s7], [sflag:$0x1], $0x1, s11, s6, $0xb8;
	[tilespmem:$0x5700] =	vst v63  }
0x5e: {  	s12 =	rddreg [dreg:$0xa]  }
0x5f: {  	[spmem:s1] =	stream.indirect.scatter.add.f32 [tilespmem:s7], [sflag:$0x1], $0x1, s12, s6, $0xb8;
	[tilespmem:$0x5700] =	vst v63  }
0x60: {  	s13 =	rddreg [dreg:$0xb]  }
0x61: {  	[spmem:s1] =	stream.indirect.scatter.add.f32 [tilespmem:s7], [sflag:$0x1], $0x1, s13, s6, $0xb8;
	[tilespmem:$0x5700] =	vst v63  }
0x62: {  	s8 =	simm.s32 $0x1;
	s14 =	rddreg [dreg:$0xc]  }
0x63: {  	[spmem:s1] =	stream.indirect.scatter.add.f32 [tilespmem:s7], [sflag:$0x1], $0x1, s14, s6, $0xb8;
	[tilespmem:$0x5700] =	vst v63  }
0x64: {  	_ =	swait.ge [sflag:s8], $0x200  }
0x65: {  	[sflag:s8] =	ssyncset.done $0x0  }
0x66: {  	[sflag:s8] =	ssyncadd.s32 $0xFFFFFE00  }
0x67: {  	_ =	swait.ge [sflag:s8], $0x200  }
0x68: {  	[sflag:s8] =	ssyncset.done $0x0  }
0x69: {  	[sflag:s8] =	ssyncadd.s32 $0xFFFFFE00  }
0x6a: {  	_ =	swait.ge [sflag:s8], $0x200  }
0x6b: {  	[sflag:s8] =	ssyncset.done $0x0  }
0x6c: {  	[sflag:s8] =	ssyncadd.s32 $0xFFFFFE00  }
0x6d: {  	_ =	swait.ge [sflag:s8], $0x200  }
0x6e: {  	[sflag:s8] =	ssyncset.done $0x0  }
0x6f: {  	[sflag:s8] =	ssyncadd.s32 $0xFFFFFE00  }
0x70: {  	_ =	swait.ge [sflag:s8], $0x200  }
0x71: {  	[sflag:s8] =	ssyncset.done $0x0  }
0x72: {  	[sflag:s8] =	ssyncadd.s32 $0xFFFFFE00  }
0x73: {  	_ =	swait.ge [sflag:s8], $0x200  }
0x74: {  	[sflag:s8] =	ssyncset.done $0x0  }
0x75: {  	[sflag:s8] =	ssyncadd.s32 $0xFFFFFE00  }
0x76: {  	_ =	swait.ge [sflag:s8], $0x200  }
0x77: {  	[sflag:s8] =	ssyncset.done $0x0  }
0x78: {  	[sflag:s8] =	ssyncadd.s32 $0xFFFFFE00  }
0x79: {  	_ =	swait.ge [sflag:s8], $0x200  }
0x7a: {  	[sflag:s8] =	ssyncset.done $0x0  }
0x7b: {  	s15 =	rddreg [dreg:$0xd];
	[sflag:s8] =	ssyncadd.s32 $0xFFFFFE00  }
0x7c: {  	[spmem:s1] =	stream.indirect.scatter.add.f32 [tilespmem:s7], [sflag:$0x1], $0x1, s15, s6, $0xb8;
	[tilespmem:$0x5700] =	vst v63  }
0x7d: {  	s10 =	rddreg [dreg:$0xe]  }
0x7e: {  	[spmem:s1] =	stream.indirect.scatter.add.f32 [tilespmem:s7], [sflag:$0x1], $0x1, s10, s6, $0xb8;
	[tilespmem:$0x5700] =	vst v63  }
0x7f: {  	s16 =	rddreg [dreg:$0xf]  }
0x80: {  	[spmem:s1] =	stream.indirect.scatter.add.f32 [tilespmem:s7], [sflag:$0x1], $0x1, s16, s6, $0xb8;
	[tilespmem:$0x5700] =	vst v63  }
0x81: {  	s17 =	rddreg [dreg:$0x10]  }
0x82: {  	[spmem:s1] =	stream.indirect.scatter.add.f32 [tilespmem:s7], [sflag:$0x1], $0x1, s17, s6, $0xb8;
	[tilespmem:$0x5700] =	vst v63  }
0x83: {  	s18 =	rddreg [dreg:$0x11]  }
0x84: {  	[spmem:s1] =	stream.indirect.scatter.add.f32 [tilespmem:s7], [sflag:$0x1], $0x1, s18, s6, $0xb8;
	[tilespmem:$0x5700] =	vst v63  }
0x85: {  	s19 =	rddreg [dreg:$0x12]  }
0x86: {  	[spmem:s1] =	stream.indirect.scatter.add.f32 [tilespmem:s7], [sflag:$0x1], $0x1, s19, s6, $0xb8;
	[tilespmem:$0x5700] =	vst v63  }
0x87: {  	s20 =	rddreg [dreg:$0x13]  }
0x88: {  	[spmem:s1] =	stream.indirect.scatter.add.f32 [tilespmem:s7], [sflag:$0x1], $0x1, s20, s6, $0xb8;
	[tilespmem:$0x5700] =	vst v63  }
0x89: {  	s21 =	rddreg [dreg:$0x14]  }
0x8a: {  	[spmem:s1] =	stream.indirect.scatter.add.f32 [tilespmem:s7], [sflag:$0x1], $0x1, s21, s6, $0xb8;
	[tilespmem:$0x5700] =	vst v63  }
0x8b: {  	_ =	swait.ge [sflag:s8], $0x200  }
0x8c: {  	[sflag:s8] =	ssyncset.done $0x0  }
0x8d: {  	[sflag:s8] =	ssyncadd.s32 $0xFFFFFE00  }
0x8e: {  	_ =	swait.ge [sflag:s8], $0x200  }
0x8f: {  	[sflag:s8] =	ssyncset.done $0x0  }
0x90: {  	[sflag:s8] =	ssyncadd.s32 $0xFFFFFE00  }
0x91: {  	_ =	swait.ge [sflag:s8], $0x200  }
0x92: {  	[sflag:s8] =	ssyncset.done $0x0  }
0x93: {  	[sflag:s8] =	ssyncadd.s32 $0xFFFFFE00  }
0x94: {  	_ =	swait.ge [sflag:s8], $0x200  }
0x95: {  	[sflag:s8] =	ssyncset.done $0x0  }
0x96: {  	[sflag:s8] =	ssyncadd.s32 $0xFFFFFE00  }
0x97: {  	_ =	swait.ge [sflag:s8], $0x200  }
0x98: {  	[sflag:s8] =	ssyncset.done $0x0  }
0x99: {  	[sflag:s8] =	ssyncadd.s32 $0xFFFFFE00  }
0x9a: {  	_ =	swait.ge [sflag:s8], $0x200  }
0x9b: {  	[sflag:s8] =	ssyncset.done $0x0  }
0x9c: {  	[sflag:s8] =	ssyncadd.s32 $0xFFFFFE00  }
0x9d: {  	_ =	swait.ge [sflag:s8], $0x200  }
0x9e: {  	[sflag:s8] =	ssyncset.done $0x0  }
0x9f: {  	[sflag:s8] =	ssyncadd.s32 $0xFFFFFE00  }
0xa0: {  	_ =	swait.ge [sflag:s8], $0x200  }
0xa1: {  	[sflag:s8] =	ssyncset.done $0x0  }
0xa2: {  	s22 =	rddreg [dreg:$0x15];
	[sflag:s8] =	ssyncadd.s32 $0xFFFFFE00  }
0xa3: {  	[spmem:s1] =	stream.indirect.scatter.add.f32 [tilespmem:s7], [sflag:$0x1], $0x1, s22, s6, $0xb8;
	[tilespmem:$0x5700] =	vst v63  }
0xa4: {  	s23 =	rddreg [dreg:$0x16]  }
0xa5: {  	[spmem:s1] =	stream.indirect.scatter.add.f32 [tilespmem:s7], [sflag:$0x1], $0x1, s23, s6, $0xb8;
	[tilespmem:$0x5700] =	vst v63  }
0xa6: {  	s24 =	rddreg [dreg:$0x17]  }
0xa7: {  	[spmem:s1] =	stream.indirect.scatter.add.f32 [tilespmem:s7], [sflag:$0x1], $0x1, s24, s6, $0xb8;
	[tilespmem:$0x5700] =	vst v63  }
0xa8: {  	s25 =	rddreg [dreg:$0x18]  }
0xa9: {  	[spmem:s1] =	stream.indirect.scatter.add.f32 [tilespmem:s7], [sflag:$0x1], $0x1, s25, s6, $0xb8;
	[tilespmem:$0x5700] =	vst v63  }
0xaa: {  	s26 =	rddreg [dreg:$0x19]  }
0xab: {  	[spmem:s1] =	stream.indirect.scatter.add.f32 [tilespmem:s7], [sflag:$0x1], $0x1, s26, s6, $0xb8;
	[tilespmem:$0x5700] =	vst v63  }
0xac: {  	s31 =	rddreg [dreg:$0x1a]  }
0xad: {  	[spmem:s1] =	stream.indirect.scatter.add.f32 [tilespmem:s7], [sflag:$0x1], $0x1, s31, s6, $0xb8;
	[tilespmem:$0x5700] =	vst v63  }
0xae: {  	s9 =	simm.s32 $0x2C00  }
0xaf: {  	[spmem:s1] =	stream.indirect.scatter.add.f32 [tilespmem:s7], [sflag:$0x1], $0x1, s9, s6, $0xb8;
	[tilespmem:$0x5700] =	vst v63  }
0xb0: {  	s10 =	simm.s32 $0x2E00  }
0xb1: {  	[spmem:s1] =	stream.indirect.scatter.add.f32 [tilespmem:s7], [sflag:$0x1], $0x1, s10, s6, $0xb8;
	[tilespmem:$0x5700] =	vst v63  }
0xb2: {  	_ =	swait.ge [sflag:s8], $0x200  }
0xb3: {  	[sflag:s8] =	ssyncset.done $0x0  }
0xb4: {  	[sflag:s8] =	ssyncadd.s32 $0xFFFFFE00  }
0xb5: {  	_ =	swait.ge [sflag:s8], $0x200  }
0xb6: {  	[sflag:s8] =	ssyncset.done $0x0  }
0xb7: {  	[sflag:s8] =	ssyncadd.s32 $0xFFFFFE00  }
0xb8: {  	_ =	swait.ge [sflag:s8], $0x200  }
0xb9: {  	[sflag:s8] =	ssyncset.done $0x0  }
0xba: {  	[sflag:s8] =	ssyncadd.s32 $0xFFFFFE00  }
0xbb: {  	_ =	swait.ge [sflag:s8], $0x200  }
0xbc: {  	[sflag:s8] =	ssyncset.done $0x0  }
0xbd: {  	[sflag:s8] =	ssyncadd.s32 $0xFFFFFE00  }
0xbe: {  	_ =	swait.ge [sflag:s8], $0x200  }
0xbf: {  	[sflag:s8] =	ssyncset.done $0x0  }
0xc0: {  	[sflag:s8] =	ssyncadd.s32 $0xFFFFFE00  }
0xc1: {  	_ =	swait.ge [sflag:s8], $0x200  }
0xc2: {  	[sflag:s8] =	ssyncset.done $0x0  }
0xc3: {  	[sflag:s8] =	ssyncadd.s32 $0xFFFFFE00  }
0xc4: {  	_ =	swait.ge [sflag:s8], $0x200  }
0xc5: {  	[sflag:s8] =	ssyncset.done $0x0  }
0xc6: {  	[sflag:s8] =	ssyncadd.s32 $0xFFFFFE00  }
0xc7: {  	_ =	swait.ge [sflag:s8], $0x200  }
0xc8: {  	[sflag:s8] =	ssyncset.done $0x0  }
0xc9: {  	s11 =	simm.s32 $0x3000;
	[sflag:s8] =	ssyncadd.s32 $0xFFFFFE00  }
0xca: {  	[spmem:s1] =	stream.indirect.scatter.add.f32 [tilespmem:s7], [sflag:$0x1], $0x1, s11, s6, $0xb8;
	[tilespmem:$0x5700] =	vst v63  }
0xcb: {  	s12 =	simm.s32 $0x3200  }
0xcc: {  	[spmem:s1] =	stream.indirect.scatter.add.f32 [tilespmem:s7], [sflag:$0x1], $0x1, s12, s6, $0xb8;
	[tilespmem:$0x5700] =	vst v63  }
0xcd: {  	s13 =	simm.s32 $0x3400  }
0xce: {  	[spmem:s1] =	stream.indirect.scatter.add.f32 [tilespmem:s7], [sflag:$0x1], $0x1, s13, s6, $0xb8;
	[tilespmem:$0x5700] =	vst v63  }
0xcf: {  	s14 =	simm.s32 $0x3600  }
0xd0: {  	[spmem:s1] =	stream.indirect.scatter.add.f32 [tilespmem:s7], [sflag:$0x1], $0x1, s14, s6, $0xb8;
	[tilespmem:$0x5700] =	vst v63  }
0xd1: {  	s15 =	simm.s32 $0x3800  }
0xd2: {  	[spmem:s1] =	stream.indirect.scatter.add.f32 [tilespmem:s7], [sflag:$0x1], $0x1, s15, s6, $0xb8;
	[tilespmem:$0x5700] =	vst v63  }
0xd3: {  	s16 =	simm.s32 $0x3A00  }
0xd4: {  	[spmem:s1] =	stream.indirect.scatter.add.f32 [tilespmem:s7], [sflag:$0x1], $0x1, s16, s6, $0xb8;
	[tilespmem:$0x5700] =	vst v63  }
0xd5: {  	s17 =	simm.s32 $0x3C00  }
0xd6: {  	[spmem:s1] =	stream.indirect.scatter.add.f32 [tilespmem:s7], [sflag:$0x1], $0x1, s17, s6, $0xb8;
	[tilespmem:$0x5700] =	vst v63  }
0xd7: {  	s18 =	simm.s32 $0x3E00  }
0xd8: {  	[spmem:s1] =	stream.indirect.scatter.add.f32 [tilespmem:s7], [sflag:$0x1], $0x1, s18, s6, $0xb8;
	[tilespmem:$0x5700] =	vst v63  }
0xd9: {  	_ =	swait.ge [sflag:s8], $0x200  }
0xda: {  	[sflag:s8] =	ssyncset.done $0x0  }
0xdb: {  	[sflag:s8] =	ssyncadd.s32 $0xFFFFFE00  }
0xdc: {  	_ =	swait.ge [sflag:s8], $0x200  }
0xdd: {  	[sflag:s8] =	ssyncset.done $0x0  }
0xde: {  	[sflag:s8] =	ssyncadd.s32 $0xFFFFFE00  }
0xdf: {  	_ =	swait.ge [sflag:s8], $0x200  }
0xe0: {  	[sflag:s8] =	ssyncset.done $0x0  }
0xe1: {  	[sflag:s8] =	ssyncadd.s32 $0xFFFFFE00  }
0xe2: {  	_ =	swait.ge [sflag:s8], $0x200  }
0xe3: {  	[sflag:s8] =	ssyncset.done $0x0  }
0xe4: {  	[sflag:s8] =	ssyncadd.s32 $0xFFFFFE00  }
0xe5: {  	_ =	swait.ge [sflag:s8], $0x200  }
0xe6: {  	[sflag:s8] =	ssyncset.done $0x0  }
0xe7: {  	[sflag:s8] =	ssyncadd.s32 $0xFFFFFE00  }
0xe8: {  	_ =	swait.ge [sflag:s8], $0x200  }
0xe9: {  	[sflag:s8] =	ssyncset.done $0x0  }
0xea: {  	[sflag:s8] =	ssyncadd.s32 $0xFFFFFE00  }
0xeb: {  	_ =	swait.ge [sflag:s8], $0x200  }
0xec: {  	[sflag:s8] =	ssyncset.done $0x0  }
0xed: {  	[sflag:s8] =	ssyncadd.s32 $0xFFFFFE00  }
0xee: {  	_ =	swait.ge [sflag:s8], $0x200  }
0xef: {  	[sflag:s8] =	ssyncset.done $0x0  }
0xf0: {  	s19 =	simm.s32 $0x4000;
	[sflag:s8] =	ssyncadd.s32 $0xFFFFFE00  }
0xf1: {  	[spmem:s1] =	stream.indirect.scatter.add.f32 [tilespmem:s7], [sflag:$0x1], $0x1, s19, s6, $0xb8;
	[tilespmem:$0x5700] =	vst v63  }
0xf2: {  	s20 =	simm.s32 $0x4200  }
0xf3: {  	[spmem:s1] =	stream.indirect.scatter.add.f32 [tilespmem:s7], [sflag:$0x1], $0x1, s20, s6, $0xb8;
	[tilespmem:$0x5700] =	vst v63  }
0xf4: {  	s21 =	simm.s32 $0x4400  }
0xf5: {  	[spmem:s1] =	stream.indirect.scatter.add.f32 [tilespmem:s7], [sflag:$0x1], $0x1, s21, s6, $0xb8;
	[tilespmem:$0x5700] =	vst v63  }
0xf6: {  	s22 =	simm.s32 $0x4600  }
0xf7: {  	[spmem:s1] =	stream.indirect.scatter.add.f32 [tilespmem:s7], [sflag:$0x1], $0x1, s22, s6, $0xb8;
	[tilespmem:$0x5700] =	vst v63  }
0xf8: {  	s23 =	simm.s32 $0x4800  }
0xf9: {  	[spmem:s1] =	stream.indirect.scatter.add.f32 [tilespmem:s7], [sflag:$0x1], $0x1, s23, s6, $0xb8;
	[tilespmem:$0x5700] =	vst v63  }
0xfa: {  	s24 =	simm.s32 $0x4A00  }
0xfb: {  	[spmem:s1] =	stream.indirect.scatter.add.f32 [tilespmem:s7], [sflag:$0x1], $0x1, s24, s6, $0xb8;
	[tilespmem:$0x5700] =	vst v63  }
0xfc: {  	s25 =	simm.s32 $0x4C00  }
0xfd: {  	[spmem:s1] =	stream.indirect.scatter.add.f32 [tilespmem:s7], [sflag:$0x1], $0x1, s25, s6, $0xb8;
	[tilespmem:$0x5700] =	vst v63  }
0xfe: {  	s26 =	simm.s32 $0x4E00  }
0xff: {  	[spmem:s1] =	stream.indirect.scatter.add.f32 [tilespmem:s7], [sflag:$0x1], $0x1, s26, s6, $0xb8;
	[tilespmem:$0x5700] =	vst v63  }
0x100: {  	_ =	swait.ge [sflag:s8], $0x200  }
0x101: {  	[sflag:s8] =	ssyncset.done $0x0  }
0x102: {  	[sflag:s8] =	ssyncadd.s32 $0xFFFFFE00  }
0x103: {  	_ =	swait.ge [sflag:s8], $0x200  }
0x104: {  	[sflag:s8] =	ssyncset.done $0x0  }
0x105: {  	[sflag:s8] =	ssyncadd.s32 $0xFFFFFE00  }
0x106: {  	_ =	swait.ge [sflag:s8], $0x200  }
0x107: {  	[sflag:s8] =	ssyncset.done $0x0  }
0x108: {  	[sflag:s8] =	ssyncadd.s32 $0xFFFFFE00  }
0x109: {  	_ =	swait.ge [sflag:s8], $0x200  }
0x10a: {  	[sflag:s8] =	ssyncset.done $0x0  }
0x10b: {  	[sflag:s8] =	ssyncadd.s32 $0xFFFFFE00  }
0x10c: {  	_ =	swait.ge [sflag:s8], $0x200  }
0x10d: {  	[sflag:s8] =	ssyncset.done $0x0  }
0x10e: {  	[sflag:s8] =	ssyncadd.s32 $0xFFFFFE00  }
0x10f: {  	_ =	swait.ge [sflag:s8], $0x200  }
0x110: {  	[sflag:s8] =	ssyncset.done $0x0  }
0x111: {  	[sflag:s8] =	ssyncadd.s32 $0xFFFFFE00  }
0x112: {  	_ =	swait.ge [sflag:s8], $0x200  }
0x113: {  	s28 =	ssub.s32 $0x2, s28;
	[sflag:s8] =	ssyncset.done $0x0  }
0x114: {  	s29 =	sshrl.u32 s28, $0x1;
	[sflag:s8] =	ssyncadd.s32 $0xFFFFFE00  }
0x115: {  	s0 =	ssub.s32 s28, s29;
	_ =	swait.ge [sflag:s8], $0x200  }
0x116: {  	s0 =	smax.u32 s0, $0x1;
	[sflag:s8] =	ssyncset.done $0x0  }
0x117: {  	p0 =	sne.s32 s0, $0x1;
	[sflag:s8] =	ssyncadd.s32 $0xFFFFFE00  }
.Ltmp0:
0x118: {  	s31 =	sshll.u32 s3, $0x6;
	[bflag:$0x0] =	sbarrier.arrive $0xFFFF;
	(pc) =	sbr.rel @!p0 .LBB2_2-.Ltmp0, $4  }
0x119: {  	s29 =	sshrl.u32 s5, $0x3;
	s28 =	sor.u32 $0x1C02, s31;
	s30 =	rddreg [dreg:$0x5]  }
0x11a: {  	[hbm:s30], [sflag:s28] =	dma.local [spmem:s29], $0x50  }
0x11b: {  	_ =	swait.ge [sflag:s4], $0x50  }
0x11c: {  	s30 =	sadd.s32 $0xFFFFFFFF, s0;
	[sflag:s4] =	ssyncset.done $0x0  }
.LBB2_1:
0x11d: {  	[sflag:s4] =	ssyncadd.s32 $0xFFFFFFB0  }
0x11e: {  	[tilespmem:$0x5000] =	vst v0  }
0x11f: {  	[tilespmem:$0x5470] =	vst v1  }
0x120: {  	[tilespmem:$0x5460] =	vst v1  }
0x121: {  	[tilespmem:$0x5450] =	vst v1  }
0x122: {  	[tilespmem:$0x5440] =	vst v1  }
0x123: {  	[tilespmem:$0x5430] =	vst v1  }
0x124: {  	[tilespmem:$0x5420] =	vst v1  }
0x125: {  	[tilespmem:$0x5410] =	vst v1  }
0x126: {  	[tilespmem:$0x5400] =	vst v1  }
0x127: {  	[tilespmem:$0x53F0] =	vst v1  }
0x128: {  	[tilespmem:$0x53E0] =	vst v1  }
0x129: {  	[tilespmem:$0x53D0] =	vst v1  }
0x12a: {  	[tilespmem:$0x53C0] =	vst v1  }
0x12b: {  	[tilespmem:$0x53B0] =	vst v1  }
0x12c: {  	[tilespmem:$0x53A0] =	vst v1  }
0x12d: {  	[tilespmem:$0x5390] =	vst v1  }
0x12e: {  	[tilespmem:$0x5380] =	vst v1  }
0x12f: {  	[tilespmem:$0x5370] =	vst v1  }
0x130: {  	[tilespmem:$0x5360] =	vst v1  }
0x131: {  	[tilespmem:$0x5350] =	vst v1  }
0x132: {  	[tilespmem:$0x5340] =	vst v1  }
0x133: {  	[tilespmem:$0x5330] =	vst v1  }
0x134: {  	[tilespmem:$0x5320] =	vst v1  }
0x135: {  	[tilespmem:$0x5310] =	vst v1  }
0x136: {  	[tilespmem:$0x5300] =	vst v1  }
0x137: {  	[tilespmem:$0x52F0] =	vst v1  }
0x138: {  	[tilespmem:$0x52E0] =	vst v1  }
0x139: {  	[tilespmem:$0x52D0] =	vst v1  }
0x13a: {  	[tilespmem:$0x52C0] =	vst v1  }
0x13b: {  	[tilespmem:$0x52B0] =	vst v1  }
0x13c: {  	[tilespmem:$0x52A0] =	vst v1  }
0x13d: {  	[tilespmem:$0x5290] =	vst v1  }
0x13e: {  	[tilespmem:$0x5280] =	vst v1  }
0x13f: {  	[tilespmem:$0x5270] =	vst v1  }
0x140: {  	[tilespmem:$0x5260] =	vst v1  }
0x141: {  	[tilespmem:$0x5250] =	vst v1  }
0x142: {  	[tilespmem:$0x5240] =	vst v1  }
0x143: {  	[tilespmem:$0x5230] =	vst v1  }
0x144: {  	[tilespmem:$0x5220] =	vst v1  }
0x145: {  	[tilespmem:$0x5210] =	vst v1  }
0x146: {  	[tilespmem:$0x5200] =	vst v1  }
0x147: {  	[tilespmem:$0x51F0] =	vst v0  }
0x148: {  	[tilespmem:$0x51E0] =	vst v0  }
0x149: {  	[tilespmem:$0x51D0] =	vst v0  }
0x14a: {  	[tilespmem:$0x51C0] =	vst v0  }
0x14b: {  	[tilespmem:$0x51B0] =	vst v0  }
0x14c: {  	[tilespmem:$0x51A0] =	vst v0  }
0x14d: {  	[tilespmem:$0x5190] =	vst v0  }
0x14e: {  	[tilespmem:$0x5180] =	vst v0  }
0x14f: {  	[tilespmem:$0x5170] =	vst v0  }
0x150: {  	[tilespmem:$0x5160] =	vst v0  }
0x151: {  	[tilespmem:$0x5150] =	vst v0  }
0x152: {  	[tilespmem:$0x5140] =	vst v0  }
0x153: {  	[tilespmem:$0x5130] =	vst v0  }
0x154: {  	[tilespmem:$0x5120] =	vst v0  }
0x155: {  	[tilespmem:$0x5110] =	vst v0  }
0x156: {  	[tilespmem:$0x5100] =	vst v0  }
0x157: {  	[tilespmem:$0x50F0] =	vst v0  }
0x158: {  	[tilespmem:$0x50E0] =	vst v0  }
0x159: {  	[tilespmem:$0x50D0] =	vst v0  }
0x15a: {  	[tilespmem:$0x50C0] =	vst v0  }
0x15b: {  	[tilespmem:$0x50B0] =	vst v0  }
0x15c: {  	[tilespmem:$0x50A0] =	vst v0  }
0x15d: {  	[tilespmem:$0x5090] =	vst v0  }
0x15e: {  	[tilespmem:$0x5080] =	vst v0  }
0x15f: {  	[tilespmem:$0x5070] =	vst v0  }
0x160: {  	[tilespmem:$0x5060] =	vst v0  }
0x161: {  	[tilespmem:$0x5050] =	vst v0  }
0x162: {  	[tilespmem:$0x5040] =	vst v0  }
0x163: {  	[tilespmem:$0x5030] =	vst v0  }
0x164: {  	[tilespmem:$0x5020] =	vst v0  }
0x165: {  	s0 =	rddreg [dreg:$0x6];
	[tilespmem:$0x5010] =	vst v0  }
0x166: {  	[spmem:s5] =	stream.linear.scatter [tilespmem:s0], [sflag:$0x2], $0x280, $0x38;
	[tilespmem:$0x5700] =	vst v63  }
0x167: {  	_ =	swait.ge [sflag:s4], $0x280  }
0x168: {  	[sflag:s4] =	ssyncset.done $0x0  }
0x169: {  	s31 =	rddreg [dreg:$0x4];
	[sflag:s4] =	ssyncadd.s32 $0xFFFFFD80  }
0x16a: {  	[tilespmem:s2], [sflag:$0x2] =	stream.linear.gather [hbm4b:s31+s2], $0x5000, $0x38;
	[tilespmem:$0x5700] =	vst v63  }
0x16b: {  	_ =	swait.ge [sflag:s4], $0x5000  }
0x16c: {  	[sflag:s4] =	ssyncset.done $0x0  }
0x16d: {  	[sflag:s4] =	ssyncadd.s32 $0xFFFFB000  }
0x16e: {  	[bflag:$0x0] =	sbarrier.arrive $0xFFFF  }
0x16f: {  	[spmem:s1] =	stream.indirect.scatter.add.f32 [tilespmem:s7], [sflag:$0x1], $0x1, s2, s6, $0xb8;
	[tilespmem:$0x5700] =	vst v63  }
0x170: {  	_ = 	snop  }
0x171: {  	[spmem:s1] =	stream.indirect.scatter.add.f32 [tilespmem:s7], [sflag:$0x1], $0x1, s6, s6, $0xb8;
	[tilespmem:$0x5700] =	vst v63  }
0x172: {  	s0 =	rddreg [dreg:$0x7]  }
0x173: {  	[spmem:s1] =	stream.indirect.scatter.add.f32 [tilespmem:s7], [sflag:$0x1], $0x1, s0, s6, $0xb8;
	[tilespmem:$0x5700] =	vst v63  }
0x174: {  	s31 =	rddreg [dreg:$0x8]  }
0x175: {  	[spmem:s1] =	stream.indirect.scatter.add.f32 [tilespmem:s7], [sflag:$0x1], $0x1, s31, s6, $0xb8;
	[tilespmem:$0x5700] =	vst v63  }
0x176: {  	s0 =	rddreg [dreg:$0x9]  }
0x177: {  	[spmem:s1] =	stream.indirect.scatter.add.f32 [tilespmem:s7], [sflag:$0x1], $0x1, s0, s6, $0xb8;
	[tilespmem:$0x5700] =	vst v63  }
0x178: {  	s31 =	rddreg [dreg:$0xa]  }
0x179: {  	[spmem:s1] =	stream.indirect.scatter.add.f32 [tilespmem:s7], [sflag:$0x1], $0x1, s31, s6, $0xb8;
	[tilespmem:$0x5700] =	vst v63  }
0x17a: {  	s0 =	rddreg [dreg:$0xb]  }
0x17b: {  	[spmem:s1] =	stream.indirect.scatter.add.f32 [tilespmem:s7], [sflag:$0x1], $0x1, s0, s6, $0xb8;
	[tilespmem:$0x5700] =	vst v63  }
0x17c: {  	s31 =	rddreg [dreg:$0xc]  }
0x17d: {  	[spmem:s1] =	stream.indirect.scatter.add.f32 [tilespmem:s7], [sflag:$0x1], $0x1, s31, s6, $0xb8;
	[tilespmem:$0x5700] =	vst v63  }
0x17e: {  	_ =	swait.ge [sflag:s8], $0x200  }
0x17f: {  	[sflag:s8] =	ssyncset.done $0x0  }
0x180: {  	[sflag:s8] =	ssyncadd.s32 $0xFFFFFE00  }
0x181: {  	_ =	swait.ge [sflag:s8], $0x200  }
0x182: {  	[sflag:s8] =	ssyncset.done $0x0  }
0x183: {  	[sflag:s8] =	ssyncadd.s32 $0xFFFFFE00  }
0x184: {  	_ =	swait.ge [sflag:s8], $0x200  }
0x185: {  	[sflag:s8] =	ssyncset.done $0x0  }
0x186: {  	[sflag:s8] =	ssyncadd.s32 $0xFFFFFE00  }
0x187: {  	_ =	swait.ge [sflag:s8], $0x200  }
0x188: {  	[sflag:s8] =	ssyncset.done $0x0  }
0x189: {  	[sflag:s8] =	ssyncadd.s32 $0xFFFFFE00  }
0x18a: {  	_ =	swait.ge [sflag:s8], $0x200  }
0x18b: {  	[sflag:s8] =	ssyncset.done $0x0  }
0x18c: {  	[sflag:s8] =	ssyncadd.s32 $0xFFFFFE00  }
0x18d: {  	_ =	swait.ge [sflag:s8], $0x200  }
0x18e: {  	[sflag:s8] =	ssyncset.done $0x0  }
0x18f: {  	[sflag:s8] =	ssyncadd.s32 $0xFFFFFE00  }
0x190: {  	_ =	swait.ge [sflag:s8], $0x200  }
0x191: {  	[sflag:s8] =	ssyncset.done $0x0  }
0x192: {  	[sflag:s8] =	ssyncadd.s32 $0xFFFFFE00  }
0x193: {  	_ =	swait.ge [sflag:s8], $0x200  }
0x194: {  	[sflag:s8] =	ssyncset.done $0x0  }
0x195: {  	s0 =	rddreg [dreg:$0xd];
	[sflag:s8] =	ssyncadd.s32 $0xFFFFFE00  }
0x196: {  	[spmem:s1] =	stream.indirect.scatter.add.f32 [tilespmem:s7], [sflag:$0x1], $0x1, s0, s6, $0xb8;
	[tilespmem:$0x5700] =	vst v63  }
0x197: {  	s31 =	rddreg [dreg:$0xe]  }
0x198: {  	[spmem:s1] =	stream.indirect.scatter.add.f32 [tilespmem:s7], [sflag:$0x1], $0x1, s31, s6, $0xb8;
	[tilespmem:$0x5700] =	vst v63  }
0x199: {  	s0 =	rddreg [dreg:$0xf]  }
0x19a: {  	[spmem:s1] =	stream.indirect.scatter.add.f32 [tilespmem:s7], [sflag:$0x1], $0x1, s0, s6, $0xb8;
	[tilespmem:$0x5700] =	vst v63  }
0x19b: {  	s31 =	rddreg [dreg:$0x10]  }
0x19c: {  	[spmem:s1] =	stream.indirect.scatter.add.f32 [tilespmem:s7], [sflag:$0x1], $0x1, s31, s6, $0xb8;
	[tilespmem:$0x5700] =	vst v63  }
0x19d: {  	s0 =	rddreg [dreg:$0x11]  }
0x19e: {  	[spmem:s1] =	stream.indirect.scatter.add.f32 [tilespmem:s7], [sflag:$0x1], $0x1, s0, s6, $0xb8;
	[tilespmem:$0x5700] =	vst v63  }
0x19f: {  	s31 =	rddreg [dreg:$0x12]  }
0x1a0: {  	[spmem:s1] =	stream.indirect.scatter.add.f32 [tilespmem:s7], [sflag:$0x1], $0x1, s31, s6, $0xb8;
	[tilespmem:$0x5700] =	vst v63  }
0x1a1: {  	s0 =	rddreg [dreg:$0x13]  }
0x1a2: {  	[spmem:s1] =	stream.indirect.scatter.add.f32 [tilespmem:s7], [sflag:$0x1], $0x1, s0, s6, $0xb8;
	[tilespmem:$0x5700] =	vst v63  }
0x1a3: {  	s31 =	rddreg [dreg:$0x14]  }
0x1a4: {  	[spmem:s1] =	stream.indirect.scatter.add.f32 [tilespmem:s7], [sflag:$0x1], $0x1, s31, s6, $0xb8;
	[tilespmem:$0x5700] =	vst v63  }
0x1a5: {  	_ =	swait.ge [sflag:s8], $0x200  }
0x1a6: {  	[sflag:s8] =	ssyncset.done $0x0  }
0x1a7: {  	[sflag:s8] =	ssyncadd.s32 $0xFFFFFE00  }
0x1a8: {  	_ =	swait.ge [sflag:s8], $0x200  }
0x1a9: {  	[sflag:s8] =	ssyncset.done $0x0  }
0x1aa: {  	[sflag:s8] =	ssyncadd.s32 $0xFFFFFE00  }
0x1ab: {  	_ =	swait.ge [sflag:s8], $0x200  }
0x1ac: {  	[sflag:s8] =	ssyncset.done $0x0  }
0x1ad: {  	[sflag:s8] =	ssyncadd.s32 $0xFFFFFE00  }
0x1ae: {  	_ =	swait.ge [sflag:s8], $0x200  }
0x1af: {  	[sflag:s8] =	ssyncset.done $0x0  }
0x1b0: {  	[sflag:s8] =	ssyncadd.s32 $0xFFFFFE00  }
0x1b1: {  	_ =	swait.ge [sflag:s8], $0x200  }
0x1b2: {  	[sflag:s8] =	ssyncset.done $0x0  }
0x1b3: {  	[sflag:s8] =	ssyncadd.s32 $0xFFFFFE00  }
0x1b4: {  	_ =	swait.ge [sflag:s8], $0x200  }
0x1b5: {  	[sflag:s8] =	ssyncset.done $0x0  }
0x1b6: {  	[sflag:s8] =	ssyncadd.s32 $0xFFFFFE00  }
0x1b7: {  	_ =	swait.ge [sflag:s8], $0x200  }
0x1b8: {  	[sflag:s8] =	ssyncset.done $0x0  }
0x1b9: {  	[sflag:s8] =	ssyncadd.s32 $0xFFFFFE00  }
0x1ba: {  	_ =	swait.ge [sflag:s8], $0x200  }
0x1bb: {  	[sflag:s8] =	ssyncset.done $0x0  }
0x1bc: {  	s0 =	rddreg [dreg:$0x15];
	[sflag:s8] =	ssyncadd.s32 $0xFFFFFE00  }
0x1bd: {  	[spmem:s1] =	stream.indirect.scatter.add.f32 [tilespmem:s7], [sflag:$0x1], $0x1, s0, s6, $0xb8;
	[tilespmem:$0x5700] =	vst v63  }
0x1be: {  	s31 =	rddreg [dreg:$0x16]  }
0x1bf: {  	[spmem:s1] =	stream.indirect.scatter.add.f32 [tilespmem:s7], [sflag:$0x1], $0x1, s31, s6, $0xb8;
	[tilespmem:$0x5700] =	vst v63  }
0x1c0: {  	s0 =	rddreg [dreg:$0x17]  }
0x1c1: {  	[spmem:s1] =	stream.indirect.scatter.add.f32 [tilespmem:s7], [sflag:$0x1], $0x1, s0, s6, $0xb8;
	[tilespmem:$0x5700] =	vst v63  }
0x1c2: {  	s31 =	rddreg [dreg:$0x18]  }
0x1c3: {  	[spmem:s1] =	stream.indirect.scatter.add.f32 [tilespmem:s7], [sflag:$0x1], $0x1, s31, s6, $0xb8;
	[tilespmem:$0x5700] =	vst v63  }
0x1c4: {  	s0 =	rddreg [dreg:$0x19]  }
0x1c5: {  	[spmem:s1] =	stream.indirect.scatter.add.f32 [tilespmem:s7], [sflag:$0x1], $0x1, s0, s6, $0xb8;
	[tilespmem:$0x5700] =	vst v63  }
0x1c6: {  	s31 =	rddreg [dreg:$0x1a]  }
0x1c7: {  	[spmem:s1] =	stream.indirect.scatter.add.f32 [tilespmem:s7], [sflag:$0x1], $0x1, s31, s6, $0xb8;
	[tilespmem:$0x5700] =	vst v63  }
0x1c8: {  	_ = 	snop  }
0x1c9: {  	[spmem:s1] =	stream.indirect.scatter.add.f32 [tilespmem:s7], [sflag:$0x1], $0x1, s9, s6, $0xb8;
	[tilespmem:$0x5700] =	vst v63  }
0x1ca: {  	_ = 	snop  }
0x1cb: {  	[spmem:s1] =	stream.indirect.scatter.add.f32 [tilespmem:s7], [sflag:$0x1], $0x1, s10, s6, $0xb8;
	[tilespmem:$0x5700] =	vst v63  }
0x1cc: {  	_ =	swait.ge [sflag:s8], $0x200  }
0x1cd: {  	[sflag:s8] =	ssyncset.done $0x0  }
0x1ce: {  	[sflag:s8] =	ssyncadd.s32 $0xFFFFFE00  }
0x1cf: {  	_ =	swait.ge [sflag:s8], $0x200  }
0x1d0: {  	[sflag:s8] =	ssyncset.done $0x0  }
0x1d1: {  	[sflag:s8] =	ssyncadd.s32 $0xFFFFFE00  }
0x1d2: {  	_ =	swait.ge [sflag:s8], $0x200  }
0x1d3: {  	[sflag:s8] =	ssyncset.done $0x0  }
0x1d4: {  	[sflag:s8] =	ssyncadd.s32 $0xFFFFFE00  }
0x1d5: {  	_ =	swait.ge [sflag:s8], $0x200  }
0x1d6: {  	[sflag:s8] =	ssyncset.done $0x0  }
0x1d7: {  	[sflag:s8] =	ssyncadd.s32 $0xFFFFFE00  }
0x1d8: {  	_ =	swait.ge [sflag:s8], $0x200  }
0x1d9: {  	[sflag:s8] =	ssyncset.done $0x0  }
0x1da: {  	[sflag:s8] =	ssyncadd.s32 $0xFFFFFE00  }
0x1db: {  	_ =	swait.ge [sflag:s8], $0x200  }
0x1dc: {  	[sflag:s8] =	ssyncset.done $0x0  }
0x1dd: {  	[sflag:s8] =	ssyncadd.s32 $0xFFFFFE00  }
0x1de: {  	_ =	swait.ge [sflag:s8], $0x200  }
0x1df: {  	[sflag:s8] =	ssyncset.done $0x0  }
0x1e0: {  	[sflag:s8] =	ssyncadd.s32 $0xFFFFFE00  }
0x1e1: {  	_ =	swait.ge [sflag:s8], $0x200  }
0x1e2: {  	[sflag:s8] =	ssyncset.done $0x0  }
0x1e3: {  	[sflag:s8] =	ssyncadd.s32 $0xFFFFFE00  }
0x1e4: {  	[spmem:s1] =	stream.indirect.scatter.add.f32 [tilespmem:s7], [sflag:$0x1], $0x1, s11, s6, $0xb8;
	[tilespmem:$0x5700] =	vst v63  }
0x1e5: {  	_ = 	snop  }
0x1e6: {  	[spmem:s1] =	stream.indirect.scatter.add.f32 [tilespmem:s7], [sflag:$0x1], $0x1, s12, s6, $0xb8;
	[tilespmem:$0x5700] =	vst v63  }
0x1e7: {  	_ = 	snop  }
0x1e8: {  	[spmem:s1] =	stream.indirect.scatter.add.f32 [tilespmem:s7], [sflag:$0x1], $0x1, s13, s6, $0xb8;
	[tilespmem:$0x5700] =	vst v63  }
0x1e9: {  	_ = 	snop  }
0x1ea: {  	[spmem:s1] =	stream.indirect.scatter.add.f32 [tilespmem:s7], [sflag:$0x1], $0x1, s14, s6, $0xb8;
	[tilespmem:$0x5700] =	vst v63  }
0x1eb: {  	_ = 	snop  }
0x1ec: {  	[spmem:s1] =	stream.indirect.scatter.add.f32 [tilespmem:s7], [sflag:$0x1], $0x1, s15, s6, $0xb8;
	[tilespmem:$0x5700] =	vst v63  }
0x1ed: {  	_ = 	snop  }
0x1ee: {  	[spmem:s1] =	stream.indirect.scatter.add.f32 [tilespmem:s7], [sflag:$0x1], $0x1, s16, s6, $0xb8;
	[tilespmem:$0x5700] =	vst v63  }
0x1ef: {  	_ = 	snop  }
0x1f0: {  	[spmem:s1] =	stream.indirect.scatter.add.f32 [tilespmem:s7], [sflag:$0x1], $0x1, s17, s6, $0xb8;
	[tilespmem:$0x5700] =	vst v63  }
0x1f1: {  	_ = 	snop  }
0x1f2: {  	[spmem:s1] =	stream.indirect.scatter.add.f32 [tilespmem:s7], [sflag:$0x1], $0x1, s18, s6, $0xb8;
	[tilespmem:$0x5700] =	vst v63  }
0x1f3: {  	_ =	swait.ge [sflag:s8], $0x200  }
0x1f4: {  	[sflag:s8] =	ssyncset.done $0x0  }
0x1f5: {  	[sflag:s8] =	ssyncadd.s32 $0xFFFFFE00  }
0x1f6: {  	_ =	swait.ge [sflag:s8], $0x200  }
0x1f7: {  	[sflag:s8] =	ssyncset.done $0x0  }
0x1f8: {  	[sflag:s8] =	ssyncadd.s32 $0xFFFFFE00  }
0x1f9: {  	_ =	swait.ge [sflag:s8], $0x200  }
0x1fa: {  	[sflag:s8] =	ssyncset.done $0x0  }
0x1fb: {  	[sflag:s8] =	ssyncadd.s32 $0xFFFFFE00  }
0x1fc: {  	_ =	swait.ge [sflag:s8], $0x200  }
0x1fd: {  	[sflag:s8] =	ssyncset.done $0x0  }
0x1fe: {  	[sflag:s8] =	ssyncadd.s32 $0xFFFFFE00  }
0x1ff: {  	_ =	swait.ge [sflag:s8], $0x200  }
0x200: {  	[sflag:s8] =	ssyncset.done $0x0  }
0x201: {  	[sflag:s8] =	ssyncadd.s32 $0xFFFFFE00  }
0x202: {  	_ =	swait.ge [sflag:s8], $0x200  }
0x203: {  	[sflag:s8] =	ssyncset.done $0x0  }
0x204: {  	[sflag:s8] =	ssyncadd.s32 $0xFFFFFE00  }
0x205: {  	_ =	swait.ge [sflag:s8], $0x200  }
0x206: {  	[sflag:s8] =	ssyncset.done $0x0  }
0x207: {  	[sflag:s8] =	ssyncadd.s32 $0xFFFFFE00  }
0x208: {  	_ =	swait.ge [sflag:s8], $0x200  }
0x209: {  	[sflag:s8] =	ssyncset.done $0x0  }
0x20a: {  	[sflag:s8] =	ssyncadd.s32 $0xFFFFFE00  }
0x20b: {  	[spmem:s1] =	stream.indirect.scatter.add.f32 [tilespmem:s7], [sflag:$0x1], $0x1, s19, s6, $0xb8;
	[tilespmem:$0x5700] =	vst v63  }
0x20c: {  	_ = 	snop  }
0x20d: {  	[spmem:s1] =	stream.indirect.scatter.add.f32 [tilespmem:s7], [sflag:$0x1], $0x1, s20, s6, $0xb8;
	[tilespmem:$0x5700] =	vst v63  }
0x20e: {  	_ = 	snop  }
0x20f: {  	[spmem:s1] =	stream.indirect.scatter.add.f32 [tilespmem:s7], [sflag:$0x1], $0x1, s21, s6, $0xb8;
	[tilespmem:$0x5700] =	vst v63  }
0x210: {  	_ = 	snop  }
0x211: {  	[spmem:s1] =	stream.indirect.scatter.add.f32 [tilespmem:s7], [sflag:$0x1], $0x1, s22, s6, $0xb8;
	[tilespmem:$0x5700] =	vst v63  }
0x212: {  	_ = 	snop  }
0x213: {  	[spmem:s1] =	stream.indirect.scatter.add.f32 [tilespmem:s7], [sflag:$0x1], $0x1, s23, s6, $0xb8;
	[tilespmem:$0x5700] =	vst v63  }
0x214: {  	_ = 	snop  }
0x215: {  	[spmem:s1] =	stream.indirect.scatter.add.f32 [tilespmem:s7], [sflag:$0x1], $0x1, s24, s6, $0xb8;
	[tilespmem:$0x5700] =	vst v63  }
0x216: {  	_ = 	snop  }
0x217: {  	[spmem:s1] =	stream.indirect.scatter.add.f32 [tilespmem:s7], [sflag:$0x1], $0x1, s25, s6, $0xb8;
	[tilespmem:$0x5700] =	vst v63  }
0x218: {  	_ = 	snop  }
0x219: {  	[spmem:s1] =	stream.indirect.scatter.add.f32 [tilespmem:s7], [sflag:$0x1], $0x1, s26, s6, $0xb8;
	[tilespmem:$0x5700] =	vst v63  }
0x21a: {  	_ =	swait.ge [sflag:s8], $0x200  }
0x21b: {  	[sflag:s8] =	ssyncset.done $0x0  }
0x21c: {  	[sflag:s8] =	ssyncadd.s32 $0xFFFFFE00  }
0x21d: {  	_ =	swait.ge [sflag:s8], $0x200  }
0x21e: {  	[sflag:s8] =	ssyncset.done $0x0  }
0x21f: {  	[sflag:s8] =	ssyncadd.s32 $0xFFFFFE00  }
0x220: {  	_ =	swait.ge [sflag:s8], $0x200  }
0x221: {  	[sflag:s8] =	ssyncset.done $0x0  }
0x222: {  	[sflag:s8] =	ssyncadd.s32 $0xFFFFFE00  }
0x223: {  	_ =	swait.ge [sflag:s8], $0x200  }
0x224: {  	[sflag:s8] =	ssyncset.done $0x0  }
0x225: {  	[sflag:s8] =	ssyncadd.s32 $0xFFFFFE00  }
0x226: {  	_ =	swait.ge [sflag:s8], $0x200  }
0x227: {  	[sflag:s8] =	ssyncset.done $0x0  }
0x228: {  	[sflag:s8] =	ssyncadd.s32 $0xFFFFFE00  }
0x229: {  	_ =	swait.ge [sflag:s8], $0x200  }
0x22a: {  	[sflag:s8] =	ssyncset.done $0x0  }
0x22b: {  	[sflag:s8] =	ssyncadd.s32 $0xFFFFFE00  }
0x22c: {  	_ =	swait.ge [sflag:s8], $0x200  }
0x22d: {  	[sflag:s8] =	ssyncset.done $0x0  }
0x22e: {  	[sflag:s8] =	ssyncadd.s32 $0xFFFFFE00  }
0x22f: {  	_ =	swait.ge [sflag:s8], $0x200  }
0x230: {  	[sflag:s8] =	ssyncset.done $0x0  }
0x231: {  	p0 =	sne.s32 s30, $0x1;
	[sflag:s8] =	ssyncadd.s32 $0xFFFFFE00  }
.Ltmp1:
0x232: {  	[bflag:$0x0] =	sbarrier.arrive $0xFFFF;
	(pc) =	sbr.rel @p0 .LBB2_1-.Ltmp1, $4  }
0x233: {  	s31 =	rddreg [dreg:$0x5]  }
0x234: {  	[hbm:s31], [sflag:s28] =	dma.local [spmem:s29], $0x50  }
0x235: {  	_ =	swait.ge [sflag:s4], $0x50  }
0x236: {  	s30 =	sadd.s32 $0xFFFFFFFF, s30;
	[sflag:s4] =	ssyncset.done $0x0  }
.LBB2_2:
0x237: {  	[sflag:s4] =	ssyncadd.s32 $0xFFFFFFB0  }
0x238: {  	_ =	sfence.sel $0x180000  }
0x239: {  	[bflag:$0x0] =	sbarrier.arrive $0xFFFF  }
0x23a: {  	_ =	strace $0x90000047  }
0x23b: {  	[bflag:$0x2] =	sbarrier.arrive $0xFFFF  }
0x23c: {  	p0 =	sne.s32 s3, $0x0;
	s0 =	rddreg [dreg:$0x3]  }
0x23d: {  	s0 =	sadd.s32 @!p0 $0x100000, s0  }
0x23e: {  	[sflag:s0] =	ssyncadd.tile.s32 @!p0 $0x1;
	_ =	shalt  }
.Lfunc_end2:
_tile_overlayer_lowered:
.L_overlay_start_2:
0x23f: {  	(tag) =	ssettag $0x2  }
0x240: {  	s0 =	rddreg [dreg:$0x0];
	s2 =	stileid.u32  }
0x241: {  	s1 =	rddreg [dreg:$0x1];
	p0 =	sne.s32 s2, $0x0  }
0x242: {  	s3 =	rddreg [dreg:$0x2];
	[bflag:$0x3] =	sbarrier.arrive $0xFFFF;
	s2 =	simm.s32 @!p0 $0x1C02  }
0x243: {  	[timem:s3], [sflag:s2] =	dma.local @!p0 [hbm:s0], s1  }
0x244: {  	s0 =	simm.s32 @!p0 $0x2  }
0x245: {  	_ =	swait.ge @!p0 [sflag:s0], s1  }
0x246: {  	s1 =	ssub.s32 @!p0 $0x0, s1;
	[sflag:s0] =	ssyncset.done @!p0 $0x0  }
0x247: {  	[sflag:s0] =	ssyncadd.s32 @!p0 s1  }
0x248: {  	[bflag:$0x3] =	sbarrier.arrive $0xFFFF  }
0x249: {  	_ =	shalt  }

</sc_bundles>
